<compile_context>
chip_gen: v7x
topology: tpu7x:2x2x1
jax: 0.10.2.dev20260603
libtpu: 0.0.44.dev20260713+nightly
codegen_flags: <defaults>
</compile_context>

<pallas_src>
import functools

import jax
import jax.numpy as jnp
from jax import lax
from jax.experimental import pallas as pl
from jax.experimental.pallas import tpu as pltpu
from jax.experimental.pallas import tpu_sc as plsc

N = 10000
D = 128
E = 320000
NC = 2
NS = 16
NW = NC * NS
B = 128
NBATCH = 80
EPAD = NW * NBATCH * B
NROWS = EPAD // B
NACC = 10112
ZROWS = NACC // NS
ZCH = (128, 128, 128, 128, 120)
DEGW = 16
SK = 1

_mesh = plsc.VectorSubcoreMesh(
    core_axis_name="c", subcore_axis_name="s", num_cores=NC, num_subcores=NS
)


@functools.partial(
    pl.kernel,
    out_type=jax.ShapeDtypeStruct((NC, NACC, DEGW), jnp.float32),
    mesh=_mesh,
    scratch_types=[
        pltpu.VMEM((B,), jnp.int32),
        pltpu.VMEM((B,), jnp.int32),
        pltpu.VMEM((B, DEGW), jnp.float32),
        pltpu.VMEM_SHARED((NACC, DEGW), jnp.float32),
        pltpu.SemaphoreType.DMA,
        pltpu.SemaphoreType.DMA,
        pltpu.SemaphoreType.DMA,
        pltpu.SemaphoreType.DMA,
    ],
)
def _deg_kernel(dst_hbm, out_hbm, didxb0, didxb1, ones, acc, is0, is1, ss0, ss1):
    c = lax.axis_index("c")
    s = lax.axis_index("s")
    w = s * NC + c

    def fill(val):
        def body(j, _):
            ones[j, :] = jnp.full((DEGW,), val, jnp.float32)
            return 0
        lax.fori_loop(0, B, body, 0)

    fill(0.0)
    off = 0
    for cs in ZCH:
        base = pl.multiple_of(s * ZROWS + off, 8)
        pltpu.sync_copy(ones.at[pl.ds(0, cs)], acc.at[pl.ds(base, cs)])
        off += cs
    fill(1.0)
    plsc.subcore_barrier()

    dbufs = (didxb0, didxb1)
    isems = (is0, is1)
    ssems = (ss0, ss1)
    KB = 2
    NIT = NBATCH // KB
    base_off = w * NBATCH * B

    for p in range(KB):
        pltpu.async_copy(
            dst_hbm.at[pl.ds(pl.multiple_of(base_off + p * B, B), B)],
            dbufs[p], isems[p],
        )

    def body(j, _):
        for p in range(KB):
            pltpu.make_async_copy(dst_hbm.at[pl.ds(0, B)], dbufs[p], isems[p]).wait()
            pltpu.async_copy(ones, acc.at[dbufs[p]], ssems[p], add=True)
        for p in range(KB):
            pltpu.make_async_copy(ones, acc.at[dbufs[p]], ssems[p]).wait()

        @pl.when(j < NIT - 1)
        def _():
            for p in range(KB):
                boff = pl.multiple_of(base_off + ((j + 1) * KB + p) * B, B)
                pltpu.async_copy(dst_hbm.at[pl.ds(boff, B)], dbufs[p], isems[p])

        return 0

    lax.fori_loop(0, NIT, body, 0)
    plsc.subcore_barrier()
    off = 0
    for cs in ZCH:
        base = pl.multiple_of(s * ZROWS + off, 8)
        pltpu.sync_copy(acc.at[pl.ds(base, cs)], ones.at[pl.ds(0, cs)])
        pltpu.sync_copy(ones.at[pl.ds(0, cs)], out_hbm.at[c, pl.ds(base, cs)])
        off += cs


@functools.partial(
    pl.kernel,
    out_type=jax.ShapeDtypeStruct((NC, NACC, D), jnp.float32),
    mesh=_mesh,
    scratch_types=[
        pltpu.VMEM((SK * B, D), jnp.float32),
        pltpu.VMEM((SK * B,), jnp.int32),
        pltpu.VMEM((SK * B,), jnp.int32),
        pltpu.VMEM_SHARED((NACC, D), jnp.float32),
        pltpu.SemaphoreType.DMA,
    ],
)
def _agg_kernel(hp_hbm, src_hbm, dst_hbm, out_hbm, buf, sidx, didx, acc, gsem):
    c = lax.axis_index("c")
    s = lax.axis_index("s")
    w = s * NC + c

    def zero(i, _):
        for j in range(D // 16):
            buf[i, pl.ds(j * 16, 16)] = jnp.zeros((16,), jnp.float32)
        return 0

    lax.fori_loop(0, B, zero, 0)
    off = 0
    for cs in ZCH:
        base = pl.multiple_of(s * ZROWS + off, 8)
        pltpu.sync_copy(buf.at[pl.ds(0, cs)], acc.at[pl.ds(base, cs)])
        off += cs
    plsc.subcore_barrier()

    NIT = NBATCH // SK

    def body(j, _):
        boff = pl.multiple_of((w * NIT + j) * SK * B, SK * B)
        pltpu.sync_copy(src_hbm.at[pl.ds(boff, SK * B)], sidx)
        pltpu.sync_copy(dst_hbm.at[pl.ds(boff, SK * B)], didx)
        pltpu.async_copy(hp_hbm.at[sidx], buf, gsem).wait()
        pltpu.sync_copy(buf, acc.at[didx], add=True)
        return 0

    lax.fori_loop(0, NIT, body, 0)
    plsc.subcore_barrier()
    off = 0
    for cs in ZCH:
        base = pl.multiple_of(s * ZROWS + off, 8)
        pltpu.sync_copy(acc.at[pl.ds(base, cs)], buf.at[pl.ds(0, cs)])
        pltpu.sync_copy(buf.at[pl.ds(0, cs)], out_hbm.at[c, pl.ds(base, cs)])
        off += cs


_RB = 1000


def _tc1_body(x_ref, w_ref, deg_ref, hp_ref, dinv_ref):
    deg = deg_ref[0] + deg_ref[1] + 1.0
    dinv = lax.rsqrt(deg)
    dinv_ref[...] = dinv
    scale = dinv[:, 0:1]
    hp_ref[...] = (
        jnp.dot(x_ref[...], w_ref[...], preferred_element_type=jnp.float32)
        * scale
    )


def _tc2_body(agg_ref, hp_ref, dinv_ref, b_ref, w_ref, out_ref):
    ssum = agg_ref[0] + agg_ref[1] + hp_ref[...]
    scale = dinv_ref[...][:, 0:1]
    h1 = jnp.maximum(ssum * scale + b_ref[...], 0.0)
    out_ref[...] = (
        jnp.dot(h1, w_ref[...], preferred_element_type=jnp.float32) * scale
    )


def _tc3_body(agg_ref, hp_ref, dinv_ref, b_ref, out_ref):
    ssum = agg_ref[0] + agg_ref[1] + hp_ref[...]
    scale = dinv_ref[...][:, 0:1]
    out_ref[...] = jnp.maximum(ssum * scale + b_ref[...], 0.0)


_tc1 = pl.pallas_call(
    _tc1_body,
    grid=(N // _RB,),
    in_specs=[
        pl.BlockSpec((_RB, D), lambda i: (i, 0)),
        pl.BlockSpec((D, D), lambda i: (0, 0)),
        pl.BlockSpec((NC, _RB, DEGW), lambda i: (0, i, 0)),
    ],
    out_specs=[
        pl.BlockSpec((_RB, D), lambda i: (i, 0)),
        pl.BlockSpec((_RB, DEGW), lambda i: (i, 0)),
    ],
    out_shape=[
        jax.ShapeDtypeStruct((N, D), jnp.float32),
        jax.ShapeDtypeStruct((N, DEGW), jnp.float32),
    ],
)

_tc2 = pl.pallas_call(
    _tc2_body,
    grid=(N // _RB,),
    in_specs=[
        pl.BlockSpec((NC, _RB, D), lambda i: (0, i, 0)),
        pl.BlockSpec((_RB, D), lambda i: (i, 0)),
        pl.BlockSpec((_RB, DEGW), lambda i: (i, 0)),
        pl.BlockSpec((1, D), lambda i: (0, 0)),
        pl.BlockSpec((D, D), lambda i: (0, 0)),
    ],
    out_specs=pl.BlockSpec((_RB, D), lambda i: (i, 0)),
    out_shape=jax.ShapeDtypeStruct((N, D), jnp.float32),
)

_tc3 = pl.pallas_call(
    _tc3_body,
    grid=(N // _RB,),
    in_specs=[
        pl.BlockSpec((NC, _RB, D), lambda i: (0, i, 0)),
        pl.BlockSpec((_RB, D), lambda i: (i, 0)),
        pl.BlockSpec((_RB, DEGW), lambda i: (i, 0)),
        pl.BlockSpec((1, D), lambda i: (0, 0)),
    ],
    out_specs=pl.BlockSpec((_RB, D), lambda i: (i, 0)),
    out_shape=jax.ShapeDtypeStruct((N, D), jnp.float32),
)


@jax.jit
def kernel(x, edge_index, W1, b1, W2, b2):
    src = edge_index[0].astype(jnp.int32)
    dst = edge_index[1].astype(jnp.int32)
    pad = EPAD - E
    src_p = jnp.concatenate([src, jnp.zeros((pad,), jnp.int32)])
    dst_p = jnp.concatenate([dst, jnp.full((pad,), N, jnp.int32)])

    degp = _deg_kernel(dst_p)
    hp1, dinv16 = _tc1(x, W1, degp)
    agg1 = _agg_kernel(hp1, src_p, dst_p)
    h2p = _tc2(agg1, hp1, dinv16, b1.reshape(1, D), W2)
    agg2 = _agg_kernel(h2p, src_p, dst_p)
    return _tc3(agg2, h2p, dinv16, b2.reshape(1, D))

# --- scband reference (transcript-rebuilt; emitter-appended) ---
"""Pipeline reference for scband-gcn-45586782880364 (READ-ONLY COPY).

The authoritative reference and input builder live on the scoring server;
editing this copy changes nothing except your own understanding.
"""

import jax, jax.numpy as jnp
import numpy as np

N_NODES = 10000
D_IN = 128
D_HID = 128
D_OUT = 128


def gcn_conv(x, src, dst, W, b, num_nodes):
    # PyG GCNConv: add self-loops, symmetric normalization D^-1/2 A D^-1/2
    loop = jnp.arange(num_nodes, dtype=src.dtype)
    src = jnp.concatenate([src, loop])
    dst = jnp.concatenate([dst, loop])
    deg = jnp.zeros((num_nodes,), dtype=x.dtype).at[dst].add(1.0)
    deg_inv_sqrt = jnp.where(deg > 0, deg ** -0.5, 0.0)
    norm = deg_inv_sqrt[src] * deg_inv_sqrt[dst]
    h = x @ W
    msgs = jnp.take(h, src, axis=0) * norm[:, None]
    out = jnp.zeros((num_nodes, h.shape[1]), dtype=x.dtype).at[dst].add(msgs)
    return out + b


def setup_inputs(seed: int = 0) -> dict:
    key = jax.random.key(seed)
    k1, k2, k3, k4 = jax.random.split(key, 4)
    x = jax.random.normal(k1, (N_NODES, D_IN), dtype=jnp.float32)
    edge_index = jax.random.randint(k2, (2, 320000), 0, N_NODES, dtype=jnp.int64 if jax.config.jax_enable_x64 else jnp.int32)
    s1 = (1.0 / np.sqrt(D_IN)).astype(np.float32) if isinstance(np.sqrt(D_IN), np.ndarray) else np.float32(1.0 / np.sqrt(D_IN))
    s2 = np.float32(1.0 / np.sqrt(D_HID))
    W1 = jax.random.uniform(k3, (D_IN, D_HID), dtype=jnp.float32, minval=-s1, maxval=s1)
    b1 = jnp.zeros((D_HID,), dtype=jnp.float32)
    W2 = jax.random.uniform(k4, (D_HID, D_OUT), dtype=jnp.float32, minval=-s2, maxval=s2)
    b2 = jnp.zeros((D_OUT,), dtype=jnp.float32)
    return {"x": x, "edge_index": edge_index, "W1": W1, "b1": b1, "W2": W2, "b2": b2}


def reference(x, edge_index, W1, b1, W2, b2):
    src, dst = edge_index[0], edge_index[1]
    # layer 0: GCNLayer = conv + relu, then GCN adds an extra relu (idempotent)
    h = gcn_conv(x, src, dst, W1, b1, N_NODES)
    h = jax.nn.relu(h)
    h = jax.nn.relu(h)
    # layer 1 (last): GCNLayer = conv + relu
    h = gcn_conv(h, src, dst, W2, b2, N_NODES)
    h = jax.nn.relu(h)
    return h

if __name__ == "__main__":
    import jax
    _d = setup_inputs()
    print(jax.jit(kernel)(*tuple(_d.values())))

</pallas_src>

<mosaic_0001>
#map = affine_map<(d0, d1) -> (0, 0)>
#map1 = affine_map<(d0, d1) -> (0)>
#map2 = affine_map<(d0, d1) -> (0, 0, 0)>
module attributes {stable_mosaic.version = 14 : i64} {
  func.func @_agg_kernel(%arg0: i32, %arg1: i32, %arg2: memref<10000x128xf32, #tpu.memory_space<hbm>>, %arg3: memref<327680xi32, #tpu.memory_space<hbm>>, %arg4: memref<327680xi32, #tpu.memory_space<hbm>>, %arg5: memref<2x10112x128xf32, #tpu.memory_space<hbm>>, %arg6: memref<128x128xf32, #tpu.memory_space<vmem>>, %arg7: memref<128xi32, #tpu.memory_space<vmem>>, %arg8: memref<128xi32, #tpu.memory_space<vmem>>, %arg9: memref<10112x128xf32, #tpu.memory_space<vmem_shared>>, %arg10: memref<!tpu.dma_semaphore, #tpu.memory_space<semaphore_mem>>) attributes {dimension_semantics = [#tpu.dimension_semantics<core_parallel>, #tpu.dimension_semantics<subcore_parallel>], iteration_bounds = array<i64: 2, 16>, scalar_prefetch = 0 : i64, scratch_operands = 5 : i64, tpu.core_type = #tpu.core_type<sc_vector_subcore>, window_params = [{transform_indices = #map}, {transform_indices = #map1}, {transform_indices = #map1}, {transform_indices = #map2}]} {
    %mul3A = arith.constant 2 : i32
    %mul3A_0 = arith.muli %arg1, %mul3A : i32
    %add3A = arith.addi %mul3A_0, %arg0 : i32
    %scan3A = arith.constant 0 : i32
    %scan3A_1 = arith.constant 0 : i32
    %scan3A_2 = arith.constant 128 : i32
    %scan3A_3 = arith.addi %scan3A_1, %scan3A_2 : i32
    %scan3A_4 = arith.constant 1 : i32
    %scan3A_5 = scf.for %scan3A_64 = %scan3A_1 to %scan3A_3 step %scan3A_4 iter_args(%scan3A_65 = %scan3A) -> (i32)  : i32 {
      %broadcast_in_dim3A = arith.constant 0.000000e+00 : f32
      %broadcast_in_dim3A_66 = vector.broadcast %broadcast_in_dim3A : f32 to vector<16xf32>
      %swap3A = arith.index_cast %scan3A_64 : i32 to index
      %swap3A_67 = arith.constant 0 : index
      %swap3A_68 = tpu.vector_load %arg6[%swap3A, %swap3A_67] {strides = array<i32>} : memref<128x128xf32, #tpu.memory_space<vmem>>, vector<1x16xf32>,
      %swap3A_69 = vector.shape_cast %swap3A_68 : vector<1x16xf32> to vector<16xf32>
      %swap3A_70 = vector.shape_cast %broadcast_in_dim3A_66 : vector<16xf32> to vector<1x16xf32>
      tpu.vector_store %arg6[%swap3A, %swap3A_67], %swap3A_70 {strides = array<i32>} : memref<128x128xf32, #tpu.memory_space<vmem>>, vector<1x16xf32>,
      %broadcast_in_dim3A_71 = arith.constant 0.000000e+00 : f32
      %broadcast_in_dim3A_72 = vector.broadcast %broadcast_in_dim3A_71 : f32 to vector<16xf32>
      %swap3A_73 = arith.index_cast %scan3A_64 : i32 to index
      %swap3A_74 = arith.constant 16 : index
      %swap3A_75 = tpu.vector_load %arg6[%swap3A_73, %swap3A_74] {strides = array<i32>} : memref<128x128xf32, #tpu.memory_space<vmem>>, vector<1x16xf32>,
      %swap3A_76 = vector.shape_cast %swap3A_75 : vector<1x16xf32> to vector<16xf32>
      %swap3A_77 = vector.shape_cast %broadcast_in_dim3A_72 : vector<16xf32> to vector<1x16xf32>
      tpu.vector_store %arg6[%swap3A_73, %swap3A_74], %swap3A_77 {strides = array<i32>} : memref<128x128xf32, #tpu.memory_space<vmem>>, vector<1x16xf32>,
      %broadcast_in_dim3A_78 = arith.constant 0.000000e+00 : f32
      %broadcast_in_dim3A_79 = vector.broadcast %broadcast_in_dim3A_78 : f32 to vector<16xf32>
      %swap3A_80 = arith.index_cast %scan3A_64 : i32 to index
      %swap3A_81 = arith.constant 32 : index
      %swap3A_82 = tpu.vector_load %arg6[%swap3A_80, %swap3A_81] {strides = array<i32>} : memref<128x128xf32, #tpu.memory_space<vmem>>, vector<1x16xf32>,
      %swap3A_83 = vector.shape_cast %swap3A_82 : vector<1x16xf32> to vector<16xf32>
      %swap3A_84 = vector.shape_cast %broadcast_in_dim3A_79 : vector<16xf32> to vector<1x16xf32>
      tpu.vector_store %arg6[%swap3A_80, %swap3A_81], %swap3A_84 {strides = array<i32>} : memref<128x128xf32, #tpu.memory_space<vmem>>, vector<1x16xf32>,
      %broadcast_in_dim3A_85 = arith.constant 0.000000e+00 : f32
      %broadcast_in_dim3A_86 = vector.broadcast %broadcast_in_dim3A_85 : f32 to vector<16xf32>
      %swap3A_87 = arith.index_cast %scan3A_64 : i32 to index
      %swap3A_88 = arith.constant 48 : index
      %swap3A_89 = tpu.vector_load %arg6[%swap3A_87, %swap3A_88] {strides = array<i32>} : memref<128x128xf32, #tpu.memory_space<vmem>>, vector<1x16xf32>,
      %swap3A_90 = vector.shape_cast %swap3A_89 : vector<1x16xf32> to vector<16xf32>
      %swap3A_91 = vector.shape_cast %broadcast_in_dim3A_86 : vector<16xf32> to vector<1x16xf32>
      tpu.vector_store %arg6[%swap3A_87, %swap3A_88], %swap3A_91 {strides = array<i32>} : memref<128x128xf32, #tpu.memory_space<vmem>>, vector<1x16xf32>,
      %broadcast_in_dim3A_92 = arith.constant 0.000000e+00 : f32
      %broadcast_in_dim3A_93 = vector.broadcast %broadcast_in_dim3A_92 : f32 to vector<16xf32>
      %swap3A_94 = arith.index_cast %scan3A_64 : i32 to index
      %swap3A_95 = arith.constant 64 : index
      %swap3A_96 = tpu.vector_load %arg6[%swap3A_94, %swap3A_95] {strides = array<i32>} : memref<128x128xf32, #tpu.memory_space<vmem>>, vector<1x16xf32>,
      %swap3A_97 = vector.shape_cast %swap3A_96 : vector<1x16xf32> to vector<16xf32>
      %swap3A_98 = vector.shape_cast %broadcast_in_dim3A_93 : vector<16xf32> to vector<1x16xf32>
      tpu.vector_store %arg6[%swap3A_94, %swap3A_95], %swap3A_98 {strides = array<i32>} : memref<128x128xf32, #tpu.memory_space<vmem>>, vector<1x16xf32>,
      %broadcast_in_dim3A_99 = arith.constant 0.000000e+00 : f32
      %broadcast_in_dim3A_100 = vector.broadcast %broadcast_in_dim3A_99 : f32 to vector<16xf32>
      %swap3A_101 = arith.index_cast %scan3A_64 : i32 to index
      %swap3A_102 = arith.constant 80 : index
      %swap3A_103 = tpu.vector_load %arg6[%swap3A_101, %swap3A_102] {strides = array<i32>} : memref<128x128xf32, #tpu.memory_space<vmem>>, vector<1x16xf32>,
      %swap3A_104 = vector.shape_cast %swap3A_103 : vector<1x16xf32> to vector<16xf32>
      %swap3A_105 = vector.shape_cast %broadcast_in_dim3A_100 : vector<16xf32> to vector<1x16xf32>
      tpu.vector_store %arg6[%swap3A_101, %swap3A_102], %swap3A_105 {strides = array<i32>} : memref<128x128xf32, #tpu.memory_space<vmem>>, vector<1x16xf32>,
      %broadcast_in_dim3A_106 = arith.constant 0.000000e+00 : f32
      %broadcast_in_dim3A_107 = vector.broadcast %broadcast_in_dim3A_106 : f32 to vector<16xf32>
      %swap3A_108 = arith.index_cast %scan3A_64 : i32 to index
      %swap3A_109 = arith.constant 96 : index
      %swap3A_110 = tpu.vector_load %arg6[%swap3A_108, %swap3A_109] {strides = array<i32>} : memref<128x128xf32, #tpu.memory_space<vmem>>, vector<1x16xf32>,
      %swap3A_111 = vector.shape_cast %swap3A_110 : vector<1x16xf32> to vector<16xf32>
      %swap3A_112 = vector.shape_cast %broadcast_in_dim3A_107 : vector<16xf32> to vector<1x16xf32>
      tpu.vector_store %arg6[%swap3A_108, %swap3A_109], %swap3A_112 {strides = array<i32>} : memref<128x128xf32, #tpu.memory_space<vmem>>, vector<1x16xf32>,
      %broadcast_in_dim3A_113 = arith.constant 0.000000e+00 : f32
      %broadcast_in_dim3A_114 = vector.broadcast %broadcast_in_dim3A_113 : f32 to vector<16xf32>
      %swap3A_115 = arith.index_cast %scan3A_64 : i32 to index
      %swap3A_116 = arith.constant 112 : index
      %swap3A_117 = tpu.vector_load %arg6[%swap3A_115, %swap3A_116] {strides = array<i32>} : memref<128x128xf32, #tpu.memory_space<vmem>>, vector<1x16xf32>,
      %swap3A_118 = vector.shape_cast %swap3A_117 : vector<1x16xf32> to vector<16xf32>
      %swap3A_119 = vector.shape_cast %broadcast_in_dim3A_114 : vector<16xf32> to vector<1x16xf32>
      tpu.vector_store %arg6[%swap3A_115, %swap3A_116], %swap3A_119 {strides = array<i32>} : memref<128x128xf32, #tpu.memory_space<vmem>>, vector<1x16xf32>,
      %scan3A_120 = arith.constant 0 : i32
      scf.yield %scan3A_120 : i32
    }
    %scan3A_6 = arith.constant 128 : i32
    %mul3A_7 = arith.constant 632 : i32
    %mul3A_8 = arith.muli %arg1, %mul3A_7 : i32
    %add3A_9 = arith.constant 0 : i32
    %add3A_10 = arith.addi %mul3A_8, %add3A_9 : i32
    %multiple_of3A = tpu.assume_multiple %add3A_10, 8 : i32
    "tpu.region"() ({
      %run_scoped3A = tpu.sem_alloc : memref<!tpu.dma_semaphore, #tpu.memory_space<semaphore_mem>>
      %dma_start3A = arith.constant 0 : i32
      %dma_start3A_64 = arith.constant 0 : i32
      %dma_start3A_65 = tpu.memref_slice %arg6[%dma_start3A, %dma_start3A_64] : memref<128x128xf32, #tpu.memory_space<vmem>> -> memref<128x128xf32, #tpu.memory_space<vmem>>
      %dma_start3A_66 = arith.constant 0 : i32
      %dma_start3A_67 = tpu.memref_slice %arg9[%multiple_of3A, %dma_start3A_66] : memref<10112x128xf32, #tpu.memory_space<vmem_shared>> -> memref<128x128xf32, #tpu.memory_space<vmem_shared>>
      %dma_start3A_68 = arith.constant 0 : i32
      %dma_start3A_69 = tpu.memref_slice %arg9[%multiple_of3A, %dma_start3A_68] : memref<10112x128xf32, #tpu.memory_space<vmem_shared>> -> memref<128x128xf32, #tpu.memory_space<vmem_shared>>
      %dma_start3A_70 = arith.constant 0 : i32
      %dma_start3A_71 = arith.constant 0 : i32
      %dma_start3A_72 = tpu.memref_slice %arg6[%dma_start3A_70, %dma_start3A_71] : memref<128x128xf32, #tpu.memory_space<vmem>> -> memref<128x128xf32, #tpu.memory_space<vmem>>
      tpu.enqueue_dma source(%dma_start3A_72 : memref<128x128xf32, #tpu.memory_space<vmem>>) target(%dma_start3A_69 : memref<128x128xf32, #tpu.memory_space<vmem_shared>>) target_semaphore(%run_scoped3A : memref<!tpu.dma_semaphore, #tpu.memory_space<semaphore_mem>>)
      %dma_wait3A = arith.constant 0 : i32
      %dma_wait3A_73 = arith.constant 0 : i32
      %dma_wait3A_74 = tpu.memref_slice %arg6[%dma_wait3A, %dma_wait3A_73] : memref<128x128xf32, #tpu.memory_space<vmem>> -> memref<128x128xf32, #tpu.memory_space<vmem>>
      %dma_wait3A_75 = arith.constant 0 : i32
      %dma_wait3A_76 = tpu.memref_slice %arg9[%multiple_of3A, %dma_wait3A_75] : memref<10112x128xf32, #tpu.memory_space<vmem_shared>> -> memref<128x128xf32, #tpu.memory_space<vmem_shared>>
      %dma_wait3A_77 = arith.constant 0 : i32
      %dma_wait3A_78 = tpu.memref_slice %arg9[%multiple_of3A, %dma_wait3A_77] : memref<10112x128xf32, #tpu.memory_space<vmem_shared>> -> memref<128x128xf32, #tpu.memory_space<vmem_shared>>
      %dma_wait3A_79 = arith.constant 0 : i32
      %dma_wait3A_80 = arith.constant 0 : i32
      %dma_wait3A_81 = tpu.memref_slice %arg6[%dma_wait3A_79, %dma_wait3A_80] : memref<128x128xf32, #tpu.memory_space<vmem>> -> memref<128x128xf32, #tpu.memory_space<vmem>>
      tpu.wait_dma2 semaphore(%run_scoped3A : memref<!tpu.dma_semaphore, #tpu.memory_space<semaphore_mem>>) src(%dma_wait3A_81 : memref<128x128xf32, #tpu.memory_space<vmem>>) dst(%dma_wait3A_78 : memref<128x128xf32, #tpu.memory_space<vmem_shared>>)
      tpu.yield
    }) : () -> ()
    %mul3A_11 = arith.constant 632 : i32
    %mul3A_12 = arith.muli %arg1, %mul3A_11 : i32
    %add3A_13 = arith.constant 128 : i32
    %add3A_14 = arith.addi %mul3A_12, %add3A_13 : i32
    %multiple_of3A_15 = tpu.assume_multiple %add3A_14, 8 : i32
    "tpu.region"() ({
      %run_scoped3A = tpu.sem_alloc : memref<!tpu.dma_semaphore, #tpu.memory_space<semaphore_mem>>
      %dma_start3A = arith.constant 0 : i32
      %dma_start3A_64 = arith.constant 0 : i32
      %dma_start3A_65 = tpu.memref_slice %arg6[%dma_start3A, %dma_start3A_64] : memref<128x128xf32, #tpu.memory_space<vmem>> -> memref<128x128xf32, #tpu.memory_space<vmem>>
      %dma_start3A_66 = arith.constant 0 : i32
      %dma_start3A_67 = tpu.memref_slice %arg9[%multiple_of3A_15, %dma_start3A_66] : memref<10112x128xf32, #tpu.memory_space<vmem_shared>> -> memref<128x128xf32, #tpu.memory_space<vmem_shared>>
      %dma_start3A_68 = arith.constant 0 : i32
      %dma_start3A_69 = tpu.memref_slice %arg9[%multiple_of3A_15, %dma_start3A_68] : memref<10112x128xf32, #tpu.memory_space<vmem_shared>> -> memref<128x128xf32, #tpu.memory_space<vmem_shared>>
      %dma_start3A_70 = arith.constant 0 : i32
      %dma_start3A_71 = arith.constant 0 : i32
      %dma_start3A_72 = tpu.memref_slice %arg6[%dma_start3A_70, %dma_start3A_71] : memref<128x128xf32, #tpu.memory_space<vmem>> -> memref<128x128xf32, #tpu.memory_space<vmem>>
      tpu.enqueue_dma source(%dma_start3A_72 : memref<128x128xf32, #tpu.memory_space<vmem>>) target(%dma_start3A_69 : memref<128x128xf32, #tpu.memory_space<vmem_shared>>) target_semaphore(%run_scoped3A : memref<!tpu.dma_semaphore, #tpu.memory_space<semaphore_mem>>)
      %dma_wait3A = arith.constant 0 : i32
      %dma_wait3A_73 = arith.constant 0 : i32
      %dma_wait3A_74 = tpu.memref_slice %arg6[%dma_wait3A, %dma_wait3A_73] : memref<128x128xf32, #tpu.memory_space<vmem>> -> memref<128x128xf32, #tpu.memory_space<vmem>>
      %dma_wait3A_75 = arith.constant 0 : i32
      %dma_wait3A_76 = tpu.memref_slice %arg9[%multiple_of3A_15, %dma_wait3A_75] : memref<10112x128xf32, #tpu.memory_space<vmem_shared>> -> memref<128x128xf32, #tpu.memory_space<vmem_shared>>
      %dma_wait3A_77 = arith.constant 0 : i32
      %dma_wait3A_78 = tpu.memref_slice %arg9[%multiple_of3A_15, %dma_wait3A_77] : memref<10112x128xf32, #tpu.memory_space<vmem_shared>> -> memref<128x128xf32, #tpu.memory_space<vmem_shared>>
      %dma_wait3A_79 = arith.constant 0 : i32
      %dma_wait3A_80 = arith.constant 0 : i32
      %dma_wait3A_81 = tpu.memref_slice %arg6[%dma_wait3A_79, %dma_wait3A_80] : memref<128x128xf32, #tpu.memory_space<vmem>> -> memref<128x128xf32, #tpu.memory_space<vmem>>
      tpu.wait_dma2 semaphore(%run_scoped3A : memref<!tpu.dma_semaphore, #tpu.memory_space<semaphore_mem>>) src(%dma_wait3A_81 : memref<128x128xf32, #tpu.memory_space<vmem>>) dst(%dma_wait3A_78 : memref<128x128xf32, #tpu.memory_space<vmem_shared>>)
      tpu.yield
    }) : () -> ()
    %mul3A_16 = arith.constant 632 : i32
    %mul3A_17 = arith.muli %arg1, %mul3A_16 : i32
    %add3A_18 = arith.constant 256 : i32
    %add3A_19 = arith.addi %mul3A_17, %add3A_18 : i32
    %multiple_of3A_20 = tpu.assume_multiple %add3A_19, 8 : i32
    "tpu.region"() ({
      %run_scoped3A = tpu.sem_alloc : memref<!tpu.dma_semaphore, #tpu.memory_space<semaphore_mem>>
      %dma_start3A = arith.constant 0 : i32
      %dma_start3A_64 = arith.constant 0 : i32
      %dma_start3A_65 = tpu.memref_slice %arg6[%dma_start3A, %dma_start3A_64] : memref<128x128xf32, #tpu.memory_space<vmem>> -> memref<128x128xf32, #tpu.memory_space<vmem>>
      %dma_start3A_66 = arith.constant 0 : i32
      %dma_start3A_67 = tpu.memref_slice %arg9[%multiple_of3A_20, %dma_start3A_66] : memref<10112x128xf32, #tpu.memory_space<vmem_shared>> -> memref<128x128xf32, #tpu.memory_space<vmem_shared>>
      %dma_start3A_68 = arith.constant 0 : i32
      %dma_start3A_69 = tpu.memref_slice %arg9[%multiple_of3A_20, %dma_start3A_68] : memref<10112x128xf32, #tpu.memory_space<vmem_shared>> -> memref<128x128xf32, #tpu.memory_space<vmem_shared>>
      %dma_start3A_70 = arith.constant 0 : i32
      %dma_start3A_71 = arith.constant 0 : i32
      %dma_start3A_72 = tpu.memref_slice %arg6[%dma_start3A_70, %dma_start3A_71] : memref<128x128xf32, #tpu.memory_space<vmem>> -> memref<128x128xf32, #tpu.memory_space<vmem>>
      tpu.enqueue_dma source(%dma_start3A_72 : memref<128x128xf32, #tpu.memory_space<vmem>>) target(%dma_start3A_69 : memref<128x128xf32, #tpu.memory_space<vmem_shared>>) target_semaphore(%run_scoped3A : memref<!tpu.dma_semaphore, #tpu.memory_space<semaphore_mem>>)
      %dma_wait3A = arith.constant 0 : i32
      %dma_wait3A_73 = arith.constant 0 : i32
      %dma_wait3A_74 = tpu.memref_slice %arg6[%dma_wait3A, %dma_wait3A_73] : memref<128x128xf32, #tpu.memory_space<vmem>> -> memref<128x128xf32, #tpu.memory_space<vmem>>
      %dma_wait3A_75 = arith.constant 0 : i32
      %dma_wait3A_76 = tpu.memref_slice %arg9[%multiple_of3A_20, %dma_wait3A_75] : memref<10112x128xf32, #tpu.memory_space<vmem_shared>> -> memref<128x128xf32, #tpu.memory_space<vmem_shared>>
      %dma_wait3A_77 = arith.constant 0 : i32
      %dma_wait3A_78 = tpu.memref_slice %arg9[%multiple_of3A_20, %dma_wait3A_77] : memref<10112x128xf32, #tpu.memory_space<vmem_shared>> -> memref<128x128xf32, #tpu.memory_space<vmem_shared>>
      %dma_wait3A_79 = arith.constant 0 : i32
      %dma_wait3A_80 = arith.constant 0 : i32
      %dma_wait3A_81 = tpu.memref_slice %arg6[%dma_wait3A_79, %dma_wait3A_80] : memref<128x128xf32, #tpu.memory_space<vmem>> -> memref<128x128xf32, #tpu.memory_space<vmem>>
      tpu.wait_dma2 semaphore(%run_scoped3A : memref<!tpu.dma_semaphore, #tpu.memory_space<semaphore_mem>>) src(%dma_wait3A_81 : memref<128x128xf32, #tpu.memory_space<vmem>>) dst(%dma_wait3A_78 : memref<128x128xf32, #tpu.memory_space<vmem_shared>>)
      tpu.yield
    }) : () -> ()
    %mul3A_21 = arith.constant 632 : i32
    %mul3A_22 = arith.muli %arg1, %mul3A_21 : i32
    %add3A_23 = arith.constant 384 : i32
    %add3A_24 = arith.addi %mul3A_22, %add3A_23 : i32
    %multiple_of3A_25 = tpu.assume_multiple %add3A_24, 8 : i32
    "tpu.region"() ({
      %run_scoped3A = tpu.sem_alloc : memref<!tpu.dma_semaphore, #tpu.memory_space<semaphore_mem>>
      %dma_start3A = arith.constant 0 : i32
      %dma_start3A_64 = arith.constant 0 : i32
      %dma_start3A_65 = tpu.memref_slice %arg6[%dma_start3A, %dma_start3A_64] : memref<128x128xf32, #tpu.memory_space<vmem>> -> memref<128x128xf32, #tpu.memory_space<vmem>>
      %dma_start3A_66 = arith.constant 0 : i32
      %dma_start3A_67 = tpu.memref_slice %arg9[%multiple_of3A_25, %dma_start3A_66] : memref<10112x128xf32, #tpu.memory_space<vmem_shared>> -> memref<128x128xf32, #tpu.memory_space<vmem_shared>>
      %dma_start3A_68 = arith.constant 0 : i32
      %dma_start3A_69 = tpu.memref_slice %arg9[%multiple_of3A_25, %dma_start3A_68] : memref<10112x128xf32, #tpu.memory_space<vmem_shared>> -> memref<128x128xf32, #tpu.memory_space<vmem_shared>>
      %dma_start3A_70 = arith.constant 0 : i32
      %dma_start3A_71 = arith.constant 0 : i32
      %dma_start3A_72 = tpu.memref_slice %arg6[%dma_start3A_70, %dma_start3A_71] : memref<128x128xf32, #tpu.memory_space<vmem>> -> memref<128x128xf32, #tpu.memory_space<vmem>>
      tpu.enqueue_dma source(%dma_start3A_72 : memref<128x128xf32, #tpu.memory_space<vmem>>) target(%dma_start3A_69 : memref<128x128xf32, #tpu.memory_space<vmem_shared>>) target_semaphore(%run_scoped3A : memref<!tpu.dma_semaphore, #tpu.memory_space<semaphore_mem>>)
      %dma_wait3A = arith.constant 0 : i32
      %dma_wait3A_73 = arith.constant 0 : i32
      %dma_wait3A_74 = tpu.memref_slice %arg6[%dma_wait3A, %dma_wait3A_73] : memref<128x128xf32, #tpu.memory_space<vmem>> -> memref<128x128xf32, #tpu.memory_space<vmem>>
      %dma_wait3A_75 = arith.constant 0 : i32
      %dma_wait3A_76 = tpu.memref_slice %arg9[%multiple_of3A_25, %dma_wait3A_75] : memref<10112x128xf32, #tpu.memory_space<vmem_shared>> -> memref<128x128xf32, #tpu.memory_space<vmem_shared>>
      %dma_wait3A_77 = arith.constant 0 : i32
      %dma_wait3A_78 = tpu.memref_slice %arg9[%multiple_of3A_25, %dma_wait3A_77] : memref<10112x128xf32, #tpu.memory_space<vmem_shared>> -> memref<128x128xf32, #tpu.memory_space<vmem_shared>>
      %dma_wait3A_79 = arith.constant 0 : i32
      %dma_wait3A_80 = arith.constant 0 : i32
      %dma_wait3A_81 = tpu.memref_slice %arg6[%dma_wait3A_79, %dma_wait3A_80] : memref<128x128xf32, #tpu.memory_space<vmem>> -> memref<128x128xf32, #tpu.memory_space<vmem>>
      tpu.wait_dma2 semaphore(%run_scoped3A : memref<!tpu.dma_semaphore, #tpu.memory_space<semaphore_mem>>) src(%dma_wait3A_81 : memref<128x128xf32, #tpu.memory_space<vmem>>) dst(%dma_wait3A_78 : memref<128x128xf32, #tpu.memory_space<vmem_shared>>)
      tpu.yield
    }) : () -> ()
    %mul3A_26 = arith.constant 632 : i32
    %mul3A_27 = arith.muli %arg1, %mul3A_26 : i32
    %add3A_28 = arith.constant 512 : i32
    %add3A_29 = arith.addi %mul3A_27, %add3A_28 : i32
    %multiple_of3A_30 = tpu.assume_multiple %add3A_29, 8 : i32
    "tpu.region"() ({
      %run_scoped3A = tpu.sem_alloc : memref<!tpu.dma_semaphore, #tpu.memory_space<semaphore_mem>>
      %dma_start3A = arith.constant 0 : i32
      %dma_start3A_64 = arith.constant 0 : i32
      %dma_start3A_65 = tpu.memref_slice %arg6[%dma_start3A, %dma_start3A_64] : memref<128x128xf32, #tpu.memory_space<vmem>> -> memref<120x128xf32, #tpu.memory_space<vmem>>
      %dma_start3A_66 = arith.constant 0 : i32
      %dma_start3A_67 = tpu.memref_slice %arg9[%multiple_of3A_30, %dma_start3A_66] : memref<10112x128xf32, #tpu.memory_space<vmem_shared>> -> memref<120x128xf32, #tpu.memory_space<vmem_shared>>
      %dma_start3A_68 = arith.constant 0 : i32
      %dma_start3A_69 = tpu.memref_slice %arg9[%multiple_of3A_30, %dma_start3A_68] : memref<10112x128xf32, #tpu.memory_space<vmem_shared>> -> memref<120x128xf32, #tpu.memory_space<vmem_shared>>
      %dma_start3A_70 = arith.constant 0 : i32
      %dma_start3A_71 = arith.constant 0 : i32
      %dma_start3A_72 = tpu.memref_slice %arg6[%dma_start3A_70, %dma_start3A_71] : memref<128x128xf32, #tpu.memory_space<vmem>> -> memref<120x128xf32, #tpu.memory_space<vmem>>
      tpu.enqueue_dma source(%dma_start3A_72 : memref<120x128xf32, #tpu.memory_space<vmem>>) target(%dma_start3A_69 : memref<120x128xf32, #tpu.memory_space<vmem_shared>>) target_semaphore(%run_scoped3A : memref<!tpu.dma_semaphore, #tpu.memory_space<semaphore_mem>>)
      %dma_wait3A = arith.constant 0 : i32
      %dma_wait3A_73 = arith.constant 0 : i32
      %dma_wait3A_74 = tpu.memref_slice %arg6[%dma_wait3A, %dma_wait3A_73] : memref<128x128xf32, #tpu.memory_space<vmem>> -> memref<120x128xf32, #tpu.memory_space<vmem>>
      %dma_wait3A_75 = arith.constant 0 : i32
      %dma_wait3A_76 = tpu.memref_slice %arg9[%multiple_of3A_30, %dma_wait3A_75] : memref<10112x128xf32, #tpu.memory_space<vmem_shared>> -> memref<120x128xf32, #tpu.memory_space<vmem_shared>>
      %dma_wait3A_77 = arith.constant 0 : i32
      %dma_wait3A_78 = tpu.memref_slice %arg9[%multiple_of3A_30, %dma_wait3A_77] : memref<10112x128xf32, #tpu.memory_space<vmem_shared>> -> memref<120x128xf32, #tpu.memory_space<vmem_shared>>
      %dma_wait3A_79 = arith.constant 0 : i32
      %dma_wait3A_80 = arith.constant 0 : i32
      %dma_wait3A_81 = tpu.memref_slice %arg6[%dma_wait3A_79, %dma_wait3A_80] : memref<128x128xf32, #tpu.memory_space<vmem>> -> memref<120x128xf32, #tpu.memory_space<vmem>>
      tpu.wait_dma2 semaphore(%run_scoped3A : memref<!tpu.dma_semaphore, #tpu.memory_space<semaphore_mem>>) src(%dma_wait3A_81 : memref<120x128xf32, #tpu.memory_space<vmem>>) dst(%dma_wait3A_78 : memref<120x128xf32, #tpu.memory_space<vmem_shared>>)
      tpu.yield
    }) : () -> ()
    %barrier3A = arith.constant 0 : index
    tpu.barrier barrier_id(%barrier3A)
    %scan3A_31 = arith.constant 0 : i32
    %scan3A_32 = arith.constant 0 : i32
    %scan3A_33 = arith.constant 80 : i32
    %scan3A_34 = arith.addi %scan3A_32, %scan3A_33 : i32
    %scan3A_35 = arith.constant 1 : i32
    %scan3A_36 = scf.for %scan3A_64 = %scan3A_32 to %scan3A_34 step %scan3A_35 iter_args(%scan3A_65 = %scan3A_31) -> (i32)  : i32 {
      %mul3A_66 = arith.constant 80 : i32
      %mul3A_67 = arith.muli %add3A, %mul3A_66 : i32
      %add3A_68 = arith.addi %mul3A_67, %scan3A_64 : i32
      %mul3A_69 = arith.constant 1 : i32
      %mul3A_70 = arith.muli %add3A_68, %mul3A_69 : i32
      %mul3A_71 = arith.constant 128 : i32
      %mul3A_72 = arith.muli %mul3A_70, %mul3A_71 : i32
      %multiple_of3A_73 = tpu.assume_multiple %mul3A_72, 128 : i32
      "tpu.region"() ({
        %run_scoped3A = tpu.sem_alloc : memref<!tpu.dma_semaphore, #tpu.memory_space<semaphore_mem>>
        %dma_start3A_79 = tpu.memref_slice %arg3[%multiple_of3A_73] : memref<327680xi32, #tpu.memory_space<hbm>> -> memref<128xi32, #tpu.memory_space<hbm>>
        %dma_start3A_80 = tpu.memref_slice %arg3[%multiple_of3A_73] : memref<327680xi32, #tpu.memory_space<hbm>> -> memref<128xi32, #tpu.memory_space<hbm>>
        tpu.enqueue_dma source(%dma_start3A_80 : memref<128xi32, #tpu.memory_space<hbm>>) target(%arg7 : memref<128xi32, #tpu.memory_space<vmem>>) target_semaphore(%run_scoped3A : memref<!tpu.dma_semaphore, #tpu.memory_space<semaphore_mem>>)
        %dma_wait3A_81 = tpu.memref_slice %arg3[%multiple_of3A_73] : memref<327680xi32, #tpu.memory_space<hbm>> -> memref<128xi32, #tpu.memory_space<hbm>>
        %dma_wait3A_82 = tpu.memref_slice %arg3[%multiple_of3A_73] : memref<327680xi32, #tpu.memory_space<hbm>> -> memref<128xi32, #tpu.memory_space<hbm>>
        tpu.wait_dma2 semaphore(%run_scoped3A : memref<!tpu.dma_semaphore, #tpu.memory_space<semaphore_mem>>) src(%dma_wait3A_82 : memref<128xi32, #tpu.memory_space<hbm>>) dst(%arg7 : memref<128xi32, #tpu.memory_space<vmem>>)
        tpu.yield
      }) : () -> ()
      "tpu.region"() ({
        %run_scoped3A = tpu.sem_alloc : memref<!tpu.dma_semaphore, #tpu.memory_space<semaphore_mem>>
        %dma_start3A_79 = tpu.memref_slice %arg4[%multiple_of3A_73] : memref<327680xi32, #tpu.memory_space<hbm>> -> memref<128xi32, #tpu.memory_space<hbm>>
        %dma_start3A_80 = tpu.memref_slice %arg4[%multiple_of3A_73] : memref<327680xi32, #tpu.memory_space<hbm>> -> memref<128xi32, #tpu.memory_space<hbm>>
        tpu.enqueue_dma source(%dma_start3A_80 : memref<128xi32, #tpu.memory_space<hbm>>) target(%arg8 : memref<128xi32, #tpu.memory_space<vmem>>) target_semaphore(%run_scoped3A : memref<!tpu.dma_semaphore, #tpu.memory_space<semaphore_mem>>)
        %dma_wait3A_81 = tpu.memref_slice %arg4[%multiple_of3A_73] : memref<327680xi32, #tpu.memory_space<hbm>> -> memref<128xi32, #tpu.memory_space<hbm>>
        %dma_wait3A_82 = tpu.memref_slice %arg4[%multiple_of3A_73] : memref<327680xi32, #tpu.memory_space<hbm>> -> memref<128xi32, #tpu.memory_space<hbm>>
        tpu.wait_dma2 semaphore(%run_scoped3A : memref<!tpu.dma_semaphore, #tpu.memory_space<semaphore_mem>>) src(%dma_wait3A_82 : memref<128xi32, #tpu.memory_space<hbm>>) dst(%arg8 : memref<128xi32, #tpu.memory_space<vmem>>)
        tpu.yield
      }) : () -> ()
      %dma_start3A = arith.constant 0 : i32
      %dma_start3A_74 = arith.constant 0 : i32
      %dma_start3A_75 = tpu.memref_slice %arg2[%dma_start3A, %dma_start3A_74] : memref<10000x128xf32, #tpu.memory_space<hbm>> -> memref<10000x128xf32, #tpu.memory_space<hbm>>
      tpu.enqueue_indirect_dma source(%dma_start3A_75 : memref<10000x128xf32, #tpu.memory_space<hbm>>) target(%arg6 : memref<128x128xf32, #tpu.memory_space<vmem>>) offsets(%arg7 : memref<128xi32, #tpu.memory_space<vmem>>) semaphore(%arg10 : memref<!tpu.dma_semaphore, #tpu.memory_space<semaphore_mem>>)
      %dma_wait3A = arith.constant 0 : i32
      %dma_wait3A_76 = arith.constant 0 : i32
      %dma_wait3A_77 = tpu.memref_slice %arg2[%dma_wait3A, %dma_wait3A_76] : memref<10000x128xf32, #tpu.memory_space<hbm>> -> memref<10000x128xf32, #tpu.memory_space<hbm>>
      tpu.wait_indirect_dma semaphore(%arg10 : memref<!tpu.dma_semaphore, #tpu.memory_space<semaphore_mem>>) src(%dma_wait3A_77 : memref<10000x128xf32, #tpu.memory_space<hbm>>) dst(%arg6 : memref<128x128xf32, #tpu.memory_space<vmem>>)
      "tpu.region"() ({
        %run_scoped3A = tpu.sem_alloc : memref<!tpu.dma_semaphore, #tpu.memory_space<semaphore_mem>>
        %dma_start3A_79 = arith.constant 0 : i32
        %dma_start3A_80 = arith.constant 0 : i32
        %dma_start3A_81 = tpu.memref_slice %arg9[%dma_start3A_79, %dma_start3A_80] : memref<10112x128xf32, #tpu.memory_space<vmem_shared>> -> memref<10112x128xf32, #tpu.memory_space<vmem_shared>>
        tpu.enqueue_indirect_dma source(%arg6 : memref<128x128xf32, #tpu.memory_space<vmem>>) target(%dma_start3A_81 : memref<10112x128xf32, #tpu.memory_space<vmem_shared>>) offsets(%arg8 : memref<128xi32, #tpu.memory_space<vmem>>) semaphore(%run_scoped3A : memref<!tpu.dma_semaphore, #tpu.memory_space<semaphore_mem>>) {add = true}
        %dma_wait3A_82 = arith.constant 0 : i32
        %dma_wait3A_83 = arith.constant 0 : i32
        %dma_wait3A_84 = tpu.memref_slice %arg9[%dma_wait3A_82, %dma_wait3A_83] : memref<10112x128xf32, #tpu.memory_space<vmem_shared>> -> memref<10112x128xf32, #tpu.memory_space<vmem_shared>>
        tpu.wait_indirect_dma semaphore(%run_scoped3A : memref<!tpu.dma_semaphore, #tpu.memory_space<semaphore_mem>>) src(%arg6 : memref<128x128xf32, #tpu.memory_space<vmem>>) dst(%dma_wait3A_84 : memref<10112x128xf32, #tpu.memory_space<vmem_shared>>)
        tpu.yield
      }) : () -> ()
      %scan3A_78 = arith.constant 0 : i32
      scf.yield %scan3A_78 : i32
    }
    %scan3A_37 = arith.constant 80 : i32
    %barrier3A_38 = arith.constant 0 : index
    tpu.barrier barrier_id(%barrier3A_38)
    %mul3A_39 = arith.constant 632 : i32
    %mul3A_40 = arith.muli %arg1, %mul3A_39 : i32
    %add3A_41 = arith.constant 0 : i32
    %add3A_42 = arith.addi %mul3A_40, %add3A_41 : i32
    %multiple_of3A_43 = tpu.assume_multiple %add3A_42, 8 : i32
    "tpu.region"() ({
      %run_scoped3A = tpu.sem_alloc : memref<!tpu.dma_semaphore, #tpu.memory_space<semaphore_mem>>
      %dma_start3A = arith.constant 0 : i32
      %dma_start3A_64 = arith.constant 0 : i32
      %dma_start3A_65 = tpu.memref_slice %arg6[%dma_start3A, %dma_start3A_64] : memref<128x128xf32, #tpu.memory_space<vmem>> -> memref<128x128xf32, #tpu.memory_space<vmem>>
      %dma_start3A_66 = arith.constant 0 : i32
      %dma_start3A_67 = tpu.memref_slice %arg9[%multiple_of3A_43, %dma_start3A_66] : memref<10112x128xf32, #tpu.memory_space<vmem_shared>> -> memref<128x128xf32, #tpu.memory_space<vmem_shared>>
      %dma_start3A_68 = arith.constant 0 : i32
      %dma_start3A_69 = arith.constant 0 : i32
      %dma_start3A_70 = tpu.memref_slice %arg6[%dma_start3A_68, %dma_start3A_69] : memref<128x128xf32, #tpu.memory_space<vmem>> -> memref<128x128xf32, #tpu.memory_space<vmem>>
      %dma_start3A_71 = arith.constant 0 : i32
      %dma_start3A_72 = tpu.memref_slice %arg9[%multiple_of3A_43, %dma_start3A_71] : memref<10112x128xf32, #tpu.memory_space<vmem_shared>> -> memref<128x128xf32, #tpu.memory_space<vmem_shared>>
      tpu.enqueue_dma source(%dma_start3A_72 : memref<128x128xf32, #tpu.memory_space<vmem_shared>>) target(%dma_start3A_70 : memref<128x128xf32, #tpu.memory_space<vmem>>) target_semaphore(%run_scoped3A : memref<!tpu.dma_semaphore, #tpu.memory_space<semaphore_mem>>)
      %dma_wait3A = arith.constant 0 : i32
      %dma_wait3A_73 = arith.constant 0 : i32
      %dma_wait3A_74 = tpu.memref_slice %arg6[%dma_wait3A, %dma_wait3A_73] : memref<128x128xf32, #tpu.memory_space<vmem>> -> memref<128x128xf32, #tpu.memory_space<vmem>>
      %dma_wait3A_75 = arith.constant 0 : i32
      %dma_wait3A_76 = tpu.memref_slice %arg9[%multiple_of3A_43, %dma_wait3A_75] : memref<10112x128xf32, #tpu.memory_space<vmem_shared>> -> memref<128x128xf32, #tpu.memory_space<vmem_shared>>
      %dma_wait3A_77 = arith.constant 0 : i32
      %dma_wait3A_78 = arith.constant 0 : i32
      %dma_wait3A_79 = tpu.memref_slice %arg6[%dma_wait3A_77, %dma_wait3A_78] : memref<128x128xf32, #tpu.memory_space<vmem>> -> memref<128x128xf32, #tpu.memory_space<vmem>>
      %dma_wait3A_80 = arith.constant 0 : i32
      %dma_wait3A_81 = tpu.memref_slice %arg9[%multiple_of3A_43, %dma_wait3A_80] : memref<10112x128xf32, #tpu.memory_space<vmem_shared>> -> memref<128x128xf32, #tpu.memory_space<vmem_shared>>
      tpu.wait_dma2 semaphore(%run_scoped3A : memref<!tpu.dma_semaphore, #tpu.memory_space<semaphore_mem>>) src(%dma_wait3A_81 : memref<128x128xf32, #tpu.memory_space<vmem_shared>>) dst(%dma_wait3A_79 : memref<128x128xf32, #tpu.memory_space<vmem>>)
      tpu.yield
    }) : () -> ()
    "tpu.region"() ({
      %run_scoped3A = tpu.sem_alloc : memref<!tpu.dma_semaphore, #tpu.memory_space<semaphore_mem>>
      %dma_start3A = arith.constant 0 : i32
      %dma_start3A_64 = arith.constant 0 : i32
      %dma_start3A_65 = tpu.memref_slice %arg6[%dma_start3A, %dma_start3A_64] : memref<128x128xf32, #tpu.memory_space<vmem>> -> memref<128x128xf32, #tpu.memory_space<vmem>>
      %dma_start3A_66 = arith.constant 0 : i32
      %dma_start3A_67 = tpu.memref_slice %arg5[%arg0, %multiple_of3A_43, %dma_start3A_66] : memref<2x10112x128xf32, #tpu.memory_space<hbm>> -> memref<1x128x128xf32, #tpu.memory_space<hbm>>
      %dma_start3A_68 = tpu.memref_squeeze %dma_start3A_67 : memref<1x128x128xf32, #tpu.memory_space<hbm>> -> memref<128x128xf32, #tpu.memory_space<hbm>>
      %dma_start3A_69 = arith.constant 0 : i32
      %dma_start3A_70 = tpu.memref_slice %arg5[%arg0, %multiple_of3A_43, %dma_start3A_69] : memref<2x10112x128xf32, #tpu.memory_space<hbm>> -> memref<1x128x128xf32, #tpu.memory_space<hbm>>
      %dma_start3A_71 = tpu.memref_squeeze %dma_start3A_70 : memref<1x128x128xf32, #tpu.memory_space<hbm>> -> memref<128x128xf32, #tpu.memory_space<hbm>>
      %dma_start3A_72 = arith.constant 0 : i32
      %dma_start3A_73 = arith.constant 0 : i32
      %dma_start3A_74 = tpu.memref_slice %arg6[%dma_start3A_72, %dma_start3A_73] : memref<128x128xf32, #tpu.memory_space<vmem>> -> memref<128x128xf32, #tpu.memory_space<vmem>>
      tpu.enqueue_dma source(%dma_start3A_74 : memref<128x128xf32, #tpu.memory_space<vmem>>) target(%dma_start3A_71 : memref<128x128xf32, #tpu.memory_space<hbm>>) target_semaphore(%run_scoped3A : memref<!tpu.dma_semaphore, #tpu.memory_space<semaphore_mem>>)
      %dma_wait3A = arith.constant 0 : i32
      %dma_wait3A_75 = arith.constant 0 : i32
      %dma_wait3A_76 = tpu.memref_slice %arg6[%dma_wait3A, %dma_wait3A_75] : memref<128x128xf32, #tpu.memory_space<vmem>> -> memref<128x128xf32, #tpu.memory_space<vmem>>
      %dma_wait3A_77 = arith.constant 0 : i32
      %dma_wait3A_78 = tpu.memref_slice %arg5[%arg0, %multiple_of3A_43, %dma_wait3A_77] : memref<2x10112x128xf32, #tpu.memory_space<hbm>> -> memref<1x128x128xf32, #tpu.memory_space<hbm>>
      %dma_wait3A_79 = tpu.memref_squeeze %dma_wait3A_78 : memref<1x128x128xf32, #tpu.memory_space<hbm>> -> memref<128x128xf32, #tpu.memory_space<hbm>>
      %dma_wait3A_80 = arith.constant 0 : i32
      %dma_wait3A_81 = tpu.memref_slice %arg5[%arg0, %multiple_of3A_43, %dma_wait3A_80] : memref<2x10112x128xf32, #tpu.memory_space<hbm>> -> memref<1x128x128xf32, #tpu.memory_space<hbm>>
      %dma_wait3A_82 = tpu.memref_squeeze %dma_wait3A_81 : memref<1x128x128xf32, #tpu.memory_space<hbm>> -> memref<128x128xf32, #tpu.memory_space<hbm>>
      %dma_wait3A_83 = arith.constant 0 : i32
      %dma_wait3A_84 = arith.constant 0 : i32
      %dma_wait3A_85 = tpu.memref_slice %arg6[%dma_wait3A_83, %dma_wait3A_84] : memref<128x128xf32, #tpu.memory_space<vmem>> -> memref<128x128xf32, #tpu.memory_space<vmem>>
      tpu.wait_dma2 semaphore(%run_scoped3A : memref<!tpu.dma_semaphore, #tpu.memory_space<semaphore_mem>>) src(%dma_wait3A_85 : memref<128x128xf32, #tpu.memory_space<vmem>>) dst(%dma_wait3A_82 : memref<128x128xf32, #tpu.memory_space<hbm>>)
      tpu.yield
    }) : () -> ()
    %mul3A_44 = arith.constant 632 : i32
    %mul3A_45 = arith.muli %arg1, %mul3A_44 : i32
    %add3A_46 = arith.constant 128 : i32
    %add3A_47 = arith.addi %mul3A_45, %add3A_46 : i32
    %multiple_of3A_48 = tpu.assume_multiple %add3A_47, 8 : i32
    "tpu.region"() ({
      %run_scoped3A = tpu.sem_alloc : memref<!tpu.dma_semaphore, #tpu.memory_space<semaphore_mem>>
      %dma_start3A = arith.constant 0 : i32
      %dma_start3A_64 = arith.constant 0 : i32
      %dma_start3A_65 = tpu.memref_slice %arg6[%dma_start3A, %dma_start3A_64] : memref<128x128xf32, #tpu.memory_space<vmem>> -> memref<128x128xf32, #tpu.memory_space<vmem>>
      %dma_start3A_66 = arith.constant 0 : i32
      %dma_start3A_67 = tpu.memref_slice %arg9[%multiple_of3A_48, %dma_start3A_66] : memref<10112x128xf32, #tpu.memory_space<vmem_shared>> -> memref<128x128xf32, #tpu.memory_space<vmem_shared>>
      %dma_start3A_68 = arith.constant 0 : i32
      %dma_start3A_69 = arith.constant 0 : i32
      %dma_start3A_70 = tpu.memref_slice %arg6[%dma_start3A_68, %dma_start3A_69] : memref<128x128xf32, #tpu.memory_space<vmem>> -> memref<128x128xf32, #tpu.memory_space<vmem>>
      %dma_start3A_71 = arith.constant 0 : i32
      %dma_start3A_72 = tpu.memref_slice %arg9[%multiple_of3A_48, %dma_start3A_71] : memref<10112x128xf32, #tpu.memory_space<vmem_shared>> -> memref<128x128xf32, #tpu.memory_space<vmem_shared>>
      tpu.enqueue_dma source(%dma_start3A_72 : memref<128x128xf32, #tpu.memory_space<vmem_shared>>) target(%dma_start3A_70 : memref<128x128xf32, #tpu.memory_space<vmem>>) target_semaphore(%run_scoped3A : memref<!tpu.dma_semaphore, #tpu.memory_space<semaphore_mem>>)
      %dma_wait3A = arith.constant 0 : i32
      %dma_wait3A_73 = arith.constant 0 : i32
      %dma_wait3A_74 = tpu.memref_slice %arg6[%dma_wait3A, %dma_wait3A_73] : memref<128x128xf32, #tpu.memory_space<vmem>> -> memref<128x128xf32, #tpu.memory_space<vmem>>
      %dma_wait3A_75 = arith.constant 0 : i32
      %dma_wait3A_76 = tpu.memref_slice %arg9[%multiple_of3A_48, %dma_wait3A_75] : memref<10112x128xf32, #tpu.memory_space<vmem_shared>> -> memref<128x128xf32, #tpu.memory_space<vmem_shared>>
      %dma_wait3A_77 = arith.constant 0 : i32
      %dma_wait3A_78 = arith.constant 0 : i32
      %dma_wait3A_79 = tpu.memref_slice %arg6[%dma_wait3A_77, %dma_wait3A_78] : memref<128x128xf32, #tpu.memory_space<vmem>> -> memref<128x128xf32, #tpu.memory_space<vmem>>
      %dma_wait3A_80 = arith.constant 0 : i32
      %dma_wait3A_81 = tpu.memref_slice %arg9[%multiple_of3A_48, %dma_wait3A_80] : memref<10112x128xf32, #tpu.memory_space<vmem_shared>> -> memref<128x128xf32, #tpu.memory_space<vmem_shared>>
      tpu.wait_dma2 semaphore(%run_scoped3A : memref<!tpu.dma_semaphore, #tpu.memory_space<semaphore_mem>>) src(%dma_wait3A_81 : memref<128x128xf32, #tpu.memory_space<vmem_shared>>) dst(%dma_wait3A_79 : memref<128x128xf32, #tpu.memory_space<vmem>>)
      tpu.yield
    }) : () -> ()
    "tpu.region"() ({
      %run_scoped3A = tpu.sem_alloc : memref<!tpu.dma_semaphore, #tpu.memory_space<semaphore_mem>>
      %dma_start3A = arith.constant 0 : i32
      %dma_start3A_64 = arith.constant 0 : i32
      %dma_start3A_65 = tpu.memref_slice %arg6[%dma_start3A, %dma_start3A_64] : memref<128x128xf32, #tpu.memory_space<vmem>> -> memref<128x128xf32, #tpu.memory_space<vmem>>
      %dma_start3A_66 = arith.constant 0 : i32
      %dma_start3A_67 = tpu.memref_slice %arg5[%arg0, %multiple_of3A_48, %dma_start3A_66] : memref<2x10112x128xf32, #tpu.memory_space<hbm>> -> memref<1x128x128xf32, #tpu.memory_space<hbm>>
      %dma_start3A_68 = tpu.memref_squeeze %dma_start3A_67 : memref<1x128x128xf32, #tpu.memory_space<hbm>> -> memref<128x128xf32, #tpu.memory_space<hbm>>
      %dma_start3A_69 = arith.constant 0 : i32
      %dma_start3A_70 = tpu.memref_slice %arg5[%arg0, %multiple_of3A_48, %dma_start3A_69] : memref<2x10112x128xf32, #tpu.memory_space<hbm>> -> memref<1x128x128xf32, #tpu.memory_space<hbm>>
      %dma_start3A_71 = tpu.memref_squeeze %dma_start3A_70 : memref<1x128x128xf32, #tpu.memory_space<hbm>> -> memref<128x128xf32, #tpu.memory_space<hbm>>
      %dma_start3A_72 = arith.constant 0 : i32
      %dma_start3A_73 = arith.constant 0 : i32
      %dma_start3A_74 = tpu.memref_slice %arg6[%dma_start3A_72, %dma_start3A_73] : memref<128x128xf32, #tpu.memory_space<vmem>> -> memref<128x128xf32, #tpu.memory_space<vmem>>
      tpu.enqueue_dma source(%dma_start3A_74 : memref<128x128xf32, #tpu.memory_space<vmem>>) target(%dma_start3A_71 : memref<128x128xf32, #tpu.memory_space<hbm>>) target_semaphore(%run_scoped3A : memref<!tpu.dma_semaphore, #tpu.memory_space<semaphore_mem>>)
      %dma_wait3A = arith.constant 0 : i32
      %dma_wait3A_75 = arith.constant 0 : i32
      %dma_wait3A_76 = tpu.memref_slice %arg6[%dma_wait3A, %dma_wait3A_75] : memref<128x128xf32, #tpu.memory_space<vmem>> -> memref<128x128xf32, #tpu.memory_space<vmem>>
      %dma_wait3A_77 = arith.constant 0 : i32
      %dma_wait3A_78 = tpu.memref_slice %arg5[%arg0, %multiple_of3A_48, %dma_wait3A_77] : memref<2x10112x128xf32, #tpu.memory_space<hbm>> -> memref<1x128x128xf32, #tpu.memory_space<hbm>>
      %dma_wait3A_79 = tpu.memref_squeeze %dma_wait3A_78 : memref<1x128x128xf32, #tpu.memory_space<hbm>> -> memref<128x128xf32, #tpu.memory_space<hbm>>
      %dma_wait3A_80 = arith.constant 0 : i32
      %dma_wait3A_81 = tpu.memref_slice %arg5[%arg0, %multiple_of3A_48, %dma_wait3A_80] : memref<2x10112x128xf32, #tpu.memory_space<hbm>> -> memref<1x128x128xf32, #tpu.memory_space<hbm>>
      %dma_wait3A_82 = tpu.memref_squeeze %dma_wait3A_81 : memref<1x128x128xf32, #tpu.memory_space<hbm>> -> memref<128x128xf32, #tpu.memory_space<hbm>>
      %dma_wait3A_83 = arith.constant 0 : i32
      %dma_wait3A_84 = arith.constant 0 : i32
      %dma_wait3A_85 = tpu.memref_slice %arg6[%dma_wait3A_83, %dma_wait3A_84] : memref<128x128xf32, #tpu.memory_space<vmem>> -> memref<128x128xf32, #tpu.memory_space<vmem>>
      tpu.wait_dma2 semaphore(%run_scoped3A : memref<!tpu.dma_semaphore, #tpu.memory_space<semaphore_mem>>) src(%dma_wait3A_85 : memref<128x128xf32, #tpu.memory_space<vmem>>) dst(%dma_wait3A_82 : memref<128x128xf32, #tpu.memory_space<hbm>>)
      tpu.yield
    }) : () -> ()
    %mul3A_49 = arith.constant 632 : i32
    %mul3A_50 = arith.muli %arg1, %mul3A_49 : i32
    %add3A_51 = arith.constant 256 : i32
    %add3A_52 = arith.addi %mul3A_50, %add3A_51 : i32
    %multiple_of3A_53 = tpu.assume_multiple %add3A_52, 8 : i32
    "tpu.region"() ({
      %run_scoped3A = tpu.sem_alloc : memref<!tpu.dma_semaphore, #tpu.memory_space<semaphore_mem>>
      %dma_start3A = arith.constant 0 : i32
      %dma_start3A_64 = arith.constant 0 : i32
      %dma_start3A_65 = tpu.memref_slice %arg6[%dma_start3A, %dma_start3A_64] : memref<128x128xf32, #tpu.memory_space<vmem>> -> memref<128x128xf32, #tpu.memory_space<vmem>>
      %dma_start3A_66 = arith.constant 0 : i32
      %dma_start3A_67 = tpu.memref_slice %arg9[%multiple_of3A_53, %dma_start3A_66] : memref<10112x128xf32, #tpu.memory_space<vmem_shared>> -> memref<128x128xf32, #tpu.memory_space<vmem_shared>>
      %dma_start3A_68 = arith.constant 0 : i32
      %dma_start3A_69 = arith.constant 0 : i32
      %dma_start3A_70 = tpu.memref_slice %arg6[%dma_start3A_68, %dma_start3A_69] : memref<128x128xf32, #tpu.memory_space<vmem>> -> memref<128x128xf32, #tpu.memory_space<vmem>>
      %dma_start3A_71 = arith.constant 0 : i32
      %dma_start3A_72 = tpu.memref_slice %arg9[%multiple_of3A_53, %dma_start3A_71] : memref<10112x128xf32, #tpu.memory_space<vmem_shared>> -> memref<128x128xf32, #tpu.memory_space<vmem_shared>>
      tpu.enqueue_dma source(%dma_start3A_72 : memref<128x128xf32, #tpu.memory_space<vmem_shared>>) target(%dma_start3A_70 : memref<128x128xf32, #tpu.memory_space<vmem>>) target_semaphore(%run_scoped3A : memref<!tpu.dma_semaphore, #tpu.memory_space<semaphore_mem>>)
      %dma_wait3A = arith.constant 0 : i32
      %dma_wait3A_73 = arith.constant 0 : i32
      %dma_wait3A_74 = tpu.memref_slice %arg6[%dma_wait3A, %dma_wait3A_73] : memref<128x128xf32, #tpu.memory_space<vmem>> -> memref<128x128xf32, #tpu.memory_space<vmem>>
      %dma_wait3A_75 = arith.constant 0 : i32
      %dma_wait3A_76 = tpu.memref_slice %arg9[%multiple_of3A_53, %dma_wait3A_75] : memref<10112x128xf32, #tpu.memory_space<vmem_shared>> -> memref<128x128xf32, #tpu.memory_space<vmem_shared>>
      %dma_wait3A_77 = arith.constant 0 : i32
      %dma_wait3A_78 = arith.constant 0 : i32
      %dma_wait3A_79 = tpu.memref_slice %arg6[%dma_wait3A_77, %dma_wait3A_78] : memref<128x128xf32, #tpu.memory_space<vmem>> -> memref<128x128xf32, #tpu.memory_space<vmem>>
      %dma_wait3A_80 = arith.constant 0 : i32
      %dma_wait3A_81 = tpu.memref_slice %arg9[%multiple_of3A_53, %dma_wait3A_80] : memref<10112x128xf32, #tpu.memory_space<vmem_shared>> -> memref<128x128xf32, #tpu.memory_space<vmem_shared>>
      tpu.wait_dma2 semaphore(%run_scoped3A : memref<!tpu.dma_semaphore, #tpu.memory_space<semaphore_mem>>) src(%dma_wait3A_81 : memref<128x128xf32, #tpu.memory_space<vmem_shared>>) dst(%dma_wait3A_79 : memref<128x128xf32, #tpu.memory_space<vmem>>)
      tpu.yield
    }) : () -> ()
    "tpu.region"() ({
      %run_scoped3A = tpu.sem_alloc : memref<!tpu.dma_semaphore, #tpu.memory_space<semaphore_mem>>
      %dma_start3A = arith.constant 0 : i32
      %dma_start3A_64 = arith.constant 0 : i32
      %dma_start3A_65 = tpu.memref_slice %arg6[%dma_start3A, %dma_start3A_64] : memref<128x128xf32, #tpu.memory_space<vmem>> -> memref<128x128xf32, #tpu.memory_space<vmem>>
      %dma_start3A_66 = arith.constant 0 : i32
      %dma_start3A_67 = tpu.memref_slice %arg5[%arg0, %multiple_of3A_53, %dma_start3A_66] : memref<2x10112x128xf32, #tpu.memory_space<hbm>> -> memref<1x128x128xf32, #tpu.memory_space<hbm>>
      %dma_start3A_68 = tpu.memref_squeeze %dma_start3A_67 : memref<1x128x128xf32, #tpu.memory_space<hbm>> -> memref<128x128xf32, #tpu.memory_space<hbm>>
      %dma_start3A_69 = arith.constant 0 : i32
      %dma_start3A_70 = tpu.memref_slice %arg5[%arg0, %multiple_of3A_53, %dma_start3A_69] : memref<2x10112x128xf32, #tpu.memory_space<hbm>> -> memref<1x128x128xf32, #tpu.memory_space<hbm>>
      %dma_start3A_71 = tpu.memref_squeeze %dma_start3A_70 : memref<1x128x128xf32, #tpu.memory_space<hbm>> -> memref<128x128xf32, #tpu.memory_space<hbm>>
      %dma_start3A_72 = arith.constant 0 : i32
      %dma_start3A_73 = arith.constant 0 : i32
      %dma_start3A_74 = tpu.memref_slice %arg6[%dma_start3A_72, %dma_start3A_73] : memref<128x128xf32, #tpu.memory_space<vmem>> -> memref<128x128xf32, #tpu.memory_space<vmem>>
      tpu.enqueue_dma source(%dma_start3A_74 : memref<128x128xf32, #tpu.memory_space<vmem>>) target(%dma_start3A_71 : memref<128x128xf32, #tpu.memory_space<hbm>>) target_semaphore(%run_scoped3A : memref<!tpu.dma_semaphore, #tpu.memory_space<semaphore_mem>>)
      %dma_wait3A = arith.constant 0 : i32
      %dma_wait3A_75 = arith.constant 0 : i32
      %dma_wait3A_76 = tpu.memref_slice %arg6[%dma_wait3A, %dma_wait3A_75] : memref<128x128xf32, #tpu.memory_space<vmem>> -> memref<128x128xf32, #tpu.memory_space<vmem>>
      %dma_wait3A_77 = arith.constant 0 : i32
      %dma_wait3A_78 = tpu.memref_slice %arg5[%arg0, %multiple_of3A_53, %dma_wait3A_77] : memref<2x10112x128xf32, #tpu.memory_space<hbm>> -> memref<1x128x128xf32, #tpu.memory_space<hbm>>
      %dma_wait3A_79 = tpu.memref_squeeze %dma_wait3A_78 : memref<1x128x128xf32, #tpu.memory_space<hbm>> -> memref<128x128xf32, #tpu.memory_space<hbm>>
      %dma_wait3A_80 = arith.constant 0 : i32
      %dma_wait3A_81 = tpu.memref_slice %arg5[%arg0, %multiple_of3A_53, %dma_wait3A_80] : memref<2x10112x128xf32, #tpu.memory_space<hbm>> -> memref<1x128x128xf32, #tpu.memory_space<hbm>>
      %dma_wait3A_82 = tpu.memref_squeeze %dma_wait3A_81 : memref<1x128x128xf32, #tpu.memory_space<hbm>> -> memref<128x128xf32, #tpu.memory_space<hbm>>
      %dma_wait3A_83 = arith.constant 0 : i32
      %dma_wait3A_84 = arith.constant 0 : i32
      %dma_wait3A_85 = tpu.memref_slice %arg6[%dma_wait3A_83, %dma_wait3A_84] : memref<128x128xf32, #tpu.memory_space<vmem>> -> memref<128x128xf32, #tpu.memory_space<vmem>>
      tpu.wait_dma2 semaphore(%run_scoped3A : memref<!tpu.dma_semaphore, #tpu.memory_space<semaphore_mem>>) src(%dma_wait3A_85 : memref<128x128xf32, #tpu.memory_space<vmem>>) dst(%dma_wait3A_82 : memref<128x128xf32, #tpu.memory_space<hbm>>)
      tpu.yield
    }) : () -> ()
    %mul3A_54 = arith.constant 632 : i32
    %mul3A_55 = arith.muli %arg1, %mul3A_54 : i32
    %add3A_56 = arith.constant 384 : i32
    %add3A_57 = arith.addi %mul3A_55, %add3A_56 : i32
    %multiple_of3A_58 = tpu.assume_multiple %add3A_57, 8 : i32
    "tpu.region"() ({
      %run_scoped3A = tpu.sem_alloc : memref<!tpu.dma_semaphore, #tpu.memory_space<semaphore_mem>>
      %dma_start3A = arith.constant 0 : i32
      %dma_start3A_64 = arith.constant 0 : i32
      %dma_start3A_65 = tpu.memref_slice %arg6[%dma_start3A, %dma_start3A_64] : memref<128x128xf32, #tpu.memory_space<vmem>> -> memref<128x128xf32, #tpu.memory_space<vmem>>
      %dma_start3A_66 = arith.constant 0 : i32
      %dma_start3A_67 = tpu.memref_slice %arg9[%multiple_of3A_58, %dma_start3A_66] : memref<10112x128xf32, #tpu.memory_space<vmem_shared>> -> memref<128x128xf32, #tpu.memory_space<vmem_shared>>
      %dma_start3A_68 = arith.constant 0 : i32
      %dma_start3A_69 = arith.constant 0 : i32
      %dma_start3A_70 = tpu.memref_slice %arg6[%dma_start3A_68, %dma_start3A_69] : memref<128x128xf32, #tpu.memory_space<vmem>> -> memref<128x128xf32, #tpu.memory_space<vmem>>
      %dma_start3A_71 = arith.constant 0 : i32
      %dma_start3A_72 = tpu.memref_slice %arg9[%multiple_of3A_58, %dma_start3A_71] : memref<10112x128xf32, #tpu.memory_space<vmem_shared>> -> memref<128x128xf32, #tpu.memory_space<vmem_shared>>
      tpu.enqueue_dma source(%dma_start3A_72 : memref<128x128xf32, #tpu.memory_space<vmem_shared>>) target(%dma_start3A_70 : memref<128x128xf32, #tpu.memory_space<vmem>>) target_semaphore(%run_scoped3A : memref<!tpu.dma_semaphore, #tpu.memory_space<semaphore_mem>>)
      %dma_wait3A = arith.constant 0 : i32
      %dma_wait3A_73 = arith.constant 0 : i32
      %dma_wait3A_74 = tpu.memref_slice %arg6[%dma_wait3A, %dma_wait3A_73] : memref<128x128xf32, #tpu.memory_space<vmem>> -> memref<128x128xf32, #tpu.memory_space<vmem>>
      %dma_wait3A_75 = arith.constant 0 : i32
      %dma_wait3A_76 = tpu.memref_slice %arg9[%multiple_of3A_58, %dma_wait3A_75] : memref<10112x128xf32, #tpu.memory_space<vmem_shared>> -> memref<128x128xf32, #tpu.memory_space<vmem_shared>>
      %dma_wait3A_77 = arith.constant 0 : i32
      %dma_wait3A_78 = arith.constant 0 : i32
      %dma_wait3A_79 = tpu.memref_slice %arg6[%dma_wait3A_77, %dma_wait3A_78] : memref<128x128xf32, #tpu.memory_space<vmem>> -> memref<128x128xf32, #tpu.memory_space<vmem>>
      %dma_wait3A_80 = arith.constant 0 : i32
      %dma_wait3A_81 = tpu.memref_slice %arg9[%multiple_of3A_58, %dma_wait3A_80] : memref<10112x128xf32, #tpu.memory_space<vmem_shared>> -> memref<128x128xf32, #tpu.memory_space<vmem_shared>>
      tpu.wait_dma2 semaphore(%run_scoped3A : memref<!tpu.dma_semaphore, #tpu.memory_space<semaphore_mem>>) src(%dma_wait3A_81 : memref<128x128xf32, #tpu.memory_space<vmem_shared>>) dst(%dma_wait3A_79 : memref<128x128xf32, #tpu.memory_space<vmem>>)
      tpu.yield
    }) : () -> ()
    "tpu.region"() ({
      %run_scoped3A = tpu.sem_alloc : memref<!tpu.dma_semaphore, #tpu.memory_space<semaphore_mem>>
      %dma_start3A = arith.constant 0 : i32
      %dma_start3A_64 = arith.constant 0 : i32
      %dma_start3A_65 = tpu.memref_slice %arg6[%dma_start3A, %dma_start3A_64] : memref<128x128xf32, #tpu.memory_space<vmem>> -> memref<128x128xf32, #tpu.memory_space<vmem>>
      %dma_start3A_66 = arith.constant 0 : i32
      %dma_start3A_67 = tpu.memref_slice %arg5[%arg0, %multiple_of3A_58, %dma_start3A_66] : memref<2x10112x128xf32, #tpu.memory_space<hbm>> -> memref<1x128x128xf32, #tpu.memory_space<hbm>>
      %dma_start3A_68 = tpu.memref_squeeze %dma_start3A_67 : memref<1x128x128xf32, #tpu.memory_space<hbm>> -> memref<128x128xf32, #tpu.memory_space<hbm>>
      %dma_start3A_69 = arith.constant 0 : i32
      %dma_start3A_70 = tpu.memref_slice %arg5[%arg0, %multiple_of3A_58, %dma_start3A_69] : memref<2x10112x128xf32, #tpu.memory_space<hbm>> -> memref<1x128x128xf32, #tpu.memory_space<hbm>>
      %dma_start3A_71 = tpu.memref_squeeze %dma_start3A_70 : memref<1x128x128xf32, #tpu.memory_space<hbm>> -> memref<128x128xf32, #tpu.memory_space<hbm>>
      %dma_start3A_72 = arith.constant 0 : i32
      %dma_start3A_73 = arith.constant 0 : i32
      %dma_start3A_74 = tpu.memref_slice %arg6[%dma_start3A_72, %dma_start3A_73] : memref<128x128xf32, #tpu.memory_space<vmem>> -> memref<128x128xf32, #tpu.memory_space<vmem>>
      tpu.enqueue_dma source(%dma_start3A_74 : memref<128x128xf32, #tpu.memory_space<vmem>>) target(%dma_start3A_71 : memref<128x128xf32, #tpu.memory_space<hbm>>) target_semaphore(%run_scoped3A : memref<!tpu.dma_semaphore, #tpu.memory_space<semaphore_mem>>)
      %dma_wait3A = arith.constant 0 : i32
      %dma_wait3A_75 = arith.constant 0 : i32
      %dma_wait3A_76 = tpu.memref_slice %arg6[%dma_wait3A, %dma_wait3A_75] : memref<128x128xf32, #tpu.memory_space<vmem>> -> memref<128x128xf32, #tpu.memory_space<vmem>>
      %dma_wait3A_77 = arith.constant 0 : i32
      %dma_wait3A_78 = tpu.memref_slice %arg5[%arg0, %multiple_of3A_58, %dma_wait3A_77] : memref<2x10112x128xf32, #tpu.memory_space<hbm>> -> memref<1x128x128xf32, #tpu.memory_space<hbm>>
      %dma_wait3A_79 = tpu.memref_squeeze %dma_wait3A_78 : memref<1x128x128xf32, #tpu.memory_space<hbm>> -> memref<128x128xf32, #tpu.memory_space<hbm>>
      %dma_wait3A_80 = arith.constant 0 : i32
      %dma_wait3A_81 = tpu.memref_slice %arg5[%arg0, %multiple_of3A_58, %dma_wait3A_80] : memref<2x10112x128xf32, #tpu.memory_space<hbm>> -> memref<1x128x128xf32, #tpu.memory_space<hbm>>
      %dma_wait3A_82 = tpu.memref_squeeze %dma_wait3A_81 : memref<1x128x128xf32, #tpu.memory_space<hbm>> -> memref<128x128xf32, #tpu.memory_space<hbm>>
      %dma_wait3A_83 = arith.constant 0 : i32
      %dma_wait3A_84 = arith.constant 0 : i32
      %dma_wait3A_85 = tpu.memref_slice %arg6[%dma_wait3A_83, %dma_wait3A_84] : memref<128x128xf32, #tpu.memory_space<vmem>> -> memref<128x128xf32, #tpu.memory_space<vmem>>
      tpu.wait_dma2 semaphore(%run_scoped3A : memref<!tpu.dma_semaphore, #tpu.memory_space<semaphore_mem>>) src(%dma_wait3A_85 : memref<128x128xf32, #tpu.memory_space<vmem>>) dst(%dma_wait3A_82 : memref<128x128xf32, #tpu.memory_space<hbm>>)
      tpu.yield
    }) : () -> ()
    %mul3A_59 = arith.constant 632 : i32
    %mul3A_60 = arith.muli %arg1, %mul3A_59 : i32
    %add3A_61 = arith.constant 512 : i32
    %add3A_62 = arith.addi %mul3A_60, %add3A_61 : i32
    %multiple_of3A_63 = tpu.assume_multiple %add3A_62, 8 : i32
    "tpu.region"() ({
      %run_scoped3A = tpu.sem_alloc : memref<!tpu.dma_semaphore, #tpu.memory_space<semaphore_mem>>
      %dma_start3A = arith.constant 0 : i32
      %dma_start3A_64 = arith.constant 0 : i32
      %dma_start3A_65 = tpu.memref_slice %arg6[%dma_start3A, %dma_start3A_64] : memref<128x128xf32, #tpu.memory_space<vmem>> -> memref<120x128xf32, #tpu.memory_space<vmem>>
      %dma_start3A_66 = arith.constant 0 : i32
      %dma_start3A_67 = tpu.memref_slice %arg9[%multiple_of3A_63, %dma_start3A_66] : memref<10112x128xf32, #tpu.memory_space<vmem_shared>> -> memref<120x128xf32, #tpu.memory_space<vmem_shared>>
      %dma_start3A_68 = arith.constant 0 : i32
      %dma_start3A_69 = arith.constant 0 : i32
      %dma_start3A_70 = tpu.memref_slice %arg6[%dma_start3A_68, %dma_start3A_69] : memref<128x128xf32, #tpu.memory_space<vmem>> -> memref<120x128xf32, #tpu.memory_space<vmem>>
      %dma_start3A_71 = arith.constant 0 : i32
      %dma_start3A_72 = tpu.memref_slice %arg9[%multiple_of3A_63, %dma_start3A_71] : memref<10112x128xf32, #tpu.memory_space<vmem_shared>> -> memref<120x128xf32, #tpu.memory_space<vmem_shared>>
      tpu.enqueue_dma source(%dma_start3A_72 : memref<120x128xf32, #tpu.memory_space<vmem_shared>>) target(%dma_start3A_70 : memref<120x128xf32, #tpu.memory_space<vmem>>) target_semaphore(%run_scoped3A : memref<!tpu.dma_semaphore, #tpu.memory_space<semaphore_mem>>)
      %dma_wait3A = arith.constant 0 : i32
      %dma_wait3A_73 = arith.constant 0 : i32
      %dma_wait3A_74 = tpu.memref_slice %arg6[%dma_wait3A, %dma_wait3A_73] : memref<128x128xf32, #tpu.memory_space<vmem>> -> memref<120x128xf32, #tpu.memory_space<vmem>>
      %dma_wait3A_75 = arith.constant 0 : i32
      %dma_wait3A_76 = tpu.memref_slice %arg9[%multiple_of3A_63, %dma_wait3A_75] : memref<10112x128xf32, #tpu.memory_space<vmem_shared>> -> memref<120x128xf32, #tpu.memory_space<vmem_shared>>
      %dma_wait3A_77 = arith.constant 0 : i32
      %dma_wait3A_78 = arith.constant 0 : i32
      %dma_wait3A_79 = tpu.memref_slice %arg6[%dma_wait3A_77, %dma_wait3A_78] : memref<128x128xf32, #tpu.memory_space<vmem>> -> memref<120x128xf32, #tpu.memory_space<vmem>>
      %dma_wait3A_80 = arith.constant 0 : i32
      %dma_wait3A_81 = tpu.memref_slice %arg9[%multiple_of3A_63, %dma_wait3A_80] : memref<10112x128xf32, #tpu.memory_space<vmem_shared>> -> memref<120x128xf32, #tpu.memory_space<vmem_shared>>
      tpu.wait_dma2 semaphore(%run_scoped3A : memref<!tpu.dma_semaphore, #tpu.memory_space<semaphore_mem>>) src(%dma_wait3A_81 : memref<120x128xf32, #tpu.memory_space<vmem_shared>>) dst(%dma_wait3A_79 : memref<120x128xf32, #tpu.memory_space<vmem>>)
      tpu.yield
    }) : () -> ()
    "tpu.region"() ({
      %run_scoped3A = tpu.sem_alloc : memref<!tpu.dma_semaphore, #tpu.memory_space<semaphore_mem>>
      %dma_start3A = arith.constant 0 : i32
      %dma_start3A_64 = arith.constant 0 : i32
      %dma_start3A_65 = tpu.memref_slice %arg6[%dma_start3A, %dma_start3A_64] : memref<128x128xf32, #tpu.memory_space<vmem>> -> memref<120x128xf32, #tpu.memory_space<vmem>>
      %dma_start3A_66 = arith.constant 0 : i32
      %dma_start3A_67 = tpu.memref_slice %arg5[%arg0, %multiple_of3A_63, %dma_start3A_66] : memref<2x10112x128xf32, #tpu.memory_space<hbm>> -> memref<1x120x128xf32, #tpu.memory_space<hbm>>
      %dma_start3A_68 = tpu.memref_squeeze %dma_start3A_67 : memref<1x120x128xf32, #tpu.memory_space<hbm>> -> memref<120x128xf32, #tpu.memory_space<hbm>>
      %dma_start3A_69 = arith.constant 0 : i32
      %dma_start3A_70 = tpu.memref_slice %arg5[%arg0, %multiple_of3A_63, %dma_start3A_69] : memref<2x10112x128xf32, #tpu.memory_space<hbm>> -> memref<1x120x128xf32, #tpu.memory_space<hbm>>
      %dma_start3A_71 = tpu.memref_squeeze %dma_start3A_70 : memref<1x120x128xf32, #tpu.memory_space<hbm>> -> memref<120x128xf32, #tpu.memory_space<hbm>>
      %dma_start3A_72 = arith.constant 0 : i32
      %dma_start3A_73 = arith.constant 0 : i32
      %dma_start3A_74 = tpu.memref_slice %arg6[%dma_start3A_72, %dma_start3A_73] : memref<128x128xf32, #tpu.memory_space<vmem>> -> memref<120x128xf32, #tpu.memory_space<vmem>>
      tpu.enqueue_dma source(%dma_start3A_74 : memref<120x128xf32, #tpu.memory_space<vmem>>) target(%dma_start3A_71 : memref<120x128xf32, #tpu.memory_space<hbm>>) target_semaphore(%run_scoped3A : memref<!tpu.dma_semaphore, #tpu.memory_space<semaphore_mem>>)
      %dma_wait3A = arith.constant 0 : i32
      %dma_wait3A_75 = arith.constant 0 : i32
      %dma_wait3A_76 = tpu.memref_slice %arg6[%dma_wait3A, %dma_wait3A_75] : memref<128x128xf32, #tpu.memory_space<vmem>> -> memref<120x128xf32, #tpu.memory_space<vmem>>
      %dma_wait3A_77 = arith.constant 0 : i32
      %dma_wait3A_78 = tpu.memref_slice %arg5[%arg0, %multiple_of3A_63, %dma_wait3A_77] : memref<2x10112x128xf32, #tpu.memory_space<hbm>> -> memref<1x120x128xf32, #tpu.memory_space<hbm>>
      %dma_wait3A_79 = tpu.memref_squeeze %dma_wait3A_78 : memref<1x120x128xf32, #tpu.memory_space<hbm>> -> memref<120x128xf32, #tpu.memory_space<hbm>>
      %dma_wait3A_80 = arith.constant 0 : i32
      %dma_wait3A_81 = tpu.memref_slice %arg5[%arg0, %multiple_of3A_63, %dma_wait3A_80] : memref<2x10112x128xf32, #tpu.memory_space<hbm>> -> memref<1x120x128xf32, #tpu.memory_space<hbm>>
      %dma_wait3A_82 = tpu.memref_squeeze %dma_wait3A_81 : memref<1x120x128xf32, #tpu.memory_space<hbm>> -> memref<120x128xf32, #tpu.memory_space<hbm>>
      %dma_wait3A_83 = arith.constant 0 : i32
      %dma_wait3A_84 = arith.constant 0 : i32
      %dma_wait3A_85 = tpu.memref_slice %arg6[%dma_wait3A_83, %dma_wait3A_84] : memref<128x128xf32, #tpu.memory_space<vmem>> -> memref<120x128xf32, #tpu.memory_space<vmem>>
      tpu.wait_dma2 semaphore(%run_scoped3A : memref<!tpu.dma_semaphore, #tpu.memory_space<semaphore_mem>>) src(%dma_wait3A_85 : memref<120x128xf32, #tpu.memory_space<vmem>>) dst(%dma_wait3A_82 : memref<120x128xf32, #tpu.memory_space<hbm>>)
      tpu.yield
    }) : () -> ()
    return
  }
}

#map = affine_map<(d0, d1) -> (0)>
#map1 = affine_map<(d0, d1) -> (0, 0, 0)>
module attributes {stable_mosaic.version = 14 : i64} {
  func.func @_deg_kernel(%arg0: i32, %arg1: i32, %arg2: memref<327680xi32, #tpu.memory_space<hbm>>, %arg3: memref<2x10112x16xf32, #tpu.memory_space<hbm>>, %arg4: memref<128xi32, #tpu.memory_space<vmem>>, %arg5: memref<128xi32, #tpu.memory_space<vmem>>, %arg6: memref<128x16xf32, #tpu.memory_space<vmem>>, %arg7: memref<10112x16xf32, #tpu.memory_space<vmem_shared>>, %arg8: memref<!tpu.dma_semaphore, #tpu.memory_space<semaphore_mem>>, %arg9: memref<!tpu.dma_semaphore, #tpu.memory_space<semaphore_mem>>, %arg10: memref<!tpu.dma_semaphore, #tpu.memory_space<semaphore_mem>>, %arg11: memref<!tpu.dma_semaphore, #tpu.memory_space<semaphore_mem>>) attributes {dimension_semantics = [#tpu.dimension_semantics<core_parallel>, #tpu.dimension_semantics<subcore_parallel>], iteration_bounds = array<i64: 2, 16>, scalar_prefetch = 0 : i64, scratch_operands = 8 : i64, tpu.core_type = #tpu.core_type<sc_vector_subcore>, window_params = [{transform_indices = #map}, {transform_indices = #map1}]} {
    %mul3A = arith.constant 2 : i32
    %mul3A_0 = arith.muli %arg1, %mul3A : i32
    %add3A = arith.addi %mul3A_0, %arg0 : i32
    %scan3A = arith.constant 0 : i32
    %scan3A_1 = arith.constant 0 : i32
    %scan3A_2 = arith.constant 128 : i32
    %scan3A_3 = arith.addi %scan3A_1, %scan3A_2 : i32
    %scan3A_4 = arith.constant 1 : i32
    %scan3A_5 = scf.for %scan3A_84 = %scan3A_1 to %scan3A_3 step %scan3A_4 iter_args(%scan3A_85 = %scan3A) -> (i32)  : i32 {
      %broadcast_in_dim3A = arith.constant 0.000000e+00 : f32
      %broadcast_in_dim3A_86 = vector.broadcast %broadcast_in_dim3A : f32 to vector<16xf32>
      %swap3A = arith.index_cast %scan3A_84 : i32 to index
      %swap3A_87 = arith.constant 0 : index
      %swap3A_88 = tpu.vector_load %arg6[%swap3A, %swap3A_87] {strides = array<i32>} : memref<128x16xf32, #tpu.memory_space<vmem>>, vector<1x16xf32>,
      %swap3A_89 = vector.shape_cast %swap3A_88 : vector<1x16xf32> to vector<16xf32>
      %swap3A_90 = vector.shape_cast %broadcast_in_dim3A_86 : vector<16xf32> to vector<1x16xf32>
      tpu.vector_store %arg6[%swap3A, %swap3A_87], %swap3A_90 {strides = array<i32>} : memref<128x16xf32, #tpu.memory_space<vmem>>, vector<1x16xf32>,
      %scan3A_91 = arith.constant 0 : i32
      scf.yield %scan3A_91 : i32
    }
    %scan3A_6 = arith.constant 128 : i32
    %mul3A_7 = arith.constant 632 : i32
    %mul3A_8 = arith.muli %arg1, %mul3A_7 : i32
    %add3A_9 = arith.constant 0 : i32
    %add3A_10 = arith.addi %mul3A_8, %add3A_9 : i32
    %multiple_of3A = tpu.assume_multiple %add3A_10, 8 : i32
    "tpu.region"() ({
      %run_scoped3A = tpu.sem_alloc : memref<!tpu.dma_semaphore, #tpu.memory_space<semaphore_mem>>
      %dma_start3A_84 = arith.constant 0 : i32
      %dma_start3A_85 = arith.constant 0 : i32
      %dma_start3A_86 = tpu.memref_slice %arg6[%dma_start3A_84, %dma_start3A_85] : memref<128x16xf32, #tpu.memory_space<vmem>> -> memref<128x16xf32, #tpu.memory_space<vmem>>
      %dma_start3A_87 = arith.constant 0 : i32
      %dma_start3A_88 = tpu.memref_slice %arg7[%multiple_of3A, %dma_start3A_87] : memref<10112x16xf32, #tpu.memory_space<vmem_shared>> -> memref<128x16xf32, #tpu.memory_space<vmem_shared>>
      %dma_start3A_89 = arith.constant 0 : i32
      %dma_start3A_90 = tpu.memref_slice %arg7[%multiple_of3A, %dma_start3A_89] : memref<10112x16xf32, #tpu.memory_space<vmem_shared>> -> memref<128x16xf32, #tpu.memory_space<vmem_shared>>
      %dma_start3A_91 = arith.constant 0 : i32
      %dma_start3A_92 = arith.constant 0 : i32
      %dma_start3A_93 = tpu.memref_slice %arg6[%dma_start3A_91, %dma_start3A_92] : memref<128x16xf32, #tpu.memory_space<vmem>> -> memref<128x16xf32, #tpu.memory_space<vmem>>
      tpu.enqueue_dma source(%dma_start3A_93 : memref<128x16xf32, #tpu.memory_space<vmem>>) target(%dma_start3A_90 : memref<128x16xf32, #tpu.memory_space<vmem_shared>>) target_semaphore(%run_scoped3A : memref<!tpu.dma_semaphore, #tpu.memory_space<semaphore_mem>>)
      %dma_wait3A = arith.constant 0 : i32
      %dma_wait3A_94 = arith.constant 0 : i32
      %dma_wait3A_95 = tpu.memref_slice %arg6[%dma_wait3A, %dma_wait3A_94] : memref<128x16xf32, #tpu.memory_space<vmem>> -> memref<128x16xf32, #tpu.memory_space<vmem>>
      %dma_wait3A_96 = arith.constant 0 : i32
      %dma_wait3A_97 = tpu.memref_slice %arg7[%multiple_of3A, %dma_wait3A_96] : memref<10112x16xf32, #tpu.memory_space<vmem_shared>> -> memref<128x16xf32, #tpu.memory_space<vmem_shared>>
      %dma_wait3A_98 = arith.constant 0 : i32
      %dma_wait3A_99 = tpu.memref_slice %arg7[%multiple_of3A, %dma_wait3A_98] : memref<10112x16xf32, #tpu.memory_space<vmem_shared>> -> memref<128x16xf32, #tpu.memory_space<vmem_shared>>
      %dma_wait3A_100 = arith.constant 0 : i32
      %dma_wait3A_101 = arith.constant 0 : i32
      %dma_wait3A_102 = tpu.memref_slice %arg6[%dma_wait3A_100, %dma_wait3A_101] : memref<128x16xf32, #tpu.memory_space<vmem>> -> memref<128x16xf32, #tpu.memory_space<vmem>>
      tpu.wait_dma2 semaphore(%run_scoped3A : memref<!tpu.dma_semaphore, #tpu.memory_space<semaphore_mem>>) src(%dma_wait3A_102 : memref<128x16xf32, #tpu.memory_space<vmem>>) dst(%dma_wait3A_99 : memref<128x16xf32, #tpu.memory_space<vmem_shared>>)
      tpu.yield
    }) : () -> ()
    %mul3A_11 = arith.constant 632 : i32
    %mul3A_12 = arith.muli %arg1, %mul3A_11 : i32
    %add3A_13 = arith.constant 128 : i32
    %add3A_14 = arith.addi %mul3A_12, %add3A_13 : i32
    %multiple_of3A_15 = tpu.assume_multiple %add3A_14, 8 : i32
    "tpu.region"() ({
      %run_scoped3A = tpu.sem_alloc : memref<!tpu.dma_semaphore, #tpu.memory_space<semaphore_mem>>
      %dma_start3A_84 = arith.constant 0 : i32
      %dma_start3A_85 = arith.constant 0 : i32
      %dma_start3A_86 = tpu.memref_slice %arg6[%dma_start3A_84, %dma_start3A_85] : memref<128x16xf32, #tpu.memory_space<vmem>> -> memref<128x16xf32, #tpu.memory_space<vmem>>
      %dma_start3A_87 = arith.constant 0 : i32
      %dma_start3A_88 = tpu.memref_slice %arg7[%multiple_of3A_15, %dma_start3A_87] : memref<10112x16xf32, #tpu.memory_space<vmem_shared>> -> memref<128x16xf32, #tpu.memory_space<vmem_shared>>
      %dma_start3A_89 = arith.constant 0 : i32
      %dma_start3A_90 = tpu.memref_slice %arg7[%multiple_of3A_15, %dma_start3A_89] : memref<10112x16xf32, #tpu.memory_space<vmem_shared>> -> memref<128x16xf32, #tpu.memory_space<vmem_shared>>
      %dma_start3A_91 = arith.constant 0 : i32
      %dma_start3A_92 = arith.constant 0 : i32
      %dma_start3A_93 = tpu.memref_slice %arg6[%dma_start3A_91, %dma_start3A_92] : memref<128x16xf32, #tpu.memory_space<vmem>> -> memref<128x16xf32, #tpu.memory_space<vmem>>
      tpu.enqueue_dma source(%dma_start3A_93 : memref<128x16xf32, #tpu.memory_space<vmem>>) target(%dma_start3A_90 : memref<128x16xf32, #tpu.memory_space<vmem_shared>>) target_semaphore(%run_scoped3A : memref<!tpu.dma_semaphore, #tpu.memory_space<semaphore_mem>>)
      %dma_wait3A = arith.constant 0 : i32
      %dma_wait3A_94 = arith.constant 0 : i32
      %dma_wait3A_95 = tpu.memref_slice %arg6[%dma_wait3A, %dma_wait3A_94] : memref<128x16xf32, #tpu.memory_space<vmem>> -> memref<128x16xf32, #tpu.memory_space<vmem>>
      %dma_wait3A_96 = arith.constant 0 : i32
      %dma_wait3A_97 = tpu.memref_slice %arg7[%multiple_of3A_15, %dma_wait3A_96] : memref<10112x16xf32, #tpu.memory_space<vmem_shared>> -> memref<128x16xf32, #tpu.memory_space<vmem_shared>>
      %dma_wait3A_98 = arith.constant 0 : i32
      %dma_wait3A_99 = tpu.memref_slice %arg7[%multiple_of3A_15, %dma_wait3A_98] : memref<10112x16xf32, #tpu.memory_space<vmem_shared>> -> memref<128x16xf32, #tpu.memory_space<vmem_shared>>
      %dma_wait3A_100 = arith.constant 0 : i32
      %dma_wait3A_101 = arith.constant 0 : i32
      %dma_wait3A_102 = tpu.memref_slice %arg6[%dma_wait3A_100, %dma_wait3A_101] : memref<128x16xf32, #tpu.memory_space<vmem>> -> memref<128x16xf32, #tpu.memory_space<vmem>>
      tpu.wait_dma2 semaphore(%run_scoped3A : memref<!tpu.dma_semaphore, #tpu.memory_space<semaphore_mem>>) src(%dma_wait3A_102 : memref<128x16xf32, #tpu.memory_space<vmem>>) dst(%dma_wait3A_99 : memref<128x16xf32, #tpu.memory_space<vmem_shared>>)
      tpu.yield
    }) : () -> ()
    %mul3A_16 = arith.constant 632 : i32
    %mul3A_17 = arith.muli %arg1, %mul3A_16 : i32
    %add3A_18 = arith.constant 256 : i32
    %add3A_19 = arith.addi %mul3A_17, %add3A_18 : i32
    %multiple_of3A_20 = tpu.assume_multiple %add3A_19, 8 : i32
    "tpu.region"() ({
      %run_scoped3A = tpu.sem_alloc : memref<!tpu.dma_semaphore, #tpu.memory_space<semaphore_mem>>
      %dma_start3A_84 = arith.constant 0 : i32
      %dma_start3A_85 = arith.constant 0 : i32
      %dma_start3A_86 = tpu.memref_slice %arg6[%dma_start3A_84, %dma_start3A_85] : memref<128x16xf32, #tpu.memory_space<vmem>> -> memref<128x16xf32, #tpu.memory_space<vmem>>
      %dma_start3A_87 = arith.constant 0 : i32
      %dma_start3A_88 = tpu.memref_slice %arg7[%multiple_of3A_20, %dma_start3A_87] : memref<10112x16xf32, #tpu.memory_space<vmem_shared>> -> memref<128x16xf32, #tpu.memory_space<vmem_shared>>
      %dma_start3A_89 = arith.constant 0 : i32
      %dma_start3A_90 = tpu.memref_slice %arg7[%multiple_of3A_20, %dma_start3A_89] : memref<10112x16xf32, #tpu.memory_space<vmem_shared>> -> memref<128x16xf32, #tpu.memory_space<vmem_shared>>
      %dma_start3A_91 = arith.constant 0 : i32
      %dma_start3A_92 = arith.constant 0 : i32
      %dma_start3A_93 = tpu.memref_slice %arg6[%dma_start3A_91, %dma_start3A_92] : memref<128x16xf32, #tpu.memory_space<vmem>> -> memref<128x16xf32, #tpu.memory_space<vmem>>
      tpu.enqueue_dma source(%dma_start3A_93 : memref<128x16xf32, #tpu.memory_space<vmem>>) target(%dma_start3A_90 : memref<128x16xf32, #tpu.memory_space<vmem_shared>>) target_semaphore(%run_scoped3A : memref<!tpu.dma_semaphore, #tpu.memory_space<semaphore_mem>>)
      %dma_wait3A = arith.constant 0 : i32
      %dma_wait3A_94 = arith.constant 0 : i32
      %dma_wait3A_95 = tpu.memref_slice %arg6[%dma_wait3A, %dma_wait3A_94] : memref<128x16xf32, #tpu.memory_space<vmem>> -> memref<128x16xf32, #tpu.memory_space<vmem>>
      %dma_wait3A_96 = arith.constant 0 : i32
      %dma_wait3A_97 = tpu.memref_slice %arg7[%multiple_of3A_20, %dma_wait3A_96] : memref<10112x16xf32, #tpu.memory_space<vmem_shared>> -> memref<128x16xf32, #tpu.memory_space<vmem_shared>>
      %dma_wait3A_98 = arith.constant 0 : i32
      %dma_wait3A_99 = tpu.memref_slice %arg7[%multiple_of3A_20, %dma_wait3A_98] : memref<10112x16xf32, #tpu.memory_space<vmem_shared>> -> memref<128x16xf32, #tpu.memory_space<vmem_shared>>
      %dma_wait3A_100 = arith.constant 0 : i32
      %dma_wait3A_101 = arith.constant 0 : i32
      %dma_wait3A_102 = tpu.memref_slice %arg6[%dma_wait3A_100, %dma_wait3A_101] : memref<128x16xf32, #tpu.memory_space<vmem>> -> memref<128x16xf32, #tpu.memory_space<vmem>>
      tpu.wait_dma2 semaphore(%run_scoped3A : memref<!tpu.dma_semaphore, #tpu.memory_space<semaphore_mem>>) src(%dma_wait3A_102 : memref<128x16xf32, #tpu.memory_space<vmem>>) dst(%dma_wait3A_99 : memref<128x16xf32, #tpu.memory_space<vmem_shared>>)
      tpu.yield
    }) : () -> ()
    %mul3A_21 = arith.constant 632 : i32
    %mul3A_22 = arith.muli %arg1, %mul3A_21 : i32
    %add3A_23 = arith.constant 384 : i32
    %add3A_24 = arith.addi %mul3A_22, %add3A_23 : i32
    %multiple_of3A_25 = tpu.assume_multiple %add3A_24, 8 : i32
    "tpu.region"() ({
      %run_scoped3A = tpu.sem_alloc : memref<!tpu.dma_semaphore, #tpu.memory_space<semaphore_mem>>
      %dma_start3A_84 = arith.constant 0 : i32
      %dma_start3A_85 = arith.constant 0 : i32
      %dma_start3A_86 = tpu.memref_slice %arg6[%dma_start3A_84, %dma_start3A_85] : memref<128x16xf32, #tpu.memory_space<vmem>> -> memref<128x16xf32, #tpu.memory_space<vmem>>
      %dma_start3A_87 = arith.constant 0 : i32
      %dma_start3A_88 = tpu.memref_slice %arg7[%multiple_of3A_25, %dma_start3A_87] : memref<10112x16xf32, #tpu.memory_space<vmem_shared>> -> memref<128x16xf32, #tpu.memory_space<vmem_shared>>
      %dma_start3A_89 = arith.constant 0 : i32
      %dma_start3A_90 = tpu.memref_slice %arg7[%multiple_of3A_25, %dma_start3A_89] : memref<10112x16xf32, #tpu.memory_space<vmem_shared>> -> memref<128x16xf32, #tpu.memory_space<vmem_shared>>
      %dma_start3A_91 = arith.constant 0 : i32
      %dma_start3A_92 = arith.constant 0 : i32
      %dma_start3A_93 = tpu.memref_slice %arg6[%dma_start3A_91, %dma_start3A_92] : memref<128x16xf32, #tpu.memory_space<vmem>> -> memref<128x16xf32, #tpu.memory_space<vmem>>
      tpu.enqueue_dma source(%dma_start3A_93 : memref<128x16xf32, #tpu.memory_space<vmem>>) target(%dma_start3A_90 : memref<128x16xf32, #tpu.memory_space<vmem_shared>>) target_semaphore(%run_scoped3A : memref<!tpu.dma_semaphore, #tpu.memory_space<semaphore_mem>>)
      %dma_wait3A = arith.constant 0 : i32
      %dma_wait3A_94 = arith.constant 0 : i32
      %dma_wait3A_95 = tpu.memref_slice %arg6[%dma_wait3A, %dma_wait3A_94] : memref<128x16xf32, #tpu.memory_space<vmem>> -> memref<128x16xf32, #tpu.memory_space<vmem>>
      %dma_wait3A_96 = arith.constant 0 : i32
      %dma_wait3A_97 = tpu.memref_slice %arg7[%multiple_of3A_25, %dma_wait3A_96] : memref<10112x16xf32, #tpu.memory_space<vmem_shared>> -> memref<128x16xf32, #tpu.memory_space<vmem_shared>>
      %dma_wait3A_98 = arith.constant 0 : i32
      %dma_wait3A_99 = tpu.memref_slice %arg7[%multiple_of3A_25, %dma_wait3A_98] : memref<10112x16xf32, #tpu.memory_space<vmem_shared>> -> memref<128x16xf32, #tpu.memory_space<vmem_shared>>
      %dma_wait3A_100 = arith.constant 0 : i32
      %dma_wait3A_101 = arith.constant 0 : i32
      %dma_wait3A_102 = tpu.memref_slice %arg6[%dma_wait3A_100, %dma_wait3A_101] : memref<128x16xf32, #tpu.memory_space<vmem>> -> memref<128x16xf32, #tpu.memory_space<vmem>>
      tpu.wait_dma2 semaphore(%run_scoped3A : memref<!tpu.dma_semaphore, #tpu.memory_space<semaphore_mem>>) src(%dma_wait3A_102 : memref<128x16xf32, #tpu.memory_space<vmem>>) dst(%dma_wait3A_99 : memref<128x16xf32, #tpu.memory_space<vmem_shared>>)
      tpu.yield
    }) : () -> ()
    %mul3A_26 = arith.constant 632 : i32
    %mul3A_27 = arith.muli %arg1, %mul3A_26 : i32
    %add3A_28 = arith.constant 512 : i32
    %add3A_29 = arith.addi %mul3A_27, %add3A_28 : i32
    %multiple_of3A_30 = tpu.assume_multiple %add3A_29, 8 : i32
    "tpu.region"() ({
      %run_scoped3A = tpu.sem_alloc : memref<!tpu.dma_semaphore, #tpu.memory_space<semaphore_mem>>
      %dma_start3A_84 = arith.constant 0 : i32
      %dma_start3A_85 = arith.constant 0 : i32
      %dma_start3A_86 = tpu.memref_slice %arg6[%dma_start3A_84, %dma_start3A_85] : memref<128x16xf32, #tpu.memory_space<vmem>> -> memref<120x16xf32, #tpu.memory_space<vmem>>
      %dma_start3A_87 = arith.constant 0 : i32
      %dma_start3A_88 = tpu.memref_slice %arg7[%multiple_of3A_30, %dma_start3A_87] : memref<10112x16xf32, #tpu.memory_space<vmem_shared>> -> memref<120x16xf32, #tpu.memory_space<vmem_shared>>
      %dma_start3A_89 = arith.constant 0 : i32
      %dma_start3A_90 = tpu.memref_slice %arg7[%multiple_of3A_30, %dma_start3A_89] : memref<10112x16xf32, #tpu.memory_space<vmem_shared>> -> memref<120x16xf32, #tpu.memory_space<vmem_shared>>
      %dma_start3A_91 = arith.constant 0 : i32
      %dma_start3A_92 = arith.constant 0 : i32
      %dma_start3A_93 = tpu.memref_slice %arg6[%dma_start3A_91, %dma_start3A_92] : memref<128x16xf32, #tpu.memory_space<vmem>> -> memref<120x16xf32, #tpu.memory_space<vmem>>
      tpu.enqueue_dma source(%dma_start3A_93 : memref<120x16xf32, #tpu.memory_space<vmem>>) target(%dma_start3A_90 : memref<120x16xf32, #tpu.memory_space<vmem_shared>>) target_semaphore(%run_scoped3A : memref<!tpu.dma_semaphore, #tpu.memory_space<semaphore_mem>>)
      %dma_wait3A = arith.constant 0 : i32
      %dma_wait3A_94 = arith.constant 0 : i32
      %dma_wait3A_95 = tpu.memref_slice %arg6[%dma_wait3A, %dma_wait3A_94] : memref<128x16xf32, #tpu.memory_space<vmem>> -> memref<120x16xf32, #tpu.memory_space<vmem>>
      %dma_wait3A_96 = arith.constant 0 : i32
      %dma_wait3A_97 = tpu.memref_slice %arg7[%multiple_of3A_30, %dma_wait3A_96] : memref<10112x16xf32, #tpu.memory_space<vmem_shared>> -> memref<120x16xf32, #tpu.memory_space<vmem_shared>>
      %dma_wait3A_98 = arith.constant 0 : i32
      %dma_wait3A_99 = tpu.memref_slice %arg7[%multiple_of3A_30, %dma_wait3A_98] : memref<10112x16xf32, #tpu.memory_space<vmem_shared>> -> memref<120x16xf32, #tpu.memory_space<vmem_shared>>
      %dma_wait3A_100 = arith.constant 0 : i32
      %dma_wait3A_101 = arith.constant 0 : i32
      %dma_wait3A_102 = tpu.memref_slice %arg6[%dma_wait3A_100, %dma_wait3A_101] : memref<128x16xf32, #tpu.memory_space<vmem>> -> memref<120x16xf32, #tpu.memory_space<vmem>>
      tpu.wait_dma2 semaphore(%run_scoped3A : memref<!tpu.dma_semaphore, #tpu.memory_space<semaphore_mem>>) src(%dma_wait3A_102 : memref<120x16xf32, #tpu.memory_space<vmem>>) dst(%dma_wait3A_99 : memref<120x16xf32, #tpu.memory_space<vmem_shared>>)
      tpu.yield
    }) : () -> ()
    %scan3A_31 = arith.constant 0 : i32
    %scan3A_32 = arith.constant 0 : i32
    %scan3A_33 = arith.constant 128 : i32
    %scan3A_34 = arith.addi %scan3A_32, %scan3A_33 : i32
    %scan3A_35 = arith.constant 1 : i32
    %scan3A_36 = scf.for %scan3A_84 = %scan3A_32 to %scan3A_34 step %scan3A_35 iter_args(%scan3A_85 = %scan3A_31) -> (i32)  : i32 {
      %broadcast_in_dim3A = arith.constant 1.000000e+00 : f32
      %broadcast_in_dim3A_86 = vector.broadcast %broadcast_in_dim3A : f32 to vector<16xf32>
      %swap3A = arith.index_cast %scan3A_84 : i32 to index
      %swap3A_87 = arith.constant 0 : index
      %swap3A_88 = tpu.vector_load %arg6[%swap3A, %swap3A_87] {strides = array<i32>} : memref<128x16xf32, #tpu.memory_space<vmem>>, vector<1x16xf32>,
      %swap3A_89 = vector.shape_cast %swap3A_88 : vector<1x16xf32> to vector<16xf32>
      %swap3A_90 = vector.shape_cast %broadcast_in_dim3A_86 : vector<16xf32> to vector<1x16xf32>
      tpu.vector_store %arg6[%swap3A, %swap3A_87], %swap3A_90 {strides = array<i32>} : memref<128x16xf32, #tpu.memory_space<vmem>>, vector<1x16xf32>,
      %scan3A_91 = arith.constant 0 : i32
      scf.yield %scan3A_91 : i32
    }
    %scan3A_37 = arith.constant 128 : i32
    %barrier3A = arith.constant 0 : index
    tpu.barrier barrier_id(%barrier3A)
    %mul3A_38 = arith.constant 80 : i32
    %mul3A_39 = arith.muli %add3A, %mul3A_38 : i32
    %mul3A_40 = arith.constant 128 : i32
    %mul3A_41 = arith.muli %mul3A_39, %mul3A_40 : i32
    %add3A_42 = arith.constant 0 : i32
    %add3A_43 = arith.addi %mul3A_41, %add3A_42 : i32
    %multiple_of3A_44 = tpu.assume_multiple %add3A_43, 128 : i32
    %dma_start3A = tpu.memref_slice %arg2[%multiple_of3A_44] : memref<327680xi32, #tpu.memory_space<hbm>> -> memref<128xi32, #tpu.memory_space<hbm>>
    %dma_start3A_45 = tpu.memref_slice %arg2[%multiple_of3A_44] : memref<327680xi32, #tpu.memory_space<hbm>> -> memref<128xi32, #tpu.memory_space<hbm>>
    tpu.enqueue_dma source(%dma_start3A_45 : memref<128xi32, #tpu.memory_space<hbm>>) target(%arg4 : memref<128xi32, #tpu.memory_space<vmem>>) target_semaphore(%arg8 : memref<!tpu.dma_semaphore, #tpu.memory_space<semaphore_mem>>)
    %add3A_46 = arith.constant 128 : i32
    %add3A_47 = arith.addi %mul3A_41, %add3A_46 : i32
    %multiple_of3A_48 = tpu.assume_multiple %add3A_47, 128 : i32
    %dma_start3A_49 = tpu.memref_slice %arg2[%multiple_of3A_48] : memref<327680xi32, #tpu.memory_space<hbm>> -> memref<128xi32, #tpu.memory_space<hbm>>
    %dma_start3A_50 = tpu.memref_slice %arg2[%multiple_of3A_48] : memref<327680xi32, #tpu.memory_space<hbm>> -> memref<128xi32, #tpu.memory_space<hbm>>
    tpu.enqueue_dma source(%dma_start3A_50 : memref<128xi32, #tpu.memory_space<hbm>>) target(%arg5 : memref<128xi32, #tpu.memory_space<vmem>>) target_semaphore(%arg9 : memref<!tpu.dma_semaphore, #tpu.memory_space<semaphore_mem>>)
    %scan3A_51 = arith.constant 0 : i32
    %scan3A_52 = arith.constant 0 : i32
    %scan3A_53 = arith.constant 40 : i32
    %scan3A_54 = arith.addi %scan3A_52, %scan3A_53 : i32
    %scan3A_55 = arith.constant 1 : i32
    %scan3A_56 = scf.for %scan3A_84 = %scan3A_52 to %scan3A_54 step %scan3A_55 iter_args(%scan3A_85 = %scan3A_51) -> (i32)  : i32 {
      %dma_wait3A = arith.constant 0 : i32
      %dma_wait3A_86 = tpu.memref_slice %arg2[%dma_wait3A] : memref<327680xi32, #tpu.memory_space<hbm>> -> memref<128xi32, #tpu.memory_space<hbm>>
      %dma_wait3A_87 = arith.constant 0 : i32
      %dma_wait3A_88 = tpu.memref_slice %arg2[%dma_wait3A_87] : memref<327680xi32, #tpu.memory_space<hbm>> -> memref<128xi32, #tpu.memory_space<hbm>>
      tpu.wait_dma2 semaphore(%arg8 : memref<!tpu.dma_semaphore, #tpu.memory_space<semaphore_mem>>) src(%dma_wait3A_88 : memref<128xi32, #tpu.memory_space<hbm>>) dst(%arg4 : memref<128xi32, #tpu.memory_space<vmem>>)
      %dma_start3A_89 = arith.constant 0 : i32
      %dma_start3A_90 = arith.constant 0 : i32
      %dma_start3A_91 = tpu.memref_slice %arg7[%dma_start3A_89, %dma_start3A_90] : memref<10112x16xf32, #tpu.memory_space<vmem_shared>> -> memref<10112x16xf32, #tpu.memory_space<vmem_shared>>
      tpu.enqueue_indirect_dma source(%arg6 : memref<128x16xf32, #tpu.memory_space<vmem>>) target(%dma_start3A_91 : memref<10112x16xf32, #tpu.memory_space<vmem_shared>>) offsets(%arg4 : memref<128xi32, #tpu.memory_space<vmem>>) semaphore(%arg10 : memref<!tpu.dma_semaphore, #tpu.memory_space<semaphore_mem>>) {add = true}
      %dma_wait3A_92 = arith.constant 0 : i32
      %dma_wait3A_93 = tpu.memref_slice %arg2[%dma_wait3A_92] : memref<327680xi32, #tpu.memory_space<hbm>> -> memref<128xi32, #tpu.memory_space<hbm>>
      %dma_wait3A_94 = arith.constant 0 : i32
      %dma_wait3A_95 = tpu.memref_slice %arg2[%dma_wait3A_94] : memref<327680xi32, #tpu.memory_space<hbm>> -> memref<128xi32, #tpu.memory_space<hbm>>
      tpu.wait_dma2 semaphore(%arg9 : memref<!tpu.dma_semaphore, #tpu.memory_space<semaphore_mem>>) src(%dma_wait3A_95 : memref<128xi32, #tpu.memory_space<hbm>>) dst(%arg5 : memref<128xi32, #tpu.memory_space<vmem>>)
      %dma_start3A_96 = arith.constant 0 : i32
      %dma_start3A_97 = arith.constant 0 : i32
      %dma_start3A_98 = tpu.memref_slice %arg7[%dma_start3A_96, %dma_start3A_97] : memref<10112x16xf32, #tpu.memory_space<vmem_shared>> -> memref<10112x16xf32, #tpu.memory_space<vmem_shared>>
      tpu.enqueue_indirect_dma source(%arg6 : memref<128x16xf32, #tpu.memory_space<vmem>>) target(%dma_start3A_98 : memref<10112x16xf32, #tpu.memory_space<vmem_shared>>) offsets(%arg5 : memref<128xi32, #tpu.memory_space<vmem>>) semaphore(%arg11 : memref<!tpu.dma_semaphore, #tpu.memory_space<semaphore_mem>>) {add = true}
      %dma_wait3A_99 = arith.constant 0 : i32
      %dma_wait3A_100 = arith.constant 0 : i32
      %dma_wait3A_101 = tpu.memref_slice %arg7[%dma_wait3A_99, %dma_wait3A_100] : memref<10112x16xf32, #tpu.memory_space<vmem_shared>> -> memref<10112x16xf32, #tpu.memory_space<vmem_shared>>
      tpu.wait_indirect_dma semaphore(%arg10 : memref<!tpu.dma_semaphore, #tpu.memory_space<semaphore_mem>>) src(%arg6 : memref<128x16xf32, #tpu.memory_space<vmem>>) dst(%dma_wait3A_101 : memref<10112x16xf32, #tpu.memory_space<vmem_shared>>)
      %dma_wait3A_102 = arith.constant 0 : i32
      %dma_wait3A_103 = arith.constant 0 : i32
      %dma_wait3A_104 = tpu.memref_slice %arg7[%dma_wait3A_102, %dma_wait3A_103] : memref<10112x16xf32, #tpu.memory_space<vmem_shared>> -> memref<10112x16xf32, #tpu.memory_space<vmem_shared>>
      tpu.wait_indirect_dma semaphore(%arg11 : memref<!tpu.dma_semaphore, #tpu.memory_space<semaphore_mem>>) src(%arg6 : memref<128x16xf32, #tpu.memory_space<vmem>>) dst(%dma_wait3A_104 : memref<10112x16xf32, #tpu.memory_space<vmem_shared>>)
      %lt3A = arith.constant 39 : i32
      %lt3A_105 = arith.cmpi slt, %scan3A_84, %lt3A : i32
      %convert_element_type3A = arith.extui %lt3A_105 : i1 to i32
      %cond3A = arith.constant 0 : i32
      %cond3A_106 = arith.cmpi ne, %convert_element_type3A, %cond3A : i32
      scf.if %cond3A_106 {
        %add3A_108 = arith.constant 1 : i32
        %add3A_109 = arith.addi %scan3A_84, %add3A_108 : i32
        %mul3A_110 = arith.constant 2 : i32
        %mul3A_111 = arith.muli %add3A_109, %mul3A_110 : i32
        %add3A_112 = arith.constant 0 : i32
        %add3A_113 = arith.addi %mul3A_111, %add3A_112 : i32
        %mul3A_114 = arith.constant 128 : i32
        %mul3A_115 = arith.muli %add3A_113, %mul3A_114 : i32
        %add3A_116 = arith.addi %mul3A_41, %mul3A_115 : i32
        %multiple_of3A_117 = tpu.assume_multiple %add3A_116, 128 : i32
        %dma_start3A_118 = tpu.memref_slice %arg2[%multiple_of3A_117] : memref<327680xi32, #tpu.memory_space<hbm>> -> memref<128xi32, #tpu.memory_space<hbm>>
        %dma_start3A_119 = tpu.memref_slice %arg2[%multiple_of3A_117] : memref<327680xi32, #tpu.memory_space<hbm>> -> memref<128xi32, #tpu.memory_space<hbm>>
        tpu.enqueue_dma source(%dma_start3A_119 : memref<128xi32, #tpu.memory_space<hbm>>) target(%arg4 : memref<128xi32, #tpu.memory_space<vmem>>) target_semaphore(%arg8 : memref<!tpu.dma_semaphore, #tpu.memory_space<semaphore_mem>>)
        %add3A_120 = arith.constant 1 : i32
        %add3A_121 = arith.addi %scan3A_84, %add3A_120 : i32
        %mul3A_122 = arith.constant 2 : i32
        %mul3A_123 = arith.muli %add3A_121, %mul3A_122 : i32
        %add3A_124 = arith.constant 1 : i32
        %add3A_125 = arith.addi %mul3A_123, %add3A_124 : i32
        %mul3A_126 = arith.constant 128 : i32
        %mul3A_127 = arith.muli %add3A_125, %mul3A_126 : i32
        %add3A_128 = arith.addi %mul3A_41, %mul3A_127 : i32
        %multiple_of3A_129 = tpu.assume_multiple %add3A_128, 128 : i32
        %dma_start3A_130 = tpu.memref_slice %arg2[%multiple_of3A_129] : memref<327680xi32, #tpu.memory_space<hbm>> -> memref<128xi32, #tpu.memory_space<hbm>>
        %dma_start3A_131 = tpu.memref_slice %arg2[%multiple_of3A_129] : memref<327680xi32, #tpu.memory_space<hbm>> -> memref<128xi32, #tpu.memory_space<hbm>>
        tpu.enqueue_dma source(%dma_start3A_131 : memref<128xi32, #tpu.memory_space<hbm>>) target(%arg5 : memref<128xi32, #tpu.memory_space<vmem>>) target_semaphore(%arg9 : memref<!tpu.dma_semaphore, #tpu.memory_space<semaphore_mem>>)
      } else {
      }
      %scan3A_107 = arith.constant 0 : i32
      scf.yield %scan3A_107 : i32
    }
    %scan3A_57 = arith.constant 40 : i32
    %barrier3A_58 = arith.constant 0 : index
    tpu.barrier barrier_id(%barrier3A_58)
    %mul3A_59 = arith.constant 632 : i32
    %mul3A_60 = arith.muli %arg1, %mul3A_59 : i32
    %add3A_61 = arith.constant 0 : i32
    %add3A_62 = arith.addi %mul3A_60, %add3A_61 : i32
    %multiple_of3A_63 = tpu.assume_multiple %add3A_62, 8 : i32
    "tpu.region"() ({
      %run_scoped3A = tpu.sem_alloc : memref<!tpu.dma_semaphore, #tpu.memory_space<semaphore_mem>>
      %dma_start3A_84 = arith.constant 0 : i32
      %dma_start3A_85 = arith.constant 0 : i32
      %dma_start3A_86 = tpu.memref_slice %arg6[%dma_start3A_84, %dma_start3A_85] : memref<128x16xf32, #tpu.memory_space<vmem>> -> memref<128x16xf32, #tpu.memory_space<vmem>>
      %dma_start3A_87 = arith.constant 0 : i32
      %dma_start3A_88 = tpu.memref_slice %arg7[%multiple_of3A_63, %dma_start3A_87] : memref<10112x16xf32, #tpu.memory_space<vmem_shared>> -> memref<128x16xf32, #tpu.memory_space<vmem_shared>>
      %dma_start3A_89 = arith.constant 0 : i32
      %dma_start3A_90 = arith.constant 0 : i32
      %dma_start3A_91 = tpu.memref_slice %arg6[%dma_start3A_89, %dma_start3A_90] : memref<128x16xf32, #tpu.memory_space<vmem>> -> memref<128x16xf32, #tpu.memory_space<vmem>>
      %dma_start3A_92 = arith.constant 0 : i32
      %dma_start3A_93 = tpu.memref_slice %arg7[%multiple_of3A_63, %dma_start3A_92] : memref<10112x16xf32, #tpu.memory_space<vmem_shared>> -> memref<128x16xf32, #tpu.memory_space<vmem_shared>>
      tpu.enqueue_dma source(%dma_start3A_93 : memref<128x16xf32, #tpu.memory_space<vmem_shared>>) target(%dma_start3A_91 : memref<128x16xf32, #tpu.memory_space<vmem>>) target_semaphore(%run_scoped3A : memref<!tpu.dma_semaphore, #tpu.memory_space<semaphore_mem>>)
      %dma_wait3A = arith.constant 0 : i32
      %dma_wait3A_94 = arith.constant 0 : i32
      %dma_wait3A_95 = tpu.memref_slice %arg6[%dma_wait3A, %dma_wait3A_94] : memref<128x16xf32, #tpu.memory_space<vmem>> -> memref<128x16xf32, #tpu.memory_space<vmem>>
      %dma_wait3A_96 = arith.constant 0 : i32
      %dma_wait3A_97 = tpu.memref_slice %arg7[%multiple_of3A_63, %dma_wait3A_96] : memref<10112x16xf32, #tpu.memory_space<vmem_shared>> -> memref<128x16xf32, #tpu.memory_space<vmem_shared>>
      %dma_wait3A_98 = arith.constant 0 : i32
      %dma_wait3A_99 = arith.constant 0 : i32
      %dma_wait3A_100 = tpu.memref_slice %arg6[%dma_wait3A_98, %dma_wait3A_99] : memref<128x16xf32, #tpu.memory_space<vmem>> -> memref<128x16xf32, #tpu.memory_space<vmem>>
      %dma_wait3A_101 = arith.constant 0 : i32
      %dma_wait3A_102 = tpu.memref_slice %arg7[%multiple_of3A_63, %dma_wait3A_101] : memref<10112x16xf32, #tpu.memory_space<vmem_shared>> -> memref<128x16xf32, #tpu.memory_space<vmem_shared>>
      tpu.wait_dma2 semaphore(%run_scoped3A : memref<!tpu.dma_semaphore, #tpu.memory_space<semaphore_mem>>) src(%dma_wait3A_102 : memref<128x16xf32, #tpu.memory_space<vmem_shared>>) dst(%dma_wait3A_100 : memref<128x16xf32, #tpu.memory_space<vmem>>)
      tpu.yield
    }) : () -> ()
    "tpu.region"() ({
      %run_scoped3A = tpu.sem_alloc : memref<!tpu.dma_semaphore, #tpu.memory_space<semaphore_mem>>
      %dma_start3A_84 = arith.constant 0 : i32
      %dma_start3A_85 = arith.constant 0 : i32
      %dma_start3A_86 = tpu.memref_slice %arg6[%dma_start3A_84, %dma_start3A_85] : memref<128x16xf32, #tpu.memory_space<vmem>> -> memref<128x16xf32, #tpu.memory_space<vmem>>
      %dma_start3A_87 = arith.constant 0 : i32
      %dma_start3A_88 = tpu.memref_slice %arg3[%arg0, %multiple_of3A_63, %dma_start3A_87] : memref<2x10112x16xf32, #tpu.memory_space<hbm>> -> memref<1x128x16xf32, #tpu.memory_space<hbm>>
      %dma_start3A_89 = tpu.memref_squeeze %dma_start3A_88 : memref<1x128x16xf32, #tpu.memory_space<hbm>> -> memref<128x16xf32, #tpu.memory_space<hbm>>
      %dma_start3A_90 = arith.constant 0 : i32
      %dma_start3A_91 = tpu.memref_slice %arg3[%arg0, %multiple_of3A_63, %dma_start3A_90] : memref<2x10112x16xf32, #tpu.memory_space<hbm>> -> memref<1x128x16xf32, #tpu.memory_space<hbm>>
      %dma_start3A_92 = tpu.memref_squeeze %dma_start3A_91 : memref<1x128x16xf32, #tpu.memory_space<hbm>> -> memref<128x16xf32, #tpu.memory_space<hbm>>
      %dma_start3A_93 = arith.constant 0 : i32
      %dma_start3A_94 = arith.constant 0 : i32
      %dma_start3A_95 = tpu.memref_slice %arg6[%dma_start3A_93, %dma_start3A_94] : memref<128x16xf32, #tpu.memory_space<vmem>> -> memref<128x16xf32, #tpu.memory_space<vmem>>
      tpu.enqueue_dma source(%dma_start3A_95 : memref<128x16xf32, #tpu.memory_space<vmem>>) target(%dma_start3A_92 : memref<128x16xf32, #tpu.memory_space<hbm>>) target_semaphore(%run_scoped3A : memref<!tpu.dma_semaphore, #tpu.memory_space<semaphore_mem>>)
      %dma_wait3A = arith.constant 0 : i32
      %dma_wait3A_96 = arith.constant 0 : i32
      %dma_wait3A_97 = tpu.memref_slice %arg6[%dma_wait3A, %dma_wait3A_96] : memref<128x16xf32, #tpu.memory_space<vmem>> -> memref<128x16xf32, #tpu.memory_space<vmem>>
      %dma_wait3A_98 = arith.constant 0 : i32
      %dma_wait3A_99 = tpu.memref_slice %arg3[%arg0, %multiple_of3A_63, %dma_wait3A_98] : memref<2x10112x16xf32, #tpu.memory_space<hbm>> -> memref<1x128x16xf32, #tpu.memory_space<hbm>>
      %dma_wait3A_100 = tpu.memref_squeeze %dma_wait3A_99 : memref<1x128x16xf32, #tpu.memory_space<hbm>> -> memref<128x16xf32, #tpu.memory_space<hbm>>
      %dma_wait3A_101 = arith.constant 0 : i32
      %dma_wait3A_102 = tpu.memref_slice %arg3[%arg0, %multiple_of3A_63, %dma_wait3A_101] : memref<2x10112x16xf32, #tpu.memory_space<hbm>> -> memref<1x128x16xf32, #tpu.memory_space<hbm>>
      %dma_wait3A_103 = tpu.memref_squeeze %dma_wait3A_102 : memref<1x128x16xf32, #tpu.memory_space<hbm>> -> memref<128x16xf32, #tpu.memory_space<hbm>>
      %dma_wait3A_104 = arith.constant 0 : i32
      %dma_wait3A_105 = arith.constant 0 : i32
      %dma_wait3A_106 = tpu.memref_slice %arg6[%dma_wait3A_104, %dma_wait3A_105] : memref<128x16xf32, #tpu.memory_space<vmem>> -> memref<128x16xf32, #tpu.memory_space<vmem>>
      tpu.wait_dma2 semaphore(%run_scoped3A : memref<!tpu.dma_semaphore, #tpu.memory_space<semaphore_mem>>) src(%dma_wait3A_106 : memref<128x16xf32, #tpu.memory_space<vmem>>) dst(%dma_wait3A_103 : memref<128x16xf32, #tpu.memory_space<hbm>>)
      tpu.yield
    }) : () -> ()
    %mul3A_64 = arith.constant 632 : i32
    %mul3A_65 = arith.muli %arg1, %mul3A_64 : i32
    %add3A_66 = arith.constant 128 : i32
    %add3A_67 = arith.addi %mul3A_65, %add3A_66 : i32
    %multiple_of3A_68 = tpu.assume_multiple %add3A_67, 8 : i32
    "tpu.region"() ({
      %run_scoped3A = tpu.sem_alloc : memref<!tpu.dma_semaphore, #tpu.memory_space<semaphore_mem>>
      %dma_start3A_84 = arith.constant 0 : i32
      %dma_start3A_85 = arith.constant 0 : i32
      %dma_start3A_86 = tpu.memref_slice %arg6[%dma_start3A_84, %dma_start3A_85] : memref<128x16xf32, #tpu.memory_space<vmem>> -> memref<128x16xf32, #tpu.memory_space<vmem>>
      %dma_start3A_87 = arith.constant 0 : i32
      %dma_start3A_88 = tpu.memref_slice %arg7[%multiple_of3A_68, %dma_start3A_87] : memref<10112x16xf32, #tpu.memory_space<vmem_shared>> -> memref<128x16xf32, #tpu.memory_space<vmem_shared>>
      %dma_start3A_89 = arith.constant 0 : i32
      %dma_start3A_90 = arith.constant 0 : i32
      %dma_start3A_91 = tpu.memref_slice %arg6[%dma_start3A_89, %dma_start3A_90] : memref<128x16xf32, #tpu.memory_space<vmem>> -> memref<128x16xf32, #tpu.memory_space<vmem>>
      %dma_start3A_92 = arith.constant 0 : i32
      %dma_start3A_93 = tpu.memref_slice %arg7[%multiple_of3A_68, %dma_start3A_92] : memref<10112x16xf32, #tpu.memory_space<vmem_shared>> -> memref<128x16xf32, #tpu.memory_space<vmem_shared>>
      tpu.enqueue_dma source(%dma_start3A_93 : memref<128x16xf32, #tpu.memory_space<vmem_shared>>) target(%dma_start3A_91 : memref<128x16xf32, #tpu.memory_space<vmem>>) target_semaphore(%run_scoped3A : memref<!tpu.dma_semaphore, #tpu.memory_space<semaphore_mem>>)
      %dma_wait3A = arith.constant 0 : i32
      %dma_wait3A_94 = arith.constant 0 : i32
      %dma_wait3A_95 = tpu.memref_slice %arg6[%dma_wait3A, %dma_wait3A_94] : memref<128x16xf32, #tpu.memory_space<vmem>> -> memref<128x16xf32, #tpu.memory_space<vmem>>
      %dma_wait3A_96 = arith.constant 0 : i32
      %dma_wait3A_97 = tpu.memref_slice %arg7[%multiple_of3A_68, %dma_wait3A_96] : memref<10112x16xf32, #tpu.memory_space<vmem_shared>> -> memref<128x16xf32, #tpu.memory_space<vmem_shared>>
      %dma_wait3A_98 = arith.constant 0 : i32
      %dma_wait3A_99 = arith.constant 0 : i32
      %dma_wait3A_100 = tpu.memref_slice %arg6[%dma_wait3A_98, %dma_wait3A_99] : memref<128x16xf32, #tpu.memory_space<vmem>> -> memref<128x16xf32, #tpu.memory_space<vmem>>
      %dma_wait3A_101 = arith.constant 0 : i32
      %dma_wait3A_102 = tpu.memref_slice %arg7[%multiple_of3A_68, %dma_wait3A_101] : memref<10112x16xf32, #tpu.memory_space<vmem_shared>> -> memref<128x16xf32, #tpu.memory_space<vmem_shared>>
      tpu.wait_dma2 semaphore(%run_scoped3A : memref<!tpu.dma_semaphore, #tpu.memory_space<semaphore_mem>>) src(%dma_wait3A_102 : memref<128x16xf32, #tpu.memory_space<vmem_shared>>) dst(%dma_wait3A_100 : memref<128x16xf32, #tpu.memory_space<vmem>>)
      tpu.yield
    }) : () -> ()
    "tpu.region"() ({
      %run_scoped3A = tpu.sem_alloc : memref<!tpu.dma_semaphore, #tpu.memory_space<semaphore_mem>>
      %dma_start3A_84 = arith.constant 0 : i32
      %dma_start3A_85 = arith.constant 0 : i32
      %dma_start3A_86 = tpu.memref_slice %arg6[%dma_start3A_84, %dma_start3A_85] : memref<128x16xf32, #tpu.memory_space<vmem>> -> memref<128x16xf32, #tpu.memory_space<vmem>>
      %dma_start3A_87 = arith.constant 0 : i32
      %dma_start3A_88 = tpu.memref_slice %arg3[%arg0, %multiple_of3A_68, %dma_start3A_87] : memref<2x10112x16xf32, #tpu.memory_space<hbm>> -> memref<1x128x16xf32, #tpu.memory_space<hbm>>
      %dma_start3A_89 = tpu.memref_squeeze %dma_start3A_88 : memref<1x128x16xf32, #tpu.memory_space<hbm>> -> memref<128x16xf32, #tpu.memory_space<hbm>>
      %dma_start3A_90 = arith.constant 0 : i32
      %dma_start3A_91 = tpu.memref_slice %arg3[%arg0, %multiple_of3A_68, %dma_start3A_90] : memref<2x10112x16xf32, #tpu.memory_space<hbm>> -> memref<1x128x16xf32, #tpu.memory_space<hbm>>
      %dma_start3A_92 = tpu.memref_squeeze %dma_start3A_91 : memref<1x128x16xf32, #tpu.memory_space<hbm>> -> memref<128x16xf32, #tpu.memory_space<hbm>>
      %dma_start3A_93 = arith.constant 0 : i32
      %dma_start3A_94 = arith.constant 0 : i32
      %dma_start3A_95 = tpu.memref_slice %arg6[%dma_start3A_93, %dma_start3A_94] : memref<128x16xf32, #tpu.memory_space<vmem>> -> memref<128x16xf32, #tpu.memory_space<vmem>>
      tpu.enqueue_dma source(%dma_start3A_95 : memref<128x16xf32, #tpu.memory_space<vmem>>) target(%dma_start3A_92 : memref<128x16xf32, #tpu.memory_space<hbm>>) target_semaphore(%run_scoped3A : memref<!tpu.dma_semaphore, #tpu.memory_space<semaphore_mem>>)
      %dma_wait3A = arith.constant 0 : i32
      %dma_wait3A_96 = arith.constant 0 : i32
      %dma_wait3A_97 = tpu.memref_slice %arg6[%dma_wait3A, %dma_wait3A_96] : memref<128x16xf32, #tpu.memory_space<vmem>> -> memref<128x16xf32, #tpu.memory_space<vmem>>
      %dma_wait3A_98 = arith.constant 0 : i32
      %dma_wait3A_99 = tpu.memref_slice %arg3[%arg0, %multiple_of3A_68, %dma_wait3A_98] : memref<2x10112x16xf32, #tpu.memory_space<hbm>> -> memref<1x128x16xf32, #tpu.memory_space<hbm>>
      %dma_wait3A_100 = tpu.memref_squeeze %dma_wait3A_99 : memref<1x128x16xf32, #tpu.memory_space<hbm>> -> memref<128x16xf32, #tpu.memory_space<hbm>>
      %dma_wait3A_101 = arith.constant 0 : i32
      %dma_wait3A_102 = tpu.memref_slice %arg3[%arg0, %multiple_of3A_68, %dma_wait3A_101] : memref<2x10112x16xf32, #tpu.memory_space<hbm>> -> memref<1x128x16xf32, #tpu.memory_space<hbm>>
      %dma_wait3A_103 = tpu.memref_squeeze %dma_wait3A_102 : memref<1x128x16xf32, #tpu.memory_space<hbm>> -> memref<128x16xf32, #tpu.memory_space<hbm>>
      %dma_wait3A_104 = arith.constant 0 : i32
      %dma_wait3A_105 = arith.constant 0 : i32
      %dma_wait3A_106 = tpu.memref_slice %arg6[%dma_wait3A_104, %dma_wait3A_105] : memref<128x16xf32, #tpu.memory_space<vmem>> -> memref<128x16xf32, #tpu.memory_space<vmem>>
      tpu.wait_dma2 semaphore(%run_scoped3A : memref<!tpu.dma_semaphore, #tpu.memory_space<semaphore_mem>>) src(%dma_wait3A_106 : memref<128x16xf32, #tpu.memory_space<vmem>>) dst(%dma_wait3A_103 : memref<128x16xf32, #tpu.memory_space<hbm>>)
      tpu.yield
    }) : () -> ()
    %mul3A_69 = arith.constant 632 : i32
    %mul3A_70 = arith.muli %arg1, %mul3A_69 : i32
    %add3A_71 = arith.constant 256 : i32
    %add3A_72 = arith.addi %mul3A_70, %add3A_71 : i32
    %multiple_of3A_73 = tpu.assume_multiple %add3A_72, 8 : i32
    "tpu.region"() ({
      %run_scoped3A = tpu.sem_alloc : memref<!tpu.dma_semaphore, #tpu.memory_space<semaphore_mem>>
      %dma_start3A_84 = arith.constant 0 : i32
      %dma_start3A_85 = arith.constant 0 : i32
      %dma_start3A_86 = tpu.memref_slice %arg6[%dma_start3A_84, %dma_start3A_85] : memref<128x16xf32, #tpu.memory_space<vmem>> -> memref<128x16xf32, #tpu.memory_space<vmem>>
      %dma_start3A_87 = arith.constant 0 : i32
      %dma_start3A_88 = tpu.memref_slice %arg7[%multiple_of3A_73, %dma_start3A_87] : memref<10112x16xf32, #tpu.memory_space<vmem_shared>> -> memref<128x16xf32, #tpu.memory_space<vmem_shared>>
      %dma_start3A_89 = arith.constant 0 : i32
      %dma_start3A_90 = arith.constant 0 : i32
      %dma_start3A_91 = tpu.memref_slice %arg6[%dma_start3A_89, %dma_start3A_90] : memref<128x16xf32, #tpu.memory_space<vmem>> -> memref<128x16xf32, #tpu.memory_space<vmem>>
      %dma_start3A_92 = arith.constant 0 : i32
      %dma_start3A_93 = tpu.memref_slice %arg7[%multiple_of3A_73, %dma_start3A_92] : memref<10112x16xf32, #tpu.memory_space<vmem_shared>> -> memref<128x16xf32, #tpu.memory_space<vmem_shared>>
      tpu.enqueue_dma source(%dma_start3A_93 : memref<128x16xf32, #tpu.memory_space<vmem_shared>>) target(%dma_start3A_91 : memref<128x16xf32, #tpu.memory_space<vmem>>) target_semaphore(%run_scoped3A : memref<!tpu.dma_semaphore, #tpu.memory_space<semaphore_mem>>)
      %dma_wait3A = arith.constant 0 : i32
      %dma_wait3A_94 = arith.constant 0 : i32
      %dma_wait3A_95 = tpu.memref_slice %arg6[%dma_wait3A, %dma_wait3A_94] : memref<128x16xf32, #tpu.memory_space<vmem>> -> memref<128x16xf32, #tpu.memory_space<vmem>>
      %dma_wait3A_96 = arith.constant 0 : i32
      %dma_wait3A_97 = tpu.memref_slice %arg7[%multiple_of3A_73, %dma_wait3A_96] : memref<10112x16xf32, #tpu.memory_space<vmem_shared>> -> memref<128x16xf32, #tpu.memory_space<vmem_shared>>
      %dma_wait3A_98 = arith.constant 0 : i32
      %dma_wait3A_99 = arith.constant 0 : i32
      %dma_wait3A_100 = tpu.memref_slice %arg6[%dma_wait3A_98, %dma_wait3A_99] : memref<128x16xf32, #tpu.memory_space<vmem>> -> memref<128x16xf32, #tpu.memory_space<vmem>>
      %dma_wait3A_101 = arith.constant 0 : i32
      %dma_wait3A_102 = tpu.memref_slice %arg7[%multiple_of3A_73, %dma_wait3A_101] : memref<10112x16xf32, #tpu.memory_space<vmem_shared>> -> memref<128x16xf32, #tpu.memory_space<vmem_shared>>
      tpu.wait_dma2 semaphore(%run_scoped3A : memref<!tpu.dma_semaphore, #tpu.memory_space<semaphore_mem>>) src(%dma_wait3A_102 : memref<128x16xf32, #tpu.memory_space<vmem_shared>>) dst(%dma_wait3A_100 : memref<128x16xf32, #tpu.memory_space<vmem>>)
      tpu.yield
    }) : () -> ()
    "tpu.region"() ({
      %run_scoped3A = tpu.sem_alloc : memref<!tpu.dma_semaphore, #tpu.memory_space<semaphore_mem>>
      %dma_start3A_84 = arith.constant 0 : i32
      %dma_start3A_85 = arith.constant 0 : i32
      %dma_start3A_86 = tpu.memref_slice %arg6[%dma_start3A_84, %dma_start3A_85] : memref<128x16xf32, #tpu.memory_space<vmem>> -> memref<128x16xf32, #tpu.memory_space<vmem>>
      %dma_start3A_87 = arith.constant 0 : i32
      %dma_start3A_88 = tpu.memref_slice %arg3[%arg0, %multiple_of3A_73, %dma_start3A_87] : memref<2x10112x16xf32, #tpu.memory_space<hbm>> -> memref<1x128x16xf32, #tpu.memory_space<hbm>>
      %dma_start3A_89 = tpu.memref_squeeze %dma_start3A_88 : memref<1x128x16xf32, #tpu.memory_space<hbm>> -> memref<128x16xf32, #tpu.memory_space<hbm>>
      %dma_start3A_90 = arith.constant 0 : i32
      %dma_start3A_91 = tpu.memref_slice %arg3[%arg0, %multiple_of3A_73, %dma_start3A_90] : memref<2x10112x16xf32, #tpu.memory_space<hbm>> -> memref<1x128x16xf32, #tpu.memory_space<hbm>>
      %dma_start3A_92 = tpu.memref_squeeze %dma_start3A_91 : memref<1x128x16xf32, #tpu.memory_space<hbm>> -> memref<128x16xf32, #tpu.memory_space<hbm>>
      %dma_start3A_93 = arith.constant 0 : i32
      %dma_start3A_94 = arith.constant 0 : i32
      %dma_start3A_95 = tpu.memref_slice %arg6[%dma_start3A_93, %dma_start3A_94] : memref<128x16xf32, #tpu.memory_space<vmem>> -> memref<128x16xf32, #tpu.memory_space<vmem>>
      tpu.enqueue_dma source(%dma_start3A_95 : memref<128x16xf32, #tpu.memory_space<vmem>>) target(%dma_start3A_92 : memref<128x16xf32, #tpu.memory_space<hbm>>) target_semaphore(%run_scoped3A : memref<!tpu.dma_semaphore, #tpu.memory_space<semaphore_mem>>)
      %dma_wait3A = arith.constant 0 : i32
      %dma_wait3A_96 = arith.constant 0 : i32
      %dma_wait3A_97 = tpu.memref_slice %arg6[%dma_wait3A, %dma_wait3A_96] : memref<128x16xf32, #tpu.memory_space<vmem>> -> memref<128x16xf32, #tpu.memory_space<vmem>>
      %dma_wait3A_98 = arith.constant 0 : i32
      %dma_wait3A_99 = tpu.memref_slice %arg3[%arg0, %multiple_of3A_73, %dma_wait3A_98] : memref<2x10112x16xf32, #tpu.memory_space<hbm>> -> memref<1x128x16xf32, #tpu.memory_space<hbm>>
      %dma_wait3A_100 = tpu.memref_squeeze %dma_wait3A_99 : memref<1x128x16xf32, #tpu.memory_space<hbm>> -> memref<128x16xf32, #tpu.memory_space<hbm>>
      %dma_wait3A_101 = arith.constant 0 : i32
      %dma_wait3A_102 = tpu.memref_slice %arg3[%arg0, %multiple_of3A_73, %dma_wait3A_101] : memref<2x10112x16xf32, #tpu.memory_space<hbm>> -> memref<1x128x16xf32, #tpu.memory_space<hbm>>
      %dma_wait3A_103 = tpu.memref_squeeze %dma_wait3A_102 : memref<1x128x16xf32, #tpu.memory_space<hbm>> -> memref<128x16xf32, #tpu.memory_space<hbm>>
      %dma_wait3A_104 = arith.constant 0 : i32
      %dma_wait3A_105 = arith.constant 0 : i32
      %dma_wait3A_106 = tpu.memref_slice %arg6[%dma_wait3A_104, %dma_wait3A_105] : memref<128x16xf32, #tpu.memory_space<vmem>> -> memref<128x16xf32, #tpu.memory_space<vmem>>
      tpu.wait_dma2 semaphore(%run_scoped3A : memref<!tpu.dma_semaphore, #tpu.memory_space<semaphore_mem>>) src(%dma_wait3A_106 : memref<128x16xf32, #tpu.memory_space<vmem>>) dst(%dma_wait3A_103 : memref<128x16xf32, #tpu.memory_space<hbm>>)
      tpu.yield
    }) : () -> ()
    %mul3A_74 = arith.constant 632 : i32
    %mul3A_75 = arith.muli %arg1, %mul3A_74 : i32
    %add3A_76 = arith.constant 384 : i32
    %add3A_77 = arith.addi %mul3A_75, %add3A_76 : i32
    %multiple_of3A_78 = tpu.assume_multiple %add3A_77, 8 : i32
    "tpu.region"() ({
      %run_scoped3A = tpu.sem_alloc : memref<!tpu.dma_semaphore, #tpu.memory_space<semaphore_mem>>
      %dma_start3A_84 = arith.constant 0 : i32
      %dma_start3A_85 = arith.constant 0 : i32
      %dma_start3A_86 = tpu.memref_slice %arg6[%dma_start3A_84, %dma_start3A_85] : memref<128x16xf32, #tpu.memory_space<vmem>> -> memref<128x16xf32, #tpu.memory_space<vmem>>
      %dma_start3A_87 = arith.constant 0 : i32
      %dma_start3A_88 = tpu.memref_slice %arg7[%multiple_of3A_78, %dma_start3A_87] : memref<10112x16xf32, #tpu.memory_space<vmem_shared>> -> memref<128x16xf32, #tpu.memory_space<vmem_shared>>
      %dma_start3A_89 = arith.constant 0 : i32
      %dma_start3A_90 = arith.constant 0 : i32
      %dma_start3A_91 = tpu.memref_slice %arg6[%dma_start3A_89, %dma_start3A_90] : memref<128x16xf32, #tpu.memory_space<vmem>> -> memref<128x16xf32, #tpu.memory_space<vmem>>
      %dma_start3A_92 = arith.constant 0 : i32
      %dma_start3A_93 = tpu.memref_slice %arg7[%multiple_of3A_78, %dma_start3A_92] : memref<10112x16xf32, #tpu.memory_space<vmem_shared>> -> memref<128x16xf32, #tpu.memory_space<vmem_shared>>
      tpu.enqueue_dma source(%dma_start3A_93 : memref<128x16xf32, #tpu.memory_space<vmem_shared>>) target(%dma_start3A_91 : memref<128x16xf32, #tpu.memory_space<vmem>>) target_semaphore(%run_scoped3A : memref<!tpu.dma_semaphore, #tpu.memory_space<semaphore_mem>>)
      %dma_wait3A = arith.constant 0 : i32
      %dma_wait3A_94 = arith.constant 0 : i32
      %dma_wait3A_95 = tpu.memref_slice %arg6[%dma_wait3A, %dma_wait3A_94] : memref<128x16xf32, #tpu.memory_space<vmem>> -> memref<128x16xf32, #tpu.memory_space<vmem>>
      %dma_wait3A_96 = arith.constant 0 : i32
      %dma_wait3A_97 = tpu.memref_slice %arg7[%multiple_of3A_78, %dma_wait3A_96] : memref<10112x16xf32, #tpu.memory_space<vmem_shared>> -> memref<128x16xf32, #tpu.memory_space<vmem_shared>>
      %dma_wait3A_98 = arith.constant 0 : i32
      %dma_wait3A_99 = arith.constant 0 : i32
      %dma_wait3A_100 = tpu.memref_slice %arg6[%dma_wait3A_98, %dma_wait3A_99] : memref<128x16xf32, #tpu.memory_space<vmem>> -> memref<128x16xf32, #tpu.memory_space<vmem>>
      %dma_wait3A_101 = arith.constant 0 : i32
      %dma_wait3A_102 = tpu.memref_slice %arg7[%multiple_of3A_78, %dma_wait3A_101] : memref<10112x16xf32, #tpu.memory_space<vmem_shared>> -> memref<128x16xf32, #tpu.memory_space<vmem_shared>>
      tpu.wait_dma2 semaphore(%run_scoped3A : memref<!tpu.dma_semaphore, #tpu.memory_space<semaphore_mem>>) src(%dma_wait3A_102 : memref<128x16xf32, #tpu.memory_space<vmem_shared>>) dst(%dma_wait3A_100 : memref<128x16xf32, #tpu.memory_space<vmem>>)
      tpu.yield
    }) : () -> ()
    "tpu.region"() ({
      %run_scoped3A = tpu.sem_alloc : memref<!tpu.dma_semaphore, #tpu.memory_space<semaphore_mem>>
      %dma_start3A_84 = arith.constant 0 : i32
      %dma_start3A_85 = arith.constant 0 : i32
      %dma_start3A_86 = tpu.memref_slice %arg6[%dma_start3A_84, %dma_start3A_85] : memref<128x16xf32, #tpu.memory_space<vmem>> -> memref<128x16xf32, #tpu.memory_space<vmem>>
      %dma_start3A_87 = arith.constant 0 : i32
      %dma_start3A_88 = tpu.memref_slice %arg3[%arg0, %multiple_of3A_78, %dma_start3A_87] : memref<2x10112x16xf32, #tpu.memory_space<hbm>> -> memref<1x128x16xf32, #tpu.memory_space<hbm>>
      %dma_start3A_89 = tpu.memref_squeeze %dma_start3A_88 : memref<1x128x16xf32, #tpu.memory_space<hbm>> -> memref<128x16xf32, #tpu.memory_space<hbm>>
      %dma_start3A_90 = arith.constant 0 : i32
      %dma_start3A_91 = tpu.memref_slice %arg3[%arg0, %multiple_of3A_78, %dma_start3A_90] : memref<2x10112x16xf32, #tpu.memory_space<hbm>> -> memref<1x128x16xf32, #tpu.memory_space<hbm>>
      %dma_start3A_92 = tpu.memref_squeeze %dma_start3A_91 : memref<1x128x16xf32, #tpu.memory_space<hbm>> -> memref<128x16xf32, #tpu.memory_space<hbm>>
      %dma_start3A_93 = arith.constant 0 : i32
      %dma_start3A_94 = arith.constant 0 : i32
      %dma_start3A_95 = tpu.memref_slice %arg6[%dma_start3A_93, %dma_start3A_94] : memref<128x16xf32, #tpu.memory_space<vmem>> -> memref<128x16xf32, #tpu.memory_space<vmem>>
      tpu.enqueue_dma source(%dma_start3A_95 : memref<128x16xf32, #tpu.memory_space<vmem>>) target(%dma_start3A_92 : memref<128x16xf32, #tpu.memory_space<hbm>>) target_semaphore(%run_scoped3A : memref<!tpu.dma_semaphore, #tpu.memory_space<semaphore_mem>>)
      %dma_wait3A = arith.constant 0 : i32
      %dma_wait3A_96 = arith.constant 0 : i32
      %dma_wait3A_97 = tpu.memref_slice %arg6[%dma_wait3A, %dma_wait3A_96] : memref<128x16xf32, #tpu.memory_space<vmem>> -> memref<128x16xf32, #tpu.memory_space<vmem>>
      %dma_wait3A_98 = arith.constant 0 : i32
      %dma_wait3A_99 = tpu.memref_slice %arg3[%arg0, %multiple_of3A_78, %dma_wait3A_98] : memref<2x10112x16xf32, #tpu.memory_space<hbm>> -> memref<1x128x16xf32, #tpu.memory_space<hbm>>
      %dma_wait3A_100 = tpu.memref_squeeze %dma_wait3A_99 : memref<1x128x16xf32, #tpu.memory_space<hbm>> -> memref<128x16xf32, #tpu.memory_space<hbm>>
      %dma_wait3A_101 = arith.constant 0 : i32
      %dma_wait3A_102 = tpu.memref_slice %arg3[%arg0, %multiple_of3A_78, %dma_wait3A_101] : memref<2x10112x16xf32, #tpu.memory_space<hbm>> -> memref<1x128x16xf32, #tpu.memory_space<hbm>>
      %dma_wait3A_103 = tpu.memref_squeeze %dma_wait3A_102 : memref<1x128x16xf32, #tpu.memory_space<hbm>> -> memref<128x16xf32, #tpu.memory_space<hbm>>
      %dma_wait3A_104 = arith.constant 0 : i32
      %dma_wait3A_105 = arith.constant 0 : i32
      %dma_wait3A_106 = tpu.memref_slice %arg6[%dma_wait3A_104, %dma_wait3A_105] : memref<128x16xf32, #tpu.memory_space<vmem>> -> memref<128x16xf32, #tpu.memory_space<vmem>>
      tpu.wait_dma2 semaphore(%run_scoped3A : memref<!tpu.dma_semaphore, #tpu.memory_space<semaphore_mem>>) src(%dma_wait3A_106 : memref<128x16xf32, #tpu.memory_space<vmem>>) dst(%dma_wait3A_103 : memref<128x16xf32, #tpu.memory_space<hbm>>)
      tpu.yield
    }) : () -> ()
    %mul3A_79 = arith.constant 632 : i32
    %mul3A_80 = arith.muli %arg1, %mul3A_79 : i32
    %add3A_81 = arith.constant 512 : i32
    %add3A_82 = arith.addi %mul3A_80, %add3A_81 : i32
    %multiple_of3A_83 = tpu.assume_multiple %add3A_82, 8 : i32
    "tpu.region"() ({
      %run_scoped3A = tpu.sem_alloc : memref<!tpu.dma_semaphore, #tpu.memory_space<semaphore_mem>>
      %dma_start3A_84 = arith.constant 0 : i32
      %dma_start3A_85 = arith.constant 0 : i32
      %dma_start3A_86 = tpu.memref_slice %arg6[%dma_start3A_84, %dma_start3A_85] : memref<128x16xf32, #tpu.memory_space<vmem>> -> memref<120x16xf32, #tpu.memory_space<vmem>>
      %dma_start3A_87 = arith.constant 0 : i32
      %dma_start3A_88 = tpu.memref_slice %arg7[%multiple_of3A_83, %dma_start3A_87] : memref<10112x16xf32, #tpu.memory_space<vmem_shared>> -> memref<120x16xf32, #tpu.memory_space<vmem_shared>>
      %dma_start3A_89 = arith.constant 0 : i32
      %dma_start3A_90 = arith.constant 0 : i32
      %dma_start3A_91 = tpu.memref_slice %arg6[%dma_start3A_89, %dma_start3A_90] : memref<128x16xf32, #tpu.memory_space<vmem>> -> memref<120x16xf32, #tpu.memory_space<vmem>>
      %dma_start3A_92 = arith.constant 0 : i32
      %dma_start3A_93 = tpu.memref_slice %arg7[%multiple_of3A_83, %dma_start3A_92] : memref<10112x16xf32, #tpu.memory_space<vmem_shared>> -> memref<120x16xf32, #tpu.memory_space<vmem_shared>>
      tpu.enqueue_dma source(%dma_start3A_93 : memref<120x16xf32, #tpu.memory_space<vmem_shared>>) target(%dma_start3A_91 : memref<120x16xf32, #tpu.memory_space<vmem>>) target_semaphore(%run_scoped3A : memref<!tpu.dma_semaphore, #tpu.memory_space<semaphore_mem>>)
      %dma_wait3A = arith.constant 0 : i32
      %dma_wait3A_94 = arith.constant 0 : i32
      %dma_wait3A_95 = tpu.memref_slice %arg6[%dma_wait3A, %dma_wait3A_94] : memref<128x16xf32, #tpu.memory_space<vmem>> -> memref<120x16xf32, #tpu.memory_space<vmem>>
      %dma_wait3A_96 = arith.constant 0 : i32
      %dma_wait3A_97 = tpu.memref_slice %arg7[%multiple_of3A_83, %dma_wait3A_96] : memref<10112x16xf32, #tpu.memory_space<vmem_shared>> -> memref<120x16xf32, #tpu.memory_space<vmem_shared>>
      %dma_wait3A_98 = arith.constant 0 : i32
      %dma_wait3A_99 = arith.constant 0 : i32
      %dma_wait3A_100 = tpu.memref_slice %arg6[%dma_wait3A_98, %dma_wait3A_99] : memref<128x16xf32, #tpu.memory_space<vmem>> -> memref<120x16xf32, #tpu.memory_space<vmem>>
      %dma_wait3A_101 = arith.constant 0 : i32
      %dma_wait3A_102 = tpu.memref_slice %arg7[%multiple_of3A_83, %dma_wait3A_101] : memref<10112x16xf32, #tpu.memory_space<vmem_shared>> -> memref<120x16xf32, #tpu.memory_space<vmem_shared>>
      tpu.wait_dma2 semaphore(%run_scoped3A : memref<!tpu.dma_semaphore, #tpu.memory_space<semaphore_mem>>) src(%dma_wait3A_102 : memref<120x16xf32, #tpu.memory_space<vmem_shared>>) dst(%dma_wait3A_100 : memref<120x16xf32, #tpu.memory_space<vmem>>)
      tpu.yield
    }) : () -> ()
    "tpu.region"() ({
      %run_scoped3A = tpu.sem_alloc : memref<!tpu.dma_semaphore, #tpu.memory_space<semaphore_mem>>
      %dma_start3A_84 = arith.constant 0 : i32
      %dma_start3A_85 = arith.constant 0 : i32
      %dma_start3A_86 = tpu.memref_slice %arg6[%dma_start3A_84, %dma_start3A_85] : memref<128x16xf32, #tpu.memory_space<vmem>> -> memref<120x16xf32, #tpu.memory_space<vmem>>
      %dma_start3A_87 = arith.constant 0 : i32
      %dma_start3A_88 = tpu.memref_slice %arg3[%arg0, %multiple_of3A_83, %dma_start3A_87] : memref<2x10112x16xf32, #tpu.memory_space<hbm>> -> memref<1x120x16xf32, #tpu.memory_space<hbm>>
      %dma_start3A_89 = tpu.memref_squeeze %dma_start3A_88 : memref<1x120x16xf32, #tpu.memory_space<hbm>> -> memref<120x16xf32, #tpu.memory_space<hbm>>
      %dma_start3A_90 = arith.constant 0 : i32
      %dma_start3A_91 = tpu.memref_slice %arg3[%arg0, %multiple_of3A_83, %dma_start3A_90] : memref<2x10112x16xf32, #tpu.memory_space<hbm>> -> memref<1x120x16xf32, #tpu.memory_space<hbm>>
      %dma_start3A_92 = tpu.memref_squeeze %dma_start3A_91 : memref<1x120x16xf32, #tpu.memory_space<hbm>> -> memref<120x16xf32, #tpu.memory_space<hbm>>
      %dma_start3A_93 = arith.constant 0 : i32
      %dma_start3A_94 = arith.constant 0 : i32
      %dma_start3A_95 = tpu.memref_slice %arg6[%dma_start3A_93, %dma_start3A_94] : memref<128x16xf32, #tpu.memory_space<vmem>> -> memref<120x16xf32, #tpu.memory_space<vmem>>
      tpu.enqueue_dma source(%dma_start3A_95 : memref<120x16xf32, #tpu.memory_space<vmem>>) target(%dma_start3A_92 : memref<120x16xf32, #tpu.memory_space<hbm>>) target_semaphore(%run_scoped3A : memref<!tpu.dma_semaphore, #tpu.memory_space<semaphore_mem>>)
      %dma_wait3A = arith.constant 0 : i32
      %dma_wait3A_96 = arith.constant 0 : i32
      %dma_wait3A_97 = tpu.memref_slice %arg6[%dma_wait3A, %dma_wait3A_96] : memref<128x16xf32, #tpu.memory_space<vmem>> -> memref<120x16xf32, #tpu.memory_space<vmem>>
      %dma_wait3A_98 = arith.constant 0 : i32
      %dma_wait3A_99 = tpu.memref_slice %arg3[%arg0, %multiple_of3A_83, %dma_wait3A_98] : memref<2x10112x16xf32, #tpu.memory_space<hbm>> -> memref<1x120x16xf32, #tpu.memory_space<hbm>>
      %dma_wait3A_100 = tpu.memref_squeeze %dma_wait3A_99 : memref<1x120x16xf32, #tpu.memory_space<hbm>> -> memref<120x16xf32, #tpu.memory_space<hbm>>
      %dma_wait3A_101 = arith.constant 0 : i32
      %dma_wait3A_102 = tpu.memref_slice %arg3[%arg0, %multiple_of3A_83, %dma_wait3A_101] : memref<2x10112x16xf32, #tpu.memory_space<hbm>> -> memref<1x120x16xf32, #tpu.memory_space<hbm>>
      %dma_wait3A_103 = tpu.memref_squeeze %dma_wait3A_102 : memref<1x120x16xf32, #tpu.memory_space<hbm>> -> memref<120x16xf32, #tpu.memory_space<hbm>>
      %dma_wait3A_104 = arith.constant 0 : i32
      %dma_wait3A_105 = arith.constant 0 : i32
      %dma_wait3A_106 = tpu.memref_slice %arg6[%dma_wait3A_104, %dma_wait3A_105] : memref<128x16xf32, #tpu.memory_space<vmem>> -> memref<120x16xf32, #tpu.memory_space<vmem>>
      tpu.wait_dma2 semaphore(%run_scoped3A : memref<!tpu.dma_semaphore, #tpu.memory_space<semaphore_mem>>) src(%dma_wait3A_106 : memref<120x16xf32, #tpu.memory_space<vmem>>) dst(%dma_wait3A_103 : memref<120x16xf32, #tpu.memory_space<hbm>>)
      tpu.yield
    }) : () -> ()
    return
  }
}

#map = affine_map<(d0, d1) -> (0, 0)>
#map1 = affine_map<(d0, d1) -> (0)>
#map2 = affine_map<(d0, d1) -> (0, 0, 0)>
module attributes {stable_mosaic.version = 14 : i64} {
  func.func @_agg_kernel(%arg0: i32, %arg1: i32, %arg2: memref<10000x128xf32, #tpu.memory_space<hbm>>, %arg3: memref<327680xi32, #tpu.memory_space<hbm>>, %arg4: memref<327680xi32, #tpu.memory_space<hbm>>, %arg5: memref<2x10112x128xf32, #tpu.memory_space<hbm>>, %arg6: memref<128x128xf32, #tpu.memory_space<vmem>>, %arg7: memref<128xi32, #tpu.memory_space<vmem>>, %arg8: memref<128xi32, #tpu.memory_space<vmem>>, %arg9: memref<10112x128xf32, #tpu.memory_space<vmem_shared>>, %arg10: memref<!tpu.dma_semaphore, #tpu.memory_space<semaphore_mem>>) attributes {dimension_semantics = [#tpu.dimension_semantics<core_parallel>, #tpu.dimension_semantics<subcore_parallel>], iteration_bounds = array<i64: 2, 16>, scalar_prefetch = 0 : i64, scratch_operands = 5 : i64, tpu.core_type = #tpu.core_type<sc_vector_subcore>, window_params = [{transform_indices = #map}, {transform_indices = #map1}, {transform_indices = #map1}, {transform_indices = #map2}]} {
    %mul3A = arith.constant 2 : i32
    %mul3A_0 = arith.muli %arg1, %mul3A : i32
    %add3A = arith.addi %mul3A_0, %arg0 : i32
    %scan3A = arith.constant 0 : i32
    %scan3A_1 = arith.constant 0 : i32
    %scan3A_2 = arith.constant 128 : i32
    %scan3A_3 = arith.addi %scan3A_1, %scan3A_2 : i32
    %scan3A_4 = arith.constant 1 : i32
    %scan3A_5 = scf.for %scan3A_64 = %scan3A_1 to %scan3A_3 step %scan3A_4 iter_args(%scan3A_65 = %scan3A) -> (i32)  : i32 {
      %broadcast_in_dim3A = arith.constant 0.000000e+00 : f32
      %broadcast_in_dim3A_66 = vector.broadcast %broadcast_in_dim3A : f32 to vector<16xf32>
      %swap3A = arith.index_cast %scan3A_64 : i32 to index
      %swap3A_67 = arith.constant 0 : index
      %swap3A_68 = tpu.vector_load %arg6[%swap3A, %swap3A_67] {strides = array<i32>} : memref<128x128xf32, #tpu.memory_space<vmem>>, vector<1x16xf32>,
      %swap3A_69 = vector.shape_cast %swap3A_68 : vector<1x16xf32> to vector<16xf32>
      %swap3A_70 = vector.shape_cast %broadcast_in_dim3A_66 : vector<16xf32> to vector<1x16xf32>
      tpu.vector_store %arg6[%swap3A, %swap3A_67], %swap3A_70 {strides = array<i32>} : memref<128x128xf32, #tpu.memory_space<vmem>>, vector<1x16xf32>,
      %broadcast_in_dim3A_71 = arith.constant 0.000000e+00 : f32
      %broadcast_in_dim3A_72 = vector.broadcast %broadcast_in_dim3A_71 : f32 to vector<16xf32>
      %swap3A_73 = arith.index_cast %scan3A_64 : i32 to index
      %swap3A_74 = arith.constant 16 : index
      %swap3A_75 = tpu.vector_load %arg6[%swap3A_73, %swap3A_74] {strides = array<i32>} : memref<128x128xf32, #tpu.memory_space<vmem>>, vector<1x16xf32>,
      %swap3A_76 = vector.shape_cast %swap3A_75 : vector<1x16xf32> to vector<16xf32>
      %swap3A_77 = vector.shape_cast %broadcast_in_dim3A_72 : vector<16xf32> to vector<1x16xf32>
      tpu.vector_store %arg6[%swap3A_73, %swap3A_74], %swap3A_77 {strides = array<i32>} : memref<128x128xf32, #tpu.memory_space<vmem>>, vector<1x16xf32>,
      %broadcast_in_dim3A_78 = arith.constant 0.000000e+00 : f32
      %broadcast_in_dim3A_79 = vector.broadcast %broadcast_in_dim3A_78 : f32 to vector<16xf32>
      %swap3A_80 = arith.index_cast %scan3A_64 : i32 to index
      %swap3A_81 = arith.constant 32 : index
      %swap3A_82 = tpu.vector_load %arg6[%swap3A_80, %swap3A_81] {strides = array<i32>} : memref<128x128xf32, #tpu.memory_space<vmem>>, vector<1x16xf32>,
      %swap3A_83 = vector.shape_cast %swap3A_82 : vector<1x16xf32> to vector<16xf32>
      %swap3A_84 = vector.shape_cast %broadcast_in_dim3A_79 : vector<16xf32> to vector<1x16xf32>
      tpu.vector_store %arg6[%swap3A_80, %swap3A_81], %swap3A_84 {strides = array<i32>} : memref<128x128xf32, #tpu.memory_space<vmem>>, vector<1x16xf32>,
      %broadcast_in_dim3A_85 = arith.constant 0.000000e+00 : f32
      %broadcast_in_dim3A_86 = vector.broadcast %broadcast_in_dim3A_85 : f32 to vector<16xf32>
      %swap3A_87 = arith.index_cast %scan3A_64 : i32 to index
      %swap3A_88 = arith.constant 48 : index
      %swap3A_89 = tpu.vector_load %arg6[%swap3A_87, %swap3A_88] {strides = array<i32>} : memref<128x128xf32, #tpu.memory_space<vmem>>, vector<1x16xf32>,
      %swap3A_90 = vector.shape_cast %swap3A_89 : vector<1x16xf32> to vector<16xf32>
      %swap3A_91 = vector.shape_cast %broadcast_in_dim3A_86 : vector<16xf32> to vector<1x16xf32>
      tpu.vector_store %arg6[%swap3A_87, %swap3A_88], %swap3A_91 {strides = array<i32>} : memref<128x128xf32, #tpu.memory_space<vmem>>, vector<1x16xf32>,
      %broadcast_in_dim3A_92 = arith.constant 0.000000e+00 : f32
      %broadcast_in_dim3A_93 = vector.broadcast %broadcast_in_dim3A_92 : f32 to vector<16xf32>
      %swap3A_94 = arith.index_cast %scan3A_64 : i32 to index
      %swap3A_95 = arith.constant 64 : index
      %swap3A_96 = tpu.vector_load %arg6[%swap3A_94, %swap3A_95] {strides = array<i32>} : memref<128x128xf32, #tpu.memory_space<vmem>>, vector<1x16xf32>,
      %swap3A_97 = vector.shape_cast %swap3A_96 : vector<1x16xf32> to vector<16xf32>
      %swap3A_98 = vector.shape_cast %broadcast_in_dim3A_93 : vector<16xf32> to vector<1x16xf32>
      tpu.vector_store %arg6[%swap3A_94, %swap3A_95], %swap3A_98 {strides = array<i32>} : memref<128x128xf32, #tpu.memory_space<vmem>>, vector<1x16xf32>,
      %broadcast_in_dim3A_99 = arith.constant 0.000000e+00 : f32
      %broadcast_in_dim3A_100 = vector.broadcast %broadcast_in_dim3A_99 : f32 to vector<16xf32>
      %swap3A_101 = arith.index_cast %scan3A_64 : i32 to index
      %swap3A_102 = arith.constant 80 : index
      %swap3A_103 = tpu.vector_load %arg6[%swap3A_101, %swap3A_102] {strides = array<i32>} : memref<128x128xf32, #tpu.memory_space<vmem>>, vector<1x16xf32>,
      %swap3A_104 = vector.shape_cast %swap3A_103 : vector<1x16xf32> to vector<16xf32>
      %swap3A_105 = vector.shape_cast %broadcast_in_dim3A_100 : vector<16xf32> to vector<1x16xf32>
      tpu.vector_store %arg6[%swap3A_101, %swap3A_102], %swap3A_105 {strides = array<i32>} : memref<128x128xf32, #tpu.memory_space<vmem>>, vector<1x16xf32>,
      %broadcast_in_dim3A_106 = arith.constant 0.000000e+00 : f32
      %broadcast_in_dim3A_107 = vector.broadcast %broadcast_in_dim3A_106 : f32 to vector<16xf32>
      %swap3A_108 = arith.index_cast %scan3A_64 : i32 to index
      %swap3A_109 = arith.constant 96 : index
      %swap3A_110 = tpu.vector_load %arg6[%swap3A_108, %swap3A_109] {strides = array<i32>} : memref<128x128xf32, #tpu.memory_space<vmem>>, vector<1x16xf32>,
      %swap3A_111 = vector.shape_cast %swap3A_110 : vector<1x16xf32> to vector<16xf32>
      %swap3A_112 = vector.shape_cast %broadcast_in_dim3A_107 : vector<16xf32> to vector<1x16xf32>
      tpu.vector_store %arg6[%swap3A_108, %swap3A_109], %swap3A_112 {strides = array<i32>} : memref<128x128xf32, #tpu.memory_space<vmem>>, vector<1x16xf32>,
      %broadcast_in_dim3A_113 = arith.constant 0.000000e+00 : f32
      %broadcast_in_dim3A_114 = vector.broadcast %broadcast_in_dim3A_113 : f32 to vector<16xf32>
      %swap3A_115 = arith.index_cast %scan3A_64 : i32 to index
      %swap3A_116 = arith.constant 112 : index
      %swap3A_117 = tpu.vector_load %arg6[%swap3A_115, %swap3A_116] {strides = array<i32>} : memref<128x128xf32, #tpu.memory_space<vmem>>, vector<1x16xf32>,
      %swap3A_118 = vector.shape_cast %swap3A_117 : vector<1x16xf32> to vector<16xf32>
      %swap3A_119 = vector.shape_cast %broadcast_in_dim3A_114 : vector<16xf32> to vector<1x16xf32>
      tpu.vector_store %arg6[%swap3A_115, %swap3A_116], %swap3A_119 {strides = array<i32>} : memref<128x128xf32, #tpu.memory_space<vmem>>, vector<1x16xf32>,
      %scan3A_120 = arith.constant 0 : i32
      scf.yield %scan3A_120 : i32
    }
    %scan3A_6 = arith.constant 128 : i32
    %mul3A_7 = arith.constant 632 : i32
    %mul3A_8 = arith.muli %arg1, %mul3A_7 : i32
    %add3A_9 = arith.constant 0 : i32
    %add3A_10 = arith.addi %mul3A_8, %add3A_9 : i32
    %multiple_of3A = tpu.assume_multiple %add3A_10, 8 : i32
    "tpu.region"() ({
      %run_scoped3A = tpu.sem_alloc : memref<!tpu.dma_semaphore, #tpu.memory_space<semaphore_mem>>
      %dma_start3A = arith.constant 0 : i32
      %dma_start3A_64 = arith.constant 0 : i32
      %dma_start3A_65 = tpu.memref_slice %arg6[%dma_start3A, %dma_start3A_64] : memref<128x128xf32, #tpu.memory_space<vmem>> -> memref<128x128xf32, #tpu.memory_space<vmem>>
      %dma_start3A_66 = arith.constant 0 : i32
      %dma_start3A_67 = tpu.memref_slice %arg9[%multiple_of3A, %dma_start3A_66] : memref<10112x128xf32, #tpu.memory_space<vmem_shared>> -> memref<128x128xf32, #tpu.memory_space<vmem_shared>>
      %dma_start3A_68 = arith.constant 0 : i32
      %dma_start3A_69 = tpu.memref_slice %arg9[%multiple_of3A, %dma_start3A_68] : memref<10112x128xf32, #tpu.memory_space<vmem_shared>> -> memref<128x128xf32, #tpu.memory_space<vmem_shared>>
      %dma_start3A_70 = arith.constant 0 : i32
      %dma_start3A_71 = arith.constant 0 : i32
      %dma_start3A_72 = tpu.memref_slice %arg6[%dma_start3A_70, %dma_start3A_71] : memref<128x128xf32, #tpu.memory_space<vmem>> -> memref<128x128xf32, #tpu.memory_space<vmem>>
      tpu.enqueue_dma source(%dma_start3A_72 : memref<128x128xf32, #tpu.memory_space<vmem>>) target(%dma_start3A_69 : memref<128x128xf32, #tpu.memory_space<vmem_shared>>) target_semaphore(%run_scoped3A : memref<!tpu.dma_semaphore, #tpu.memory_space<semaphore_mem>>)
      %dma_wait3A = arith.constant 0 : i32
      %dma_wait3A_73 = arith.constant 0 : i32
      %dma_wait3A_74 = tpu.memref_slice %arg6[%dma_wait3A, %dma_wait3A_73] : memref<128x128xf32, #tpu.memory_space<vmem>> -> memref<128x128xf32, #tpu.memory_space<vmem>>
      %dma_wait3A_75 = arith.constant 0 : i32
      %dma_wait3A_76 = tpu.memref_slice %arg9[%multiple_of3A, %dma_wait3A_75] : memref<10112x128xf32, #tpu.memory_space<vmem_shared>> -> memref<128x128xf32, #tpu.memory_space<vmem_shared>>
      %dma_wait3A_77 = arith.constant 0 : i32
      %dma_wait3A_78 = tpu.memref_slice %arg9[%multiple_of3A, %dma_wait3A_77] : memref<10112x128xf32, #tpu.memory_space<vmem_shared>> -> memref<128x128xf32, #tpu.memory_space<vmem_shared>>
      %dma_wait3A_79 = arith.constant 0 : i32
      %dma_wait3A_80 = arith.constant 0 : i32
      %dma_wait3A_81 = tpu.memref_slice %arg6[%dma_wait3A_79, %dma_wait3A_80] : memref<128x128xf32, #tpu.memory_space<vmem>> -> memref<128x128xf32, #tpu.memory_space<vmem>>
      tpu.wait_dma2 semaphore(%run_scoped3A : memref<!tpu.dma_semaphore, #tpu.memory_space<semaphore_mem>>) src(%dma_wait3A_81 : memref<128x128xf32, #tpu.memory_space<vmem>>) dst(%dma_wait3A_78 : memref<128x128xf32, #tpu.memory_space<vmem_shared>>)
      tpu.yield
    }) : () -> ()
    %mul3A_11 = arith.constant 632 : i32
    %mul3A_12 = arith.muli %arg1, %mul3A_11 : i32
    %add3A_13 = arith.constant 128 : i32
    %add3A_14 = arith.addi %mul3A_12, %add3A_13 : i32
    %multiple_of3A_15 = tpu.assume_multiple %add3A_14, 8 : i32
    "tpu.region"() ({
      %run_scoped3A = tpu.sem_alloc : memref<!tpu.dma_semaphore, #tpu.memory_space<semaphore_mem>>
      %dma_start3A = arith.constant 0 : i32
      %dma_start3A_64 = arith.constant 0 : i32
      %dma_start3A_65 = tpu.memref_slice %arg6[%dma_start3A, %dma_start3A_64] : memref<128x128xf32, #tpu.memory_space<vmem>> -> memref<128x128xf32, #tpu.memory_space<vmem>>
      %dma_start3A_66 = arith.constant 0 : i32
      %dma_start3A_67 = tpu.memref_slice %arg9[%multiple_of3A_15, %dma_start3A_66] : memref<10112x128xf32, #tpu.memory_space<vmem_shared>> -> memref<128x128xf32, #tpu.memory_space<vmem_shared>>
      %dma_start3A_68 = arith.constant 0 : i32
      %dma_start3A_69 = tpu.memref_slice %arg9[%multiple_of3A_15, %dma_start3A_68] : memref<10112x128xf32, #tpu.memory_space<vmem_shared>> -> memref<128x128xf32, #tpu.memory_space<vmem_shared>>
      %dma_start3A_70 = arith.constant 0 : i32
      %dma_start3A_71 = arith.constant 0 : i32
      %dma_start3A_72 = tpu.memref_slice %arg6[%dma_start3A_70, %dma_start3A_71] : memref<128x128xf32, #tpu.memory_space<vmem>> -> memref<128x128xf32, #tpu.memory_space<vmem>>
      tpu.enqueue_dma source(%dma_start3A_72 : memref<128x128xf32, #tpu.memory_space<vmem>>) target(%dma_start3A_69 : memref<128x128xf32, #tpu.memory_space<vmem_shared>>) target_semaphore(%run_scoped3A : memref<!tpu.dma_semaphore, #tpu.memory_space<semaphore_mem>>)
      %dma_wait3A = arith.constant 0 : i32
      %dma_wait3A_73 = arith.constant 0 : i32
      %dma_wait3A_74 = tpu.memref_slice %arg6[%dma_wait3A, %dma_wait3A_73] : memref<128x128xf32, #tpu.memory_space<vmem>> -> memref<128x128xf32, #tpu.memory_space<vmem>>
      %dma_wait3A_75 = arith.constant 0 : i32
      %dma_wait3A_76 = tpu.memref_slice %arg9[%multiple_of3A_15, %dma_wait3A_75] : memref<10112x128xf32, #tpu.memory_space<vmem_shared>> -> memref<128x128xf32, #tpu.memory_space<vmem_shared>>
      %dma_wait3A_77 = arith.constant 0 : i32
      %dma_wait3A_78 = tpu.memref_slice %arg9[%multiple_of3A_15, %dma_wait3A_77] : memref<10112x128xf32, #tpu.memory_space<vmem_shared>> -> memref<128x128xf32, #tpu.memory_space<vmem_shared>>
      %dma_wait3A_79 = arith.constant 0 : i32
      %dma_wait3A_80 = arith.constant 0 : i32
      %dma_wait3A_81 = tpu.memref_slice %arg6[%dma_wait3A_79, %dma_wait3A_80] : memref<128x128xf32, #tpu.memory_space<vmem>> -> memref<128x128xf32, #tpu.memory_space<vmem>>
      tpu.wait_dma2 semaphore(%run_scoped3A : memref<!tpu.dma_semaphore, #tpu.memory_space<semaphore_mem>>) src(%dma_wait3A_81 : memref<128x128xf32, #tpu.memory_space<vmem>>) dst(%dma_wait3A_78 : memref<128x128xf32, #tpu.memory_space<vmem_shared>>)
      tpu.yield
    }) : () -> ()
    %mul3A_16 = arith.constant 632 : i32
    %mul3A_17 = arith.muli %arg1, %mul3A_16 : i32
    %add3A_18 = arith.constant 256 : i32
    %add3A_19 = arith.addi %mul3A_17, %add3A_18 : i32
    %multiple_of3A_20 = tpu.assume_multiple %add3A_19, 8 : i32
    "tpu.region"() ({
      %run_scoped3A = tpu.sem_alloc : memref<!tpu.dma_semaphore, #tpu.memory_space<semaphore_mem>>
      %dma_start3A = arith.constant 0 : i32
      %dma_start3A_64 = arith.constant 0 : i32
      %dma_start3A_65 = tpu.memref_slice %arg6[%dma_start3A, %dma_start3A_64] : memref<128x128xf32, #tpu.memory_space<vmem>> -> memref<128x128xf32, #tpu.memory_space<vmem>>
      %dma_start3A_66 = arith.constant 0 : i32
      %dma_start3A_67 = tpu.memref_slice %arg9[%multiple_of3A_20, %dma_start3A_66] : memref<10112x128xf32, #tpu.memory_space<vmem_shared>> -> memref<128x128xf32, #tpu.memory_space<vmem_shared>>
      %dma_start3A_68 = arith.constant 0 : i32
      %dma_start3A_69 = tpu.memref_slice %arg9[%multiple_of3A_20, %dma_start3A_68] : memref<10112x128xf32, #tpu.memory_space<vmem_shared>> -> memref<128x128xf32, #tpu.memory_space<vmem_shared>>
      %dma_start3A_70 = arith.constant 0 : i32
      %dma_start3A_71 = arith.constant 0 : i32
      %dma_start3A_72 = tpu.memref_slice %arg6[%dma_start3A_70, %dma_start3A_71] : memref<128x128xf32, #tpu.memory_space<vmem>> -> memref<128x128xf32, #tpu.memory_space<vmem>>
      tpu.enqueue_dma source(%dma_start3A_72 : memref<128x128xf32, #tpu.memory_space<vmem>>) target(%dma_start3A_69 : memref<128x128xf32, #tpu.memory_space<vmem_shared>>) target_semaphore(%run_scoped3A : memref<!tpu.dma_semaphore, #tpu.memory_space<semaphore_mem>>)
      %dma_wait3A = arith.constant 0 : i32
      %dma_wait3A_73 = arith.constant 0 : i32
      %dma_wait3A_74 = tpu.memref_slice %arg6[%dma_wait3A, %dma_wait3A_73] : memref<128x128xf32, #tpu.memory_space<vmem>> -> memref<128x128xf32, #tpu.memory_space<vmem>>
      %dma_wait3A_75 = arith.constant 0 : i32
      %dma_wait3A_76 = tpu.memref_slice %arg9[%multiple_of3A_20, %dma_wait3A_75] : memref<10112x128xf32, #tpu.memory_space<vmem_shared>> -> memref<128x128xf32, #tpu.memory_space<vmem_shared>>
      %dma_wait3A_77 = arith.constant 0 : i32
      %dma_wait3A_78 = tpu.memref_slice %arg9[%multiple_of3A_20, %dma_wait3A_77] : memref<10112x128xf32, #tpu.memory_space<vmem_shared>> -> memref<128x128xf32, #tpu.memory_space<vmem_shared>>
      %dma_wait3A_79 = arith.constant 0 : i32
      %dma_wait3A_80 = arith.constant 0 : i32
      %dma_wait3A_81 = tpu.memref_slice %arg6[%dma_wait3A_79, %dma_wait3A_80] : memref<128x128xf32, #tpu.memory_space<vmem>> -> memref<128x128xf32, #tpu.memory_space<vmem>>
      tpu.wait_dma2 semaphore(%run_scoped3A : memref<!tpu.dma_semaphore, #tpu.memory_space<semaphore_mem>>) src(%dma_wait3A_81 : memref<128x128xf32, #tpu.memory_space<vmem>>) dst(%dma_wait3A_78 : memref<128x128xf32, #tpu.memory_space<vmem_shared>>)
      tpu.yield
    }) : () -> ()
    %mul3A_21 = arith.constant 632 : i32
    %mul3A_22 = arith.muli %arg1, %mul3A_21 : i32
    %add3A_23 = arith.constant 384 : i32
    %add3A_24 = arith.addi %mul3A_22, %add3A_23 : i32
    %multiple_of3A_25 = tpu.assume_multiple %add3A_24, 8 : i32
    "tpu.region"() ({
      %run_scoped3A = tpu.sem_alloc : memref<!tpu.dma_semaphore, #tpu.memory_space<semaphore_mem>>
      %dma_start3A = arith.constant 0 : i32
      %dma_start3A_64 = arith.constant 0 : i32
      %dma_start3A_65 = tpu.memref_slice %arg6[%dma_start3A, %dma_start3A_64] : memref<128x128xf32, #tpu.memory_space<vmem>> -> memref<128x128xf32, #tpu.memory_space<vmem>>
      %dma_start3A_66 = arith.constant 0 : i32
      %dma_start3A_67 = tpu.memref_slice %arg9[%multiple_of3A_25, %dma_start3A_66] : memref<10112x128xf32, #tpu.memory_space<vmem_shared>> -> memref<128x128xf32, #tpu.memory_space<vmem_shared>>
      %dma_start3A_68 = arith.constant 0 : i32
      %dma_start3A_69 = tpu.memref_slice %arg9[%multiple_of3A_25, %dma_start3A_68] : memref<10112x128xf32, #tpu.memory_space<vmem_shared>> -> memref<128x128xf32, #tpu.memory_space<vmem_shared>>
      %dma_start3A_70 = arith.constant 0 : i32
      %dma_start3A_71 = arith.constant 0 : i32
      %dma_start3A_72 = tpu.memref_slice %arg6[%dma_start3A_70, %dma_start3A_71] : memref<128x128xf32, #tpu.memory_space<vmem>> -> memref<128x128xf32, #tpu.memory_space<vmem>>
      tpu.enqueue_dma source(%dma_start3A_72 : memref<128x128xf32, #tpu.memory_space<vmem>>) target(%dma_start3A_69 : memref<128x128xf32, #tpu.memory_space<vmem_shared>>) target_semaphore(%run_scoped3A : memref<!tpu.dma_semaphore, #tpu.memory_space<semaphore_mem>>)
      %dma_wait3A = arith.constant 0 : i32
      %dma_wait3A_73 = arith.constant 0 : i32
      %dma_wait3A_74 = tpu.memref_slice %arg6[%dma_wait3A, %dma_wait3A_73] : memref<128x128xf32, #tpu.memory_space<vmem>> -> memref<128x128xf32, #tpu.memory_space<vmem>>
      %dma_wait3A_75 = arith.constant 0 : i32
      %dma_wait3A_76 = tpu.memref_slice %arg9[%multiple_of3A_25, %dma_wait3A_75] : memref<10112x128xf32, #tpu.memory_space<vmem_shared>> -> memref<128x128xf32, #tpu.memory_space<vmem_shared>>
      %dma_wait3A_77 = arith.constant 0 : i32
      %dma_wait3A_78 = tpu.memref_slice %arg9[%multiple_of3A_25, %dma_wait3A_77] : memref<10112x128xf32, #tpu.memory_space<vmem_shared>> -> memref<128x128xf32, #tpu.memory_space<vmem_shared>>
      %dma_wait3A_79 = arith.constant 0 : i32
      %dma_wait3A_80 = arith.constant 0 : i32
      %dma_wait3A_81 = tpu.memref_slice %arg6[%dma_wait3A_79, %dma_wait3A_80] : memref<128x128xf32, #tpu.memory_space<vmem>> -> memref<128x128xf32, #tpu.memory_space<vmem>>
      tpu.wait_dma2 semaphore(%run_scoped3A : memref<!tpu.dma_semaphore, #tpu.memory_space<semaphore_mem>>) src(%dma_wait3A_81 : memref<128x128xf32, #tpu.memory_space<vmem>>) dst(%dma_wait3A_78 : memref<128x128xf32, #tpu.memory_space<vmem_shared>>)
      tpu.yield
    }) : () -> ()
    %mul3A_26 = arith.constant 632 : i32
    %mul3A_27 = arith.muli %arg1, %mul3A_26 : i32
    %add3A_28 = arith.constant 512 : i32
    %add3A_29 = arith.addi %mul3A_27, %add3A_28 : i32
    %multiple_of3A_30 = tpu.assume_multiple %add3A_29, 8 : i32
    "tpu.region"() ({
      %run_scoped3A = tpu.sem_alloc : memref<!tpu.dma_semaphore, #tpu.memory_space<semaphore_mem>>
      %dma_start3A = arith.constant 0 : i32
      %dma_start3A_64 = arith.constant 0 : i32
      %dma_start3A_65 = tpu.memref_slice %arg6[%dma_start3A, %dma_start3A_64] : memref<128x128xf32, #tpu.memory_space<vmem>> -> memref<120x128xf32, #tpu.memory_space<vmem>>
      %dma_start3A_66 = arith.constant 0 : i32
      %dma_start3A_67 = tpu.memref_slice %arg9[%multiple_of3A_30, %dma_start3A_66] : memref<10112x128xf32, #tpu.memory_space<vmem_shared>> -> memref<120x128xf32, #tpu.memory_space<vmem_shared>>
      %dma_start3A_68 = arith.constant 0 : i32
      %dma_start3A_69 = tpu.memref_slice %arg9[%multiple_of3A_30, %dma_start3A_68] : memref<10112x128xf32, #tpu.memory_space<vmem_shared>> -> memref<120x128xf32, #tpu.memory_space<vmem_shared>>
      %dma_start3A_70 = arith.constant 0 : i32
      %dma_start3A_71 = arith.constant 0 : i32
      %dma_start3A_72 = tpu.memref_slice %arg6[%dma_start3A_70, %dma_start3A_71] : memref<128x128xf32, #tpu.memory_space<vmem>> -> memref<120x128xf32, #tpu.memory_space<vmem>>
      tpu.enqueue_dma source(%dma_start3A_72 : memref<120x128xf32, #tpu.memory_space<vmem>>) target(%dma_start3A_69 : memref<120x128xf32, #tpu.memory_space<vmem_shared>>) target_semaphore(%run_scoped3A : memref<!tpu.dma_semaphore, #tpu.memory_space<semaphore_mem>>)
      %dma_wait3A = arith.constant 0 : i32
      %dma_wait3A_73 = arith.constant 0 : i32
      %dma_wait3A_74 = tpu.memref_slice %arg6[%dma_wait3A, %dma_wait3A_73] : memref<128x128xf32, #tpu.memory_space<vmem>> -> memref<120x128xf32, #tpu.memory_space<vmem>>
      %dma_wait3A_75 = arith.constant 0 : i32
      %dma_wait3A_76 = tpu.memref_slice %arg9[%multiple_of3A_30, %dma_wait3A_75] : memref<10112x128xf32, #tpu.memory_space<vmem_shared>> -> memref<120x128xf32, #tpu.memory_space<vmem_shared>>
      %dma_wait3A_77 = arith.constant 0 : i32
      %dma_wait3A_78 = tpu.memref_slice %arg9[%multiple_of3A_30, %dma_wait3A_77] : memref<10112x128xf32, #tpu.memory_space<vmem_shared>> -> memref<120x128xf32, #tpu.memory_space<vmem_shared>>
      %dma_wait3A_79 = arith.constant 0 : i32
      %dma_wait3A_80 = arith.constant 0 : i32
      %dma_wait3A_81 = tpu.memref_slice %arg6[%dma_wait3A_79, %dma_wait3A_80] : memref<128x128xf32, #tpu.memory_space<vmem>> -> memref<120x128xf32, #tpu.memory_space<vmem>>
      tpu.wait_dma2 semaphore(%run_scoped3A : memref<!tpu.dma_semaphore, #tpu.memory_space<semaphore_mem>>) src(%dma_wait3A_81 : memref<120x128xf32, #tpu.memory_space<vmem>>) dst(%dma_wait3A_78 : memref<120x128xf32, #tpu.memory_space<vmem_shared>>)
      tpu.yield
    }) : () -> ()
    %barrier3A = arith.constant 0 : index
    tpu.barrier barrier_id(%barrier3A)
    %scan3A_31 = arith.constant 0 : i32
    %scan3A_32 = arith.constant 0 : i32
    %scan3A_33 = arith.constant 80 : i32
    %scan3A_34 = arith.addi %scan3A_32, %scan3A_33 : i32
    %scan3A_35 = arith.constant 1 : i32
    %scan3A_36 = scf.for %scan3A_64 = %scan3A_32 to %scan3A_34 step %scan3A_35 iter_args(%scan3A_65 = %scan3A_31) -> (i32)  : i32 {
      %mul3A_66 = arith.constant 80 : i32
      %mul3A_67 = arith.muli %add3A, %mul3A_66 : i32
      %add3A_68 = arith.addi %mul3A_67, %scan3A_64 : i32
      %mul3A_69 = arith.constant 1 : i32
      %mul3A_70 = arith.muli %add3A_68, %mul3A_69 : i32
      %mul3A_71 = arith.constant 128 : i32
      %mul3A_72 = arith.muli %mul3A_70, %mul3A_71 : i32
      %multiple_of3A_73 = tpu.assume_multiple %mul3A_72, 128 : i32
      "tpu.region"() ({
        %run_scoped3A = tpu.sem_alloc : memref<!tpu.dma_semaphore, #tpu.memory_space<semaphore_mem>>
        %dma_start3A_79 = tpu.memref_slice %arg3[%multiple_of3A_73] : memref<327680xi32, #tpu.memory_space<hbm>> -> memref<128xi32, #tpu.memory_space<hbm>>
        %dma_start3A_80 = tpu.memref_slice %arg3[%multiple_of3A_73] : memref<327680xi32, #tpu.memory_space<hbm>> -> memref<128xi32, #tpu.memory_space<hbm>>
        tpu.enqueue_dma source(%dma_start3A_80 : memref<128xi32, #tpu.memory_space<hbm>>) target(%arg7 : memref<128xi32, #tpu.memory_space<vmem>>) target_semaphore(%run_scoped3A : memref<!tpu.dma_semaphore, #tpu.memory_space<semaphore_mem>>)
        %dma_wait3A_81 = tpu.memref_slice %arg3[%multiple_of3A_73] : memref<327680xi32, #tpu.memory_space<hbm>> -> memref<128xi32, #tpu.memory_space<hbm>>
        %dma_wait3A_82 = tpu.memref_slice %arg3[%multiple_of3A_73] : memref<327680xi32, #tpu.memory_space<hbm>> -> memref<128xi32, #tpu.memory_space<hbm>>
        tpu.wait_dma2 semaphore(%run_scoped3A : memref<!tpu.dma_semaphore, #tpu.memory_space<semaphore_mem>>) src(%dma_wait3A_82 : memref<128xi32, #tpu.memory_space<hbm>>) dst(%arg7 : memref<128xi32, #tpu.memory_space<vmem>>)
        tpu.yield
      }) : () -> ()
      "tpu.region"() ({
        %run_scoped3A = tpu.sem_alloc : memref<!tpu.dma_semaphore, #tpu.memory_space<semaphore_mem>>
        %dma_start3A_79 = tpu.memref_slice %arg4[%multiple_of3A_73] : memref<327680xi32, #tpu.memory_space<hbm>> -> memref<128xi32, #tpu.memory_space<hbm>>
        %dma_start3A_80 = tpu.memref_slice %arg4[%multiple_of3A_73] : memref<327680xi32, #tpu.memory_space<hbm>> -> memref<128xi32, #tpu.memory_space<hbm>>
        tpu.enqueue_dma source(%dma_start3A_80 : memref<128xi32, #tpu.memory_space<hbm>>) target(%arg8 : memref<128xi32, #tpu.memory_space<vmem>>) target_semaphore(%run_scoped3A : memref<!tpu.dma_semaphore, #tpu.memory_space<semaphore_mem>>)
        %dma_wait3A_81 = tpu.memref_slice %arg4[%multiple_of3A_73] : memref<327680xi32, #tpu.memory_space<hbm>> -> memref<128xi32, #tpu.memory_space<hbm>>
        %dma_wait3A_82 = tpu.memref_slice %arg4[%multiple_of3A_73] : memref<327680xi32, #tpu.memory_space<hbm>> -> memref<128xi32, #tpu.memory_space<hbm>>
        tpu.wait_dma2 semaphore(%run_scoped3A : memref<!tpu.dma_semaphore, #tpu.memory_space<semaphore_mem>>) src(%dma_wait3A_82 : memref<128xi32, #tpu.memory_space<hbm>>) dst(%arg8 : memref<128xi32, #tpu.memory_space<vmem>>)
        tpu.yield
      }) : () -> ()
      %dma_start3A = arith.constant 0 : i32
      %dma_start3A_74 = arith.constant 0 : i32
      %dma_start3A_75 = tpu.memref_slice %arg2[%dma_start3A, %dma_start3A_74] : memref<10000x128xf32, #tpu.memory_space<hbm>> -> memref<10000x128xf32, #tpu.memory_space<hbm>>
      tpu.enqueue_indirect_dma source(%dma_start3A_75 : memref<10000x128xf32, #tpu.memory_space<hbm>>) target(%arg6 : memref<128x128xf32, #tpu.memory_space<vmem>>) offsets(%arg7 : memref<128xi32, #tpu.memory_space<vmem>>) semaphore(%arg10 : memref<!tpu.dma_semaphore, #tpu.memory_space<semaphore_mem>>)
      %dma_wait3A = arith.constant 0 : i32
      %dma_wait3A_76 = arith.constant 0 : i32
      %dma_wait3A_77 = tpu.memref_slice %arg2[%dma_wait3A, %dma_wait3A_76] : memref<10000x128xf32, #tpu.memory_space<hbm>> -> memref<10000x128xf32, #tpu.memory_space<hbm>>
      tpu.wait_indirect_dma semaphore(%arg10 : memref<!tpu.dma_semaphore, #tpu.memory_space<semaphore_mem>>) src(%dma_wait3A_77 : memref<10000x128xf32, #tpu.memory_space<hbm>>) dst(%arg6 : memref<128x128xf32, #tpu.memory_space<vmem>>)
      "tpu.region"() ({
        %run_scoped3A = tpu.sem_alloc : memref<!tpu.dma_semaphore, #tpu.memory_space<semaphore_mem>>
        %dma_start3A_79 = arith.constant 0 : i32
        %dma_start3A_80 = arith.constant 0 : i32
        %dma_start3A_81 = tpu.memref_slice %arg9[%dma_start3A_79, %dma_start3A_80] : memref<10112x128xf32, #tpu.memory_space<vmem_shared>> -> memref<10112x128xf32, #tpu.memory_space<vmem_shared>>
        tpu.enqueue_indirect_dma source(%arg6 : memref<128x128xf32, #tpu.memory_space<vmem>>) target(%dma_start3A_81 : memref<10112x128xf32, #tpu.memory_space<vmem_shared>>) offsets(%arg8 : memref<128xi32, #tpu.memory_space<vmem>>) semaphore(%run_scoped3A : memref<!tpu.dma_semaphore, #tpu.memory_space<semaphore_mem>>) {add = true}
        %dma_wait3A_82 = arith.constant 0 : i32
        %dma_wait3A_83 = arith.constant 0 : i32
        %dma_wait3A_84 = tpu.memref_slice %arg9[%dma_wait3A_82, %dma_wait3A_83] : memref<10112x128xf32, #tpu.memory_space<vmem_shared>> -> memref<10112x128xf32, #tpu.memory_space<vmem_shared>>
        tpu.wait_indirect_dma semaphore(%run_scoped3A : memref<!tpu.dma_semaphore, #tpu.memory_space<semaphore_mem>>) src(%arg6 : memref<128x128xf32, #tpu.memory_space<vmem>>) dst(%dma_wait3A_84 : memref<10112x128xf32, #tpu.memory_space<vmem_shared>>)
        tpu.yield
      }) : () -> ()
      %scan3A_78 = arith.constant 0 : i32
      scf.yield %scan3A_78 : i32
    }
    %scan3A_37 = arith.constant 80 : i32
    %barrier3A_38 = arith.constant 0 : index
    tpu.barrier barrier_id(%barrier3A_38)
    %mul3A_39 = arith.constant 632 : i32
    %mul3A_40 = arith.muli %arg1, %mul3A_39 : i32
    %add3A_41 = arith.constant 0 : i32
    %add3A_42 = arith.addi %mul3A_40, %add3A_41 : i32
    %multiple_of3A_43 = tpu.assume_multiple %add3A_42, 8 : i32
    "tpu.region"() ({
      %run_scoped3A = tpu.sem_alloc : memref<!tpu.dma_semaphore, #tpu.memory_space<semaphore_mem>>
      %dma_start3A = arith.constant 0 : i32
      %dma_start3A_64 = arith.constant 0 : i32
      %dma_start3A_65 = tpu.memref_slice %arg6[%dma_start3A, %dma_start3A_64] : memref<128x128xf32, #tpu.memory_space<vmem>> -> memref<128x128xf32, #tpu.memory_space<vmem>>
      %dma_start3A_66 = arith.constant 0 : i32
      %dma_start3A_67 = tpu.memref_slice %arg9[%multiple_of3A_43, %dma_start3A_66] : memref<10112x128xf32, #tpu.memory_space<vmem_shared>> -> memref<128x128xf32, #tpu.memory_space<vmem_shared>>
      %dma_start3A_68 = arith.constant 0 : i32
      %dma_start3A_69 = arith.constant 0 : i32
      %dma_start3A_70 = tpu.memref_slice %arg6[%dma_start3A_68, %dma_start3A_69] : memref<128x128xf32, #tpu.memory_space<vmem>> -> memref<128x128xf32, #tpu.memory_space<vmem>>
      %dma_start3A_71 = arith.constant 0 : i32
      %dma_start3A_72 = tpu.memref_slice %arg9[%multiple_of3A_43, %dma_start3A_71] : memref<10112x128xf32, #tpu.memory_space<vmem_shared>> -> memref<128x128xf32, #tpu.memory_space<vmem_shared>>
      tpu.enqueue_dma source(%dma_start3A_72 : memref<128x128xf32, #tpu.memory_space<vmem_shared>>) target(%dma_start3A_70 : memref<128x128xf32, #tpu.memory_space<vmem>>) target_semaphore(%run_scoped3A : memref<!tpu.dma_semaphore, #tpu.memory_space<semaphore_mem>>)
      %dma_wait3A = arith.constant 0 : i32
      %dma_wait3A_73 = arith.constant 0 : i32
      %dma_wait3A_74 = tpu.memref_slice %arg6[%dma_wait3A, %dma_wait3A_73] : memref<128x128xf32, #tpu.memory_space<vmem>> -> memref<128x128xf32, #tpu.memory_space<vmem>>
      %dma_wait3A_75 = arith.constant 0 : i32
      %dma_wait3A_76 = tpu.memref_slice %arg9[%multiple_of3A_43, %dma_wait3A_75] : memref<10112x128xf32, #tpu.memory_space<vmem_shared>> -> memref<128x128xf32, #tpu.memory_space<vmem_shared>>
      %dma_wait3A_77 = arith.constant 0 : i32
      %dma_wait3A_78 = arith.constant 0 : i32
      %dma_wait3A_79 = tpu.memref_slice %arg6[%dma_wait3A_77, %dma_wait3A_78] : memref<128x128xf32, #tpu.memory_space<vmem>> -> memref<128x128xf32, #tpu.memory_space<vmem>>
      %dma_wait3A_80 = arith.constant 0 : i32
      %dma_wait3A_81 = tpu.memref_slice %arg9[%multiple_of3A_43, %dma_wait3A_80] : memref<10112x128xf32, #tpu.memory_space<vmem_shared>> -> memref<128x128xf32, #tpu.memory_space<vmem_shared>>
      tpu.wait_dma2 semaphore(%run_scoped3A : memref<!tpu.dma_semaphore, #tpu.memory_space<semaphore_mem>>) src(%dma_wait3A_81 : memref<128x128xf32, #tpu.memory_space<vmem_shared>>) dst(%dma_wait3A_79 : memref<128x128xf32, #tpu.memory_space<vmem>>)
      tpu.yield
    }) : () -> ()
    "tpu.region"() ({
      %run_scoped3A = tpu.sem_alloc : memref<!tpu.dma_semaphore, #tpu.memory_space<semaphore_mem>>
      %dma_start3A = arith.constant 0 : i32
      %dma_start3A_64 = arith.constant 0 : i32
      %dma_start3A_65 = tpu.memref_slice %arg6[%dma_start3A, %dma_start3A_64] : memref<128x128xf32, #tpu.memory_space<vmem>> -> memref<128x128xf32, #tpu.memory_space<vmem>>
      %dma_start3A_66 = arith.constant 0 : i32
      %dma_start3A_67 = tpu.memref_slice %arg5[%arg0, %multiple_of3A_43, %dma_start3A_66] : memref<2x10112x128xf32, #tpu.memory_space<hbm>> -> memref<1x128x128xf32, #tpu.memory_space<hbm>>
      %dma_start3A_68 = tpu.memref_squeeze %dma_start3A_67 : memref<1x128x128xf32, #tpu.memory_space<hbm>> -> memref<128x128xf32, #tpu.memory_space<hbm>>
      %dma_start3A_69 = arith.constant 0 : i32
      %dma_start3A_70 = tpu.memref_slice %arg5[%arg0, %multiple_of3A_43, %dma_start3A_69] : memref<2x10112x128xf32, #tpu.memory_space<hbm>> -> memref<1x128x128xf32, #tpu.memory_space<hbm>>
      %dma_start3A_71 = tpu.memref_squeeze %dma_start3A_70 : memref<1x128x128xf32, #tpu.memory_space<hbm>> -> memref<128x128xf32, #tpu.memory_space<hbm>>
      %dma_start3A_72 = arith.constant 0 : i32
      %dma_start3A_73 = arith.constant 0 : i32
      %dma_start3A_74 = tpu.memref_slice %arg6[%dma_start3A_72, %dma_start3A_73] : memref<128x128xf32, #tpu.memory_space<vmem>> -> memref<128x128xf32, #tpu.memory_space<vmem>>
      tpu.enqueue_dma source(%dma_start3A_74 : memref<128x128xf32, #tpu.memory_space<vmem>>) target(%dma_start3A_71 : memref<128x128xf32, #tpu.memory_space<hbm>>) target_semaphore(%run_scoped3A : memref<!tpu.dma_semaphore, #tpu.memory_space<semaphore_mem>>)
      %dma_wait3A = arith.constant 0 : i32
      %dma_wait3A_75 = arith.constant 0 : i32
      %dma_wait3A_76 = tpu.memref_slice %arg6[%dma_wait3A, %dma_wait3A_75] : memref<128x128xf32, #tpu.memory_space<vmem>> -> memref<128x128xf32, #tpu.memory_space<vmem>>
      %dma_wait3A_77 = arith.constant 0 : i32
      %dma_wait3A_78 = tpu.memref_slice %arg5[%arg0, %multiple_of3A_43, %dma_wait3A_77] : memref<2x10112x128xf32, #tpu.memory_space<hbm>> -> memref<1x128x128xf32, #tpu.memory_space<hbm>>
      %dma_wait3A_79 = tpu.memref_squeeze %dma_wait3A_78 : memref<1x128x128xf32, #tpu.memory_space<hbm>> -> memref<128x128xf32, #tpu.memory_space<hbm>>
      %dma_wait3A_80 = arith.constant 0 : i32
      %dma_wait3A_81 = tpu.memref_slice %arg5[%arg0, %multiple_of3A_43, %dma_wait3A_80] : memref<2x10112x128xf32, #tpu.memory_space<hbm>> -> memref<1x128x128xf32, #tpu.memory_space<hbm>>
      %dma_wait3A_82 = tpu.memref_squeeze %dma_wait3A_81 : memref<1x128x128xf32, #tpu.memory_space<hbm>> -> memref<128x128xf32, #tpu.memory_space<hbm>>
      %dma_wait3A_83 = arith.constant 0 : i32
      %dma_wait3A_84 = arith.constant 0 : i32
      %dma_wait3A_85 = tpu.memref_slice %arg6[%dma_wait3A_83, %dma_wait3A_84] : memref<128x128xf32, #tpu.memory_space<vmem>> -> memref<128x128xf32, #tpu.memory_space<vmem>>
      tpu.wait_dma2 semaphore(%run_scoped3A : memref<!tpu.dma_semaphore, #tpu.memory_space<semaphore_mem>>) src(%dma_wait3A_85 : memref<128x128xf32, #tpu.memory_space<vmem>>) dst(%dma_wait3A_82 : memref<128x128xf32, #tpu.memory_space<hbm>>)
      tpu.yield
    }) : () -> ()
    %mul3A_44 = arith.constant 632 : i32
    %mul3A_45 = arith.muli %arg1, %mul3A_44 : i32
    %add3A_46 = arith.constant 128 : i32
    %add3A_47 = arith.addi %mul3A_45, %add3A_46 : i32
    %multiple_of3A_48 = tpu.assume_multiple %add3A_47, 8 : i32
    "tpu.region"() ({
      %run_scoped3A = tpu.sem_alloc : memref<!tpu.dma_semaphore, #tpu.memory_space<semaphore_mem>>
      %dma_start3A = arith.constant 0 : i32
      %dma_start3A_64 = arith.constant 0 : i32
      %dma_start3A_65 = tpu.memref_slice %arg6[%dma_start3A, %dma_start3A_64] : memref<128x128xf32, #tpu.memory_space<vmem>> -> memref<128x128xf32, #tpu.memory_space<vmem>>
      %dma_start3A_66 = arith.constant 0 : i32
      %dma_start3A_67 = tpu.memref_slice %arg9[%multiple_of3A_48, %dma_start3A_66] : memref<10112x128xf32, #tpu.memory_space<vmem_shared>> -> memref<128x128xf32, #tpu.memory_space<vmem_shared>>
      %dma_start3A_68 = arith.constant 0 : i32
      %dma_start3A_69 = arith.constant 0 : i32
      %dma_start3A_70 = tpu.memref_slice %arg6[%dma_start3A_68, %dma_start3A_69] : memref<128x128xf32, #tpu.memory_space<vmem>> -> memref<128x128xf32, #tpu.memory_space<vmem>>
      %dma_start3A_71 = arith.constant 0 : i32
      %dma_start3A_72 = tpu.memref_slice %arg9[%multiple_of3A_48, %dma_start3A_71] : memref<10112x128xf32, #tpu.memory_space<vmem_shared>> -> memref<128x128xf32, #tpu.memory_space<vmem_shared>>
      tpu.enqueue_dma source(%dma_start3A_72 : memref<128x128xf32, #tpu.memory_space<vmem_shared>>) target(%dma_start3A_70 : memref<128x128xf32, #tpu.memory_space<vmem>>) target_semaphore(%run_scoped3A : memref<!tpu.dma_semaphore, #tpu.memory_space<semaphore_mem>>)
      %dma_wait3A = arith.constant 0 : i32
      %dma_wait3A_73 = arith.constant 0 : i32
      %dma_wait3A_74 = tpu.memref_slice %arg6[%dma_wait3A, %dma_wait3A_73] : memref<128x128xf32, #tpu.memory_space<vmem>> -> memref<128x128xf32, #tpu.memory_space<vmem>>
      %dma_wait3A_75 = arith.constant 0 : i32
      %dma_wait3A_76 = tpu.memref_slice %arg9[%multiple_of3A_48, %dma_wait3A_75] : memref<10112x128xf32, #tpu.memory_space<vmem_shared>> -> memref<128x128xf32, #tpu.memory_space<vmem_shared>>
      %dma_wait3A_77 = arith.constant 0 : i32
      %dma_wait3A_78 = arith.constant 0 : i32
      %dma_wait3A_79 = tpu.memref_slice %arg6[%dma_wait3A_77, %dma_wait3A_78] : memref<128x128xf32, #tpu.memory_space<vmem>> -> memref<128x128xf32, #tpu.memory_space<vmem>>
      %dma_wait3A_80 = arith.constant 0 : i32
      %dma_wait3A_81 = tpu.memref_slice %arg9[%multiple_of3A_48, %dma_wait3A_80] : memref<10112x128xf32, #tpu.memory_space<vmem_shared>> -> memref<128x128xf32, #tpu.memory_space<vmem_shared>>
      tpu.wait_dma2 semaphore(%run_scoped3A : memref<!tpu.dma_semaphore, #tpu.memory_space<semaphore_mem>>) src(%dma_wait3A_81 : memref<128x128xf32, #tpu.memory_space<vmem_shared>>) dst(%dma_wait3A_79 : memref<128x128xf32, #tpu.memory_space<vmem>>)
      tpu.yield
    }) : () -> ()
    "tpu.region"() ({
      %run_scoped3A = tpu.sem_alloc : memref<!tpu.dma_semaphore, #tpu.memory_space<semaphore_mem>>
      %dma_start3A = arith.constant 0 : i32
      %dma_start3A_64 = arith.constant 0 : i32
      %dma_start3A_65 = tpu.memref_slice %arg6[%dma_start3A, %dma_start3A_64] : memref<128x128xf32, #tpu.memory_space<vmem>> -> memref<128x128xf32, #tpu.memory_space<vmem>>
      %dma_start3A_66 = arith.constant 0 : i32
      %dma_start3A_67 = tpu.memref_slice %arg5[%arg0, %multiple_of3A_48, %dma_start3A_66] : memref<2x10112x128xf32, #tpu.memory_space<hbm>> -> memref<1x128x128xf32, #tpu.memory_space<hbm>>
      %dma_start3A_68 = tpu.memref_squeeze %dma_start3A_67 : memref<1x128x128xf32, #tpu.memory_space<hbm>> -> memref<128x128xf32, #tpu.memory_space<hbm>>
      %dma_start3A_69 = arith.constant 0 : i32
      %dma_start3A_70 = tpu.memref_slice %arg5[%arg0, %multiple_of3A_48, %dma_start3A_69] : memref<2x10112x128xf32, #tpu.memory_space<hbm>> -> memref<1x128x128xf32, #tpu.memory_space<hbm>>
      %dma_start3A_71 = tpu.memref_squeeze %dma_start3A_70 : memref<1x128x128xf32, #tpu.memory_space<hbm>> -> memref<128x128xf32, #tpu.memory_space<hbm>>
      %dma_start3A_72 = arith.constant 0 : i32
      %dma_start3A_73 = arith.constant 0 : i32
      %dma_start3A_74 = tpu.memref_slice %arg6[%dma_start3A_72, %dma_start3A_73] : memref<128x128xf32, #tpu.memory_space<vmem>> -> memref<128x128xf32, #tpu.memory_space<vmem>>
      tpu.enqueue_dma source(%dma_start3A_74 : memref<128x128xf32, #tpu.memory_space<vmem>>) target(%dma_start3A_71 : memref<128x128xf32, #tpu.memory_space<hbm>>) target_semaphore(%run_scoped3A : memref<!tpu.dma_semaphore, #tpu.memory_space<semaphore_mem>>)
      %dma_wait3A = arith.constant 0 : i32
      %dma_wait3A_75 = arith.constant 0 : i32
      %dma_wait3A_76 = tpu.memref_slice %arg6[%dma_wait3A, %dma_wait3A_75] : memref<128x128xf32, #tpu.memory_space<vmem>> -> memref<128x128xf32, #tpu.memory_space<vmem>>
      %dma_wait3A_77 = arith.constant 0 : i32
      %dma_wait3A_78 = tpu.memref_slice %arg5[%arg0, %multiple_of3A_48, %dma_wait3A_77] : memref<2x10112x128xf32, #tpu.memory_space<hbm>> -> memref<1x128x128xf32, #tpu.memory_space<hbm>>
      %dma_wait3A_79 = tpu.memref_squeeze %dma_wait3A_78 : memref<1x128x128xf32, #tpu.memory_space<hbm>> -> memref<128x128xf32, #tpu.memory_space<hbm>>
      %dma_wait3A_80 = arith.constant 0 : i32
      %dma_wait3A_81 = tpu.memref_slice %arg5[%arg0, %multiple_of3A_48, %dma_wait3A_80] : memref<2x10112x128xf32, #tpu.memory_space<hbm>> -> memref<1x128x128xf32, #tpu.memory_space<hbm>>
      %dma_wait3A_82 = tpu.memref_squeeze %dma_wait3A_81 : memref<1x128x128xf32, #tpu.memory_space<hbm>> -> memref<128x128xf32, #tpu.memory_space<hbm>>
      %dma_wait3A_83 = arith.constant 0 : i32
      %dma_wait3A_84 = arith.constant 0 : i32
      %dma_wait3A_85 = tpu.memref_slice %arg6[%dma_wait3A_83, %dma_wait3A_84] : memref<128x128xf32, #tpu.memory_space<vmem>> -> memref<128x128xf32, #tpu.memory_space<vmem>>
      tpu.wait_dma2 semaphore(%run_scoped3A : memref<!tpu.dma_semaphore, #tpu.memory_space<semaphore_mem>>) src(%dma_wait3A_85 : memref<128x128xf32, #tpu.memory_space<vmem>>) dst(%dma_wait3A_82 : memref<128x128xf32, #tpu.memory_space<hbm>>)
      tpu.yield
    }) : () -> ()
    %mul3A_49 = arith.constant 632 : i32
    %mul3A_50 = arith.muli %arg1, %mul3A_49 : i32
    %add3A_51 = arith.constant 256 : i32
    %add3A_52 = arith.addi %mul3A_50, %add3A_51 : i32
    %multiple_of3A_53 = tpu.assume_multiple %add3A_52, 8 : i32
    "tpu.region"() ({
      %run_scoped3A = tpu.sem_alloc : memref<!tpu.dma_semaphore, #tpu.memory_space<semaphore_mem>>
      %dma_start3A = arith.constant 0 : i32
      %dma_start3A_64 = arith.constant 0 : i32
      %dma_start3A_65 = tpu.memref_slice %arg6[%dma_start3A, %dma_start3A_64] : memref<128x128xf32, #tpu.memory_space<vmem>> -> memref<128x128xf32, #tpu.memory_space<vmem>>
      %dma_start3A_66 = arith.constant 0 : i32
      %dma_start3A_67 = tpu.memref_slice %arg9[%multiple_of3A_53, %dma_start3A_66] : memref<10112x128xf32, #tpu.memory_space<vmem_shared>> -> memref<128x128xf32, #tpu.memory_space<vmem_shared>>
      %dma_start3A_68 = arith.constant 0 : i32
      %dma_start3A_69 = arith.constant 0 : i32
      %dma_start3A_70 = tpu.memref_slice %arg6[%dma_start3A_68, %dma_start3A_69] : memref<128x128xf32, #tpu.memory_space<vmem>> -> memref<128x128xf32, #tpu.memory_space<vmem>>
      %dma_start3A_71 = arith.constant 0 : i32
      %dma_start3A_72 = tpu.memref_slice %arg9[%multiple_of3A_53, %dma_start3A_71] : memref<10112x128xf32, #tpu.memory_space<vmem_shared>> -> memref<128x128xf32, #tpu.memory_space<vmem_shared>>
      tpu.enqueue_dma source(%dma_start3A_72 : memref<128x128xf32, #tpu.memory_space<vmem_shared>>) target(%dma_start3A_70 : memref<128x128xf32, #tpu.memory_space<vmem>>) target_semaphore(%run_scoped3A : memref<!tpu.dma_semaphore, #tpu.memory_space<semaphore_mem>>)
      %dma_wait3A = arith.constant 0 : i32
      %dma_wait3A_73 = arith.constant 0 : i32
      %dma_wait3A_74 = tpu.memref_slice %arg6[%dma_wait3A, %dma_wait3A_73] : memref<128x128xf32, #tpu.memory_space<vmem>> -> memref<128x128xf32, #tpu.memory_space<vmem>>
      %dma_wait3A_75 = arith.constant 0 : i32
      %dma_wait3A_76 = tpu.memref_slice %arg9[%multiple_of3A_53, %dma_wait3A_75] : memref<10112x128xf32, #tpu.memory_space<vmem_shared>> -> memref<128x128xf32, #tpu.memory_space<vmem_shared>>
      %dma_wait3A_77 = arith.constant 0 : i32
      %dma_wait3A_78 = arith.constant 0 : i32
      %dma_wait3A_79 = tpu.memref_slice %arg6[%dma_wait3A_77, %dma_wait3A_78] : memref<128x128xf32, #tpu.memory_space<vmem>> -> memref<128x128xf32, #tpu.memory_space<vmem>>
      %dma_wait3A_80 = arith.constant 0 : i32
      %dma_wait3A_81 = tpu.memref_slice %arg9[%multiple_of3A_53, %dma_wait3A_80] : memref<10112x128xf32, #tpu.memory_space<vmem_shared>> -> memref<128x128xf32, #tpu.memory_space<vmem_shared>>
      tpu.wait_dma2 semaphore(%run_scoped3A : memref<!tpu.dma_semaphore, #tpu.memory_space<semaphore_mem>>) src(%dma_wait3A_81 : memref<128x128xf32, #tpu.memory_space<vmem_shared>>) dst(%dma_wait3A_79 : memref<128x128xf32, #tpu.memory_space<vmem>>)
      tpu.yield
    }) : () -> ()
    "tpu.region"() ({
      %run_scoped3A = tpu.sem_alloc : memref<!tpu.dma_semaphore, #tpu.memory_space<semaphore_mem>>
      %dma_start3A = arith.constant 0 : i32
      %dma_start3A_64 = arith.constant 0 : i32
      %dma_start3A_65 = tpu.memref_slice %arg6[%dma_start3A, %dma_start3A_64] : memref<128x128xf32, #tpu.memory_space<vmem>> -> memref<128x128xf32, #tpu.memory_space<vmem>>
      %dma_start3A_66 = arith.constant 0 : i32
      %dma_start3A_67 = tpu.memref_slice %arg5[%arg0, %multiple_of3A_53, %dma_start3A_66] : memref<2x10112x128xf32, #tpu.memory_space<hbm>> -> memref<1x128x128xf32, #tpu.memory_space<hbm>>
      %dma_start3A_68 = tpu.memref_squeeze %dma_start3A_67 : memref<1x128x128xf32, #tpu.memory_space<hbm>> -> memref<128x128xf32, #tpu.memory_space<hbm>>
      %dma_start3A_69 = arith.constant 0 : i32
      %dma_start3A_70 = tpu.memref_slice %arg5[%arg0, %multiple_of3A_53, %dma_start3A_69] : memref<2x10112x128xf32, #tpu.memory_space<hbm>> -> memref<1x128x128xf32, #tpu.memory_space<hbm>>
      %dma_start3A_71 = tpu.memref_squeeze %dma_start3A_70 : memref<1x128x128xf32, #tpu.memory_space<hbm>> -> memref<128x128xf32, #tpu.memory_space<hbm>>
      %dma_start3A_72 = arith.constant 0 : i32
      %dma_start3A_73 = arith.constant 0 : i32
      %dma_start3A_74 = tpu.memref_slice %arg6[%dma_start3A_72, %dma_start3A_73] : memref<128x128xf32, #tpu.memory_space<vmem>> -> memref<128x128xf32, #tpu.memory_space<vmem>>
      tpu.enqueue_dma source(%dma_start3A_74 : memref<128x128xf32, #tpu.memory_space<vmem>>) target(%dma_start3A_71 : memref<128x128xf32, #tpu.memory_space<hbm>>) target_semaphore(%run_scoped3A : memref<!tpu.dma_semaphore, #tpu.memory_space<semaphore_mem>>)
      %dma_wait3A = arith.constant 0 : i32
      %dma_wait3A_75 = arith.constant 0 : i32
      %dma_wait3A_76 = tpu.memref_slice %arg6[%dma_wait3A, %dma_wait3A_75] : memref<128x128xf32, #tpu.memory_space<vmem>> -> memref<128x128xf32, #tpu.memory_space<vmem>>
      %dma_wait3A_77 = arith.constant 0 : i32
      %dma_wait3A_78 = tpu.memref_slice %arg5[%arg0, %multiple_of3A_53, %dma_wait3A_77] : memref<2x10112x128xf32, #tpu.memory_space<hbm>> -> memref<1x128x128xf32, #tpu.memory_space<hbm>>
      %dma_wait3A_79 = tpu.memref_squeeze %dma_wait3A_78 : memref<1x128x128xf32, #tpu.memory_space<hbm>> -> memref<128x128xf32, #tpu.memory_space<hbm>>
      %dma_wait3A_80 = arith.constant 0 : i32
      %dma_wait3A_81 = tpu.memref_slice %arg5[%arg0, %multiple_of3A_53, %dma_wait3A_80] : memref<2x10112x128xf32, #tpu.memory_space<hbm>> -> memref<1x128x128xf32, #tpu.memory_space<hbm>>
      %dma_wait3A_82 = tpu.memref_squeeze %dma_wait3A_81 : memref<1x128x128xf32, #tpu.memory_space<hbm>> -> memref<128x128xf32, #tpu.memory_space<hbm>>
      %dma_wait3A_83 = arith.constant 0 : i32
      %dma_wait3A_84 = arith.constant 0 : i32
      %dma_wait3A_85 = tpu.memref_slice %arg6[%dma_wait3A_83, %dma_wait3A_84] : memref<128x128xf32, #tpu.memory_space<vmem>> -> memref<128x128xf32, #tpu.memory_space<vmem>>
      tpu.wait_dma2 semaphore(%run_scoped3A : memref<!tpu.dma_semaphore, #tpu.memory_space<semaphore_mem>>) src(%dma_wait3A_85 : memref<128x128xf32, #tpu.memory_space<vmem>>) dst(%dma_wait3A_82 : memref<128x128xf32, #tpu.memory_space<hbm>>)
      tpu.yield
    }) : () -> ()
    %mul3A_54 = arith.constant 632 : i32
    %mul3A_55 = arith.muli %arg1, %mul3A_54 : i32
    %add3A_56 = arith.constant 384 : i32
    %add3A_57 = arith.addi %mul3A_55, %add3A_56 : i32
    %multiple_of3A_58 = tpu.assume_multiple %add3A_57, 8 : i32
    "tpu.region"() ({
      %run_scoped3A = tpu.sem_alloc : memref<!tpu.dma_semaphore, #tpu.memory_space<semaphore_mem>>
      %dma_start3A = arith.constant 0 : i32
      %dma_start3A_64 = arith.constant 0 : i32
      %dma_start3A_65 = tpu.memref_slice %arg6[%dma_start3A, %dma_start3A_64] : memref<128x128xf32, #tpu.memory_space<vmem>> -> memref<128x128xf32, #tpu.memory_space<vmem>>
      %dma_start3A_66 = arith.constant 0 : i32
      %dma_start3A_67 = tpu.memref_slice %arg9[%multiple_of3A_58, %dma_start3A_66] : memref<10112x128xf32, #tpu.memory_space<vmem_shared>> -> memref<128x128xf32, #tpu.memory_space<vmem_shared>>
      %dma_start3A_68 = arith.constant 0 : i32
      %dma_start3A_69 = arith.constant 0 : i32
      %dma_start3A_70 = tpu.memref_slice %arg6[%dma_start3A_68, %dma_start3A_69] : memref<128x128xf32, #tpu.memory_space<vmem>> -> memref<128x128xf32, #tpu.memory_space<vmem>>
      %dma_start3A_71 = arith.constant 0 : i32
      %dma_start3A_72 = tpu.memref_slice %arg9[%multiple_of3A_58, %dma_start3A_71] : memref<10112x128xf32, #tpu.memory_space<vmem_shared>> -> memref<128x128xf32, #tpu.memory_space<vmem_shared>>
      tpu.enqueue_dma source(%dma_start3A_72 : memref<128x128xf32, #tpu.memory_space<vmem_shared>>) target(%dma_start3A_70 : memref<128x128xf32, #tpu.memory_space<vmem>>) target_semaphore(%run_scoped3A : memref<!tpu.dma_semaphore, #tpu.memory_space<semaphore_mem>>)
      %dma_wait3A = arith.constant 0 : i32
      %dma_wait3A_73 = arith.constant 0 : i32
      %dma_wait3A_74 = tpu.memref_slice %arg6[%dma_wait3A, %dma_wait3A_73] : memref<128x128xf32, #tpu.memory_space<vmem>> -> memref<128x128xf32, #tpu.memory_space<vmem>>
      %dma_wait3A_75 = arith.constant 0 : i32
      %dma_wait3A_76 = tpu.memref_slice %arg9[%multiple_of3A_58, %dma_wait3A_75] : memref<10112x128xf32, #tpu.memory_space<vmem_shared>> -> memref<128x128xf32, #tpu.memory_space<vmem_shared>>
      %dma_wait3A_77 = arith.constant 0 : i32
      %dma_wait3A_78 = arith.constant 0 : i32
      %dma_wait3A_79 = tpu.memref_slice %arg6[%dma_wait3A_77, %dma_wait3A_78] : memref<128x128xf32, #tpu.memory_space<vmem>> -> memref<128x128xf32, #tpu.memory_space<vmem>>
      %dma_wait3A_80 = arith.constant 0 : i32
      %dma_wait3A_81 = tpu.memref_slice %arg9[%multiple_of3A_58, %dma_wait3A_80] : memref<10112x128xf32, #tpu.memory_space<vmem_shared>> -> memref<128x128xf32, #tpu.memory_space<vmem_shared>>
      tpu.wait_dma2 semaphore(%run_scoped3A : memref<!tpu.dma_semaphore, #tpu.memory_space<semaphore_mem>>) src(%dma_wait3A_81 : memref<128x128xf32, #tpu.memory_space<vmem_shared>>) dst(%dma_wait3A_79 : memref<128x128xf32, #tpu.memory_space<vmem>>)
      tpu.yield
    }) : () -> ()
    "tpu.region"() ({
      %run_scoped3A = tpu.sem_alloc : memref<!tpu.dma_semaphore, #tpu.memory_space<semaphore_mem>>
      %dma_start3A = arith.constant 0 : i32
      %dma_start3A_64 = arith.constant 0 : i32
      %dma_start3A_65 = tpu.memref_slice %arg6[%dma_start3A, %dma_start3A_64] : memref<128x128xf32, #tpu.memory_space<vmem>> -> memref<128x128xf32, #tpu.memory_space<vmem>>
      %dma_start3A_66 = arith.constant 0 : i32
      %dma_start3A_67 = tpu.memref_slice %arg5[%arg0, %multiple_of3A_58, %dma_start3A_66] : memref<2x10112x128xf32, #tpu.memory_space<hbm>> -> memref<1x128x128xf32, #tpu.memory_space<hbm>>
      %dma_start3A_68 = tpu.memref_squeeze %dma_start3A_67 : memref<1x128x128xf32, #tpu.memory_space<hbm>> -> memref<128x128xf32, #tpu.memory_space<hbm>>
      %dma_start3A_69 = arith.constant 0 : i32
      %dma_start3A_70 = tpu.memref_slice %arg5[%arg0, %multiple_of3A_58, %dma_start3A_69] : memref<2x10112x128xf32, #tpu.memory_space<hbm>> -> memref<1x128x128xf32, #tpu.memory_space<hbm>>
      %dma_start3A_71 = tpu.memref_squeeze %dma_start3A_70 : memref<1x128x128xf32, #tpu.memory_space<hbm>> -> memref<128x128xf32, #tpu.memory_space<hbm>>
      %dma_start3A_72 = arith.constant 0 : i32
      %dma_start3A_73 = arith.constant 0 : i32
      %dma_start3A_74 = tpu.memref_slice %arg6[%dma_start3A_72, %dma_start3A_73] : memref<128x128xf32, #tpu.memory_space<vmem>> -> memref<128x128xf32, #tpu.memory_space<vmem>>
      tpu.enqueue_dma source(%dma_start3A_74 : memref<128x128xf32, #tpu.memory_space<vmem>>) target(%dma_start3A_71 : memref<128x128xf32, #tpu.memory_space<hbm>>) target_semaphore(%run_scoped3A : memref<!tpu.dma_semaphore, #tpu.memory_space<semaphore_mem>>)
      %dma_wait3A = arith.constant 0 : i32
      %dma_wait3A_75 = arith.constant 0 : i32
      %dma_wait3A_76 = tpu.memref_slice %arg6[%dma_wait3A, %dma_wait3A_75] : memref<128x128xf32, #tpu.memory_space<vmem>> -> memref<128x128xf32, #tpu.memory_space<vmem>>
      %dma_wait3A_77 = arith.constant 0 : i32
      %dma_wait3A_78 = tpu.memref_slice %arg5[%arg0, %multiple_of3A_58, %dma_wait3A_77] : memref<2x10112x128xf32, #tpu.memory_space<hbm>> -> memref<1x128x128xf32, #tpu.memory_space<hbm>>
      %dma_wait3A_79 = tpu.memref_squeeze %dma_wait3A_78 : memref<1x128x128xf32, #tpu.memory_space<hbm>> -> memref<128x128xf32, #tpu.memory_space<hbm>>
      %dma_wait3A_80 = arith.constant 0 : i32
      %dma_wait3A_81 = tpu.memref_slice %arg5[%arg0, %multiple_of3A_58, %dma_wait3A_80] : memref<2x10112x128xf32, #tpu.memory_space<hbm>> -> memref<1x128x128xf32, #tpu.memory_space<hbm>>
      %dma_wait3A_82 = tpu.memref_squeeze %dma_wait3A_81 : memref<1x128x128xf32, #tpu.memory_space<hbm>> -> memref<128x128xf32, #tpu.memory_space<hbm>>
      %dma_wait3A_83 = arith.constant 0 : i32
      %dma_wait3A_84 = arith.constant 0 : i32
      %dma_wait3A_85 = tpu.memref_slice %arg6[%dma_wait3A_83, %dma_wait3A_84] : memref<128x128xf32, #tpu.memory_space<vmem>> -> memref<128x128xf32, #tpu.memory_space<vmem>>
      tpu.wait_dma2 semaphore(%run_scoped3A : memref<!tpu.dma_semaphore, #tpu.memory_space<semaphore_mem>>) src(%dma_wait3A_85 : memref<128x128xf32, #tpu.memory_space<vmem>>) dst(%dma_wait3A_82 : memref<128x128xf32, #tpu.memory_space<hbm>>)
      tpu.yield
    }) : () -> ()
    %mul3A_59 = arith.constant 632 : i32
    %mul3A_60 = arith.muli %arg1, %mul3A_59 : i32
    %add3A_61 = arith.constant 512 : i32
    %add3A_62 = arith.addi %mul3A_60, %add3A_61 : i32
    %multiple_of3A_63 = tpu.assume_multiple %add3A_62, 8 : i32
    "tpu.region"() ({
      %run_scoped3A = tpu.sem_alloc : memref<!tpu.dma_semaphore, #tpu.memory_space<semaphore_mem>>
      %dma_start3A = arith.constant 0 : i32
      %dma_start3A_64 = arith.constant 0 : i32
      %dma_start3A_65 = tpu.memref_slice %arg6[%dma_start3A, %dma_start3A_64] : memref<128x128xf32, #tpu.memory_space<vmem>> -> memref<120x128xf32, #tpu.memory_space<vmem>>
      %dma_start3A_66 = arith.constant 0 : i32
      %dma_start3A_67 = tpu.memref_slice %arg9[%multiple_of3A_63, %dma_start3A_66] : memref<10112x128xf32, #tpu.memory_space<vmem_shared>> -> memref<120x128xf32, #tpu.memory_space<vmem_shared>>
      %dma_start3A_68 = arith.constant 0 : i32
      %dma_start3A_69 = arith.constant 0 : i32
      %dma_start3A_70 = tpu.memref_slice %arg6[%dma_start3A_68, %dma_start3A_69] : memref<128x128xf32, #tpu.memory_space<vmem>> -> memref<120x128xf32, #tpu.memory_space<vmem>>
      %dma_start3A_71 = arith.constant 0 : i32
      %dma_start3A_72 = tpu.memref_slice %arg9[%multiple_of3A_63, %dma_start3A_71] : memref<10112x128xf32, #tpu.memory_space<vmem_shared>> -> memref<120x128xf32, #tpu.memory_space<vmem_shared>>
      tpu.enqueue_dma source(%dma_start3A_72 : memref<120x128xf32, #tpu.memory_space<vmem_shared>>) target(%dma_start3A_70 : memref<120x128xf32, #tpu.memory_space<vmem>>) target_semaphore(%run_scoped3A : memref<!tpu.dma_semaphore, #tpu.memory_space<semaphore_mem>>)
      %dma_wait3A = arith.constant 0 : i32
      %dma_wait3A_73 = arith.constant 0 : i32
      %dma_wait3A_74 = tpu.memref_slice %arg6[%dma_wait3A, %dma_wait3A_73] : memref<128x128xf32, #tpu.memory_space<vmem>> -> memref<120x128xf32, #tpu.memory_space<vmem>>
      %dma_wait3A_75 = arith.constant 0 : i32
      %dma_wait3A_76 = tpu.memref_slice %arg9[%multiple_of3A_63, %dma_wait3A_75] : memref<10112x128xf32, #tpu.memory_space<vmem_shared>> -> memref<120x128xf32, #tpu.memory_space<vmem_shared>>
      %dma_wait3A_77 = arith.constant 0 : i32
      %dma_wait3A_78 = arith.constant 0 : i32
      %dma_wait3A_79 = tpu.memref_slice %arg6[%dma_wait3A_77, %dma_wait3A_78] : memref<128x128xf32, #tpu.memory_space<vmem>> -> memref<120x128xf32, #tpu.memory_space<vmem>>
      %dma_wait3A_80 = arith.constant 0 : i32
      %dma_wait3A_81 = tpu.memref_slice %arg9[%multiple_of3A_63, %dma_wait3A_80] : memref<10112x128xf32, #tpu.memory_space<vmem_shared>> -> memref<120x128xf32, #tpu.memory_space<vmem_shared>>
      tpu.wait_dma2 semaphore(%run_scoped3A : memref<!tpu.dma_semaphore, #tpu.memory_space<semaphore_mem>>) src(%dma_wait3A_81 : memref<120x128xf32, #tpu.memory_space<vmem_shared>>) dst(%dma_wait3A_79 : memref<120x128xf32, #tpu.memory_space<vmem>>)
      tpu.yield
    }) : () -> ()
    "tpu.region"() ({
      %run_scoped3A = tpu.sem_alloc : memref<!tpu.dma_semaphore, #tpu.memory_space<semaphore_mem>>
      %dma_start3A = arith.constant 0 : i32
      %dma_start3A_64 = arith.constant 0 : i32
      %dma_start3A_65 = tpu.memref_slice %arg6[%dma_start3A, %dma_start3A_64] : memref<128x128xf32, #tpu.memory_space<vmem>> -> memref<120x128xf32, #tpu.memory_space<vmem>>
      %dma_start3A_66 = arith.constant 0 : i32
      %dma_start3A_67 = tpu.memref_slice %arg5[%arg0, %multiple_of3A_63, %dma_start3A_66] : memref<2x10112x128xf32, #tpu.memory_space<hbm>> -> memref<1x120x128xf32, #tpu.memory_space<hbm>>
      %dma_start3A_68 = tpu.memref_squeeze %dma_start3A_67 : memref<1x120x128xf32, #tpu.memory_space<hbm>> -> memref<120x128xf32, #tpu.memory_space<hbm>>
      %dma_start3A_69 = arith.constant 0 : i32
      %dma_start3A_70 = tpu.memref_slice %arg5[%arg0, %multiple_of3A_63, %dma_start3A_69] : memref<2x10112x128xf32, #tpu.memory_space<hbm>> -> memref<1x120x128xf32, #tpu.memory_space<hbm>>
      %dma_start3A_71 = tpu.memref_squeeze %dma_start3A_70 : memref<1x120x128xf32, #tpu.memory_space<hbm>> -> memref<120x128xf32, #tpu.memory_space<hbm>>
      %dma_start3A_72 = arith.constant 0 : i32
      %dma_start3A_73 = arith.constant 0 : i32
      %dma_start3A_74 = tpu.memref_slice %arg6[%dma_start3A_72, %dma_start3A_73] : memref<128x128xf32, #tpu.memory_space<vmem>> -> memref<120x128xf32, #tpu.memory_space<vmem>>
      tpu.enqueue_dma source(%dma_start3A_74 : memref<120x128xf32, #tpu.memory_space<vmem>>) target(%dma_start3A_71 : memref<120x128xf32, #tpu.memory_space<hbm>>) target_semaphore(%run_scoped3A : memref<!tpu.dma_semaphore, #tpu.memory_space<semaphore_mem>>)
      %dma_wait3A = arith.constant 0 : i32
      %dma_wait3A_75 = arith.constant 0 : i32
      %dma_wait3A_76 = tpu.memref_slice %arg6[%dma_wait3A, %dma_wait3A_75] : memref<128x128xf32, #tpu.memory_space<vmem>> -> memref<120x128xf32, #tpu.memory_space<vmem>>
      %dma_wait3A_77 = arith.constant 0 : i32
      %dma_wait3A_78 = tpu.memref_slice %arg5[%arg0, %multiple_of3A_63, %dma_wait3A_77] : memref<2x10112x128xf32, #tpu.memory_space<hbm>> -> memref<1x120x128xf32, #tpu.memory_space<hbm>>
      %dma_wait3A_79 = tpu.memref_squeeze %dma_wait3A_78 : memref<1x120x128xf32, #tpu.memory_space<hbm>> -> memref<120x128xf32, #tpu.memory_space<hbm>>
      %dma_wait3A_80 = arith.constant 0 : i32
      %dma_wait3A_81 = tpu.memref_slice %arg5[%arg0, %multiple_of3A_63, %dma_wait3A_80] : memref<2x10112x128xf32, #tpu.memory_space<hbm>> -> memref<1x120x128xf32, #tpu.memory_space<hbm>>
      %dma_wait3A_82 = tpu.memref_squeeze %dma_wait3A_81 : memref<1x120x128xf32, #tpu.memory_space<hbm>> -> memref<120x128xf32, #tpu.memory_space<hbm>>
      %dma_wait3A_83 = arith.constant 0 : i32
      %dma_wait3A_84 = arith.constant 0 : i32
      %dma_wait3A_85 = tpu.memref_slice %arg6[%dma_wait3A_83, %dma_wait3A_84] : memref<128x128xf32, #tpu.memory_space<vmem>> -> memref<120x128xf32, #tpu.memory_space<vmem>>
      tpu.wait_dma2 semaphore(%run_scoped3A : memref<!tpu.dma_semaphore, #tpu.memory_space<semaphore_mem>>) src(%dma_wait3A_85 : memref<120x128xf32, #tpu.memory_space<vmem>>) dst(%dma_wait3A_82 : memref<120x128xf32, #tpu.memory_space<hbm>>)
      tpu.yield
    }) : () -> ()
    return
  }
}

module attributes {stable_mosaic.version = 14 : i64} {
  func.func @_tc1_body(%arg0: i32, %arg1: memref<1000x128xf32, #tpu.memory_space<vmem>>, %arg2: memref<128x128xf32, #tpu.memory_space<vmem>>, %arg3: memref<2x1000x16xf32, #tpu.memory_space<vmem>>, %arg4: memref<1000x128xf32, #tpu.memory_space<vmem>>, %arg5: memref<1000x16xf32, #tpu.memory_space<vmem>>) attributes {dimension_semantics = [#tpu.dimension_semantics<arbitrary>], iteration_bounds = array<i64: 10>, scalar_prefetch = 0 : i64, scratch_operands = 0 : i64, tpu.core_type = #tpu.core_type<tc>, window_params = [{transform_indices = @transform_0, window_bounds = array<i64: 1000, 128>}, {pipeline_mode = #tpu.pipeline_mode<synchronous>, transform_indices = @transform_1, window_bounds = array<i64: 128, 128>}, {transform_indices = @transform_2, window_bounds = array<i64: 2, 1000, 16>}, {transform_indices = @transform_3, window_bounds = array<i64: 1000, 128>}, {transform_indices = @transform_4, window_bounds = array<i64: 1000, 16>}]} {
    %get3A = arith.constant 0 : index
    %get3A_0 = arith.constant 0 : index
    %get3A_1 = arith.constant 0 : index
    %get3A_2 = vector.load %arg3[%get3A, %get3A_0, %get3A_1] : memref<2x1000x16xf32, #tpu.memory_space<vmem>>, vector<1x1000x16xf32>
    %get3A_3 = vector.shape_cast %get3A_2 : vector<1x1000x16xf32> to vector<1000x16xf32>
    %get3A_4 = arith.constant 1 : index
    %get3A_5 = arith.constant 0 : index
    %get3A_6 = arith.constant 0 : index
    %get3A_7 = vector.load %arg3[%get3A_4, %get3A_5, %get3A_6] : memref<2x1000x16xf32, #tpu.memory_space<vmem>>, vector<1x1000x16xf32>
    %get3A_8 = vector.shape_cast %get3A_7 : vector<1x1000x16xf32> to vector<1000x16xf32>
    %add3A = arith.addf %get3A_3, %get3A_8 : vector<1000x16xf32>
    %add3A_9 = arith.constant 1.000000e+00 : f32
    %add3A_10 = vector.broadcast %add3A_9 : f32 to vector<1000x16xf32>
    %add3A_11 = arith.addf %add3A, %add3A_10 : vector<1000x16xf32>
    %rsqrt3A = math.rsqrt %add3A_11 : vector<1000x16xf32>
    %swap3A = arith.constant 0 : index
    %swap3A_12 = arith.constant 0 : index
    %swap3A_13 = vector.load %arg5[%swap3A, %swap3A_12] : memref<1000x16xf32, #tpu.memory_space<vmem>>, vector<1000x16xf32>
    tpu.vector_store %arg5[%swap3A, %swap3A_12], %rsqrt3A {strides = array<i32>} : memref<1000x16xf32, #tpu.memory_space<vmem>>, vector<1000x16xf32>,
    %slice3A = vector.extract_strided_slice %rsqrt3A {offsets = [0, 0], sizes = [1000, 1], strides = [1, 1]} : vector<1000x16xf32> to vector<1000x1xf32>
    %get3A_14 = arith.constant 0 : index
    %get3A_15 = arith.constant 0 : index
    %get3A_16 = vector.load %arg1[%get3A_14, %get3A_15] : memref<1000x128xf32, #tpu.memory_space<vmem>>, vector<1000x128xf32>
    %get3A_17 = arith.constant 0 : index
    %get3A_18 = arith.constant 0 : index
    %get3A_19 = vector.load %arg2[%get3A_17, %get3A_18] : memref<128x128xf32, #tpu.memory_space<vmem>>, vector<128x128xf32>
    %dot_general3A = arith.constant dense<0.000000e+00> : vector<1000x128xf32>
    %dot_general3A_20 = tpu.matmul %get3A_16, %get3A_19, %dot_general3A {dimension_numbers = #tpu.dot_dimension_numbers<[1], [0], [0], [1], [0, 0, 1, 1], [], []>, transpose_lhs_hint = false} : vector<1000x128xf32>, vector<128x128xf32>, vector<1000x128xf32> -> vector<1000x128xf32>
    %mul3A = vector.broadcast %slice3A : vector<1000x1xf32> to vector<1000x128xf32>
    %mul3A_21 = arith.mulf %dot_general3A_20, %mul3A : vector<1000x128xf32>
    %swap3A_22 = arith.constant 0 : index
    %swap3A_23 = arith.constant 0 : index
    %swap3A_24 = vector.load %arg4[%swap3A_22, %swap3A_23] : memref<1000x128xf32, #tpu.memory_space<vmem>>, vector<1000x128xf32>
    tpu.vector_store %arg4[%swap3A_22, %swap3A_23], %mul3A_21 {strides = array<i32>} : memref<1000x128xf32, #tpu.memory_space<vmem>>, vector<1000x128xf32>,
    return
  }
  func.func @transform_0(%arg0: i32) -> (i32, i32) {
    %c0_i32 = arith.constant 0 : i32
    %c0_i32_0 = arith.constant 0 : i32
    return %arg0, %c0_i32 : i32, i32
  }
  func.func @transform_1(%arg0: i32) -> (i32, i32) {
    %c0_i32 = arith.constant 0 : i32
    %c0_i32_0 = arith.constant 0 : i32
    %c0_i32_1 = arith.constant 0 : i32
    return %c0_i32, %c0_i32_0 : i32, i32
  }
  func.func @transform_2(%arg0: i32) -> (i32, i32, i32) {
    %c0_i32 = arith.constant 0 : i32
    %c0_i32_0 = arith.constant 0 : i32
    %c0_i32_1 = arith.constant 0 : i32
    return %c0_i32, %arg0, %c0_i32_0 : i32, i32, i32
  }
  func.func @transform_3(%arg0: i32) -> (i32, i32) {
    %c0_i32 = arith.constant 0 : i32
    %c0_i32_0 = arith.constant 0 : i32
    return %arg0, %c0_i32 : i32, i32
  }
  func.func @transform_4(%arg0: i32) -> (i32, i32) {
    %c0_i32 = arith.constant 0 : i32
    %c0_i32_0 = arith.constant 0 : i32
    return %arg0, %c0_i32 : i32, i32
  }
}

module attributes {stable_mosaic.version = 14 : i64} {
  func.func @_tc2_body(%arg0: i32, %arg1: memref<2x1000x128xf32, #tpu.memory_space<vmem>>, %arg2: memref<1000x128xf32, #tpu.memory_space<vmem>>, %arg3: memref<1000x16xf32, #tpu.memory_space<vmem>>, %arg4: memref<1x128xf32, #tpu.memory_space<vmem>>, %arg5: memref<128x128xf32, #tpu.memory_space<vmem>>, %arg6: memref<1000x128xf32, #tpu.memory_space<vmem>>) attributes {dimension_semantics = [#tpu.dimension_semantics<arbitrary>], iteration_bounds = array<i64: 10>, scalar_prefetch = 0 : i64, scratch_operands = 0 : i64, tpu.core_type = #tpu.core_type<tc>, window_params = [{transform_indices = @transform_0, window_bounds = array<i64: 2, 1000, 128>}, {transform_indices = @transform_1, window_bounds = array<i64: 1000, 128>}, {transform_indices = @transform_2, window_bounds = array<i64: 1000, 16>}, {pipeline_mode = #tpu.pipeline_mode<synchronous>, transform_indices = @transform_3, window_bounds = array<i64: 1, 128>}, {pipeline_mode = #tpu.pipeline_mode<synchronous>, transform_indices = @transform_4, window_bounds = array<i64: 128, 128>}, {transform_indices = @transform_5, window_bounds = array<i64: 1000, 128>}]} {
    %get3A = arith.constant 0 : index
    %get3A_0 = arith.constant 0 : index
    %get3A_1 = arith.constant 0 : index
    %get3A_2 = vector.load %arg1[%get3A, %get3A_0, %get3A_1] : memref<2x1000x128xf32, #tpu.memory_space<vmem>>, vector<1x1000x128xf32>
    %get3A_3 = vector.shape_cast %get3A_2 : vector<1x1000x128xf32> to vector<1000x128xf32>
    %get3A_4 = arith.constant 1 : index
    %get3A_5 = arith.constant 0 : index
    %get3A_6 = arith.constant 0 : index
    %get3A_7 = vector.load %arg1[%get3A_4, %get3A_5, %get3A_6] : memref<2x1000x128xf32, #tpu.memory_space<vmem>>, vector<1x1000x128xf32>
    %get3A_8 = vector.shape_cast %get3A_7 : vector<1x1000x128xf32> to vector<1000x128xf32>
    %add3A = arith.addf %get3A_3, %get3A_8 : vector<1000x128xf32>
    %get3A_9 = arith.constant 0 : index
    %get3A_10 = arith.constant 0 : index
    %get3A_11 = vector.load %arg2[%get3A_9, %get3A_10] : memref<1000x128xf32, #tpu.memory_space<vmem>>, vector<1000x128xf32>
    %add3A_12 = arith.addf %add3A, %get3A_11 : vector<1000x128xf32>
    %get3A_13 = arith.constant 0 : index
    %get3A_14 = arith.constant 0 : index
    %get3A_15 = vector.load %arg3[%get3A_13, %get3A_14] : memref<1000x16xf32, #tpu.memory_space<vmem>>, vector<1000x16xf32>
    %slice3A = vector.extract_strided_slice %get3A_15 {offsets = [0, 0], sizes = [1000, 1], strides = [1, 1]} : vector<1000x16xf32> to vector<1000x1xf32>
    %mul3A = vector.broadcast %slice3A : vector<1000x1xf32> to vector<1000x128xf32>
    %mul3A_16 = arith.mulf %add3A_12, %mul3A : vector<1000x128xf32>
    %get3A_17 = arith.constant 0 : index
    %get3A_18 = arith.constant 0 : index
    %get3A_19 = vector.load %arg4[%get3A_17, %get3A_18] : memref<1x128xf32, #tpu.memory_space<vmem>>, vector<1x128xf32>
    %add3A_20 = vector.broadcast %get3A_19 : vector<1x128xf32> to vector<1000x128xf32>
    %add3A_21 = arith.addf %mul3A_16, %add3A_20 : vector<1000x128xf32>
    %max3A = arith.constant 0.000000e+00 : f32
    %max3A_22 = vector.broadcast %max3A : f32 to vector<1000x128xf32>
    %max3A_23 = arith.maximumf %add3A_21, %max3A_22 : vector<1000x128xf32>
    %get3A_24 = arith.constant 0 : index
    %get3A_25 = arith.constant 0 : index
    %get3A_26 = vector.load %arg5[%get3A_24, %get3A_25] : memref<128x128xf32, #tpu.memory_space<vmem>>, vector<128x128xf32>
    %dot_general3A = arith.constant dense<0.000000e+00> : vector<1000x128xf32>
    %dot_general3A_27 = tpu.matmul %max3A_23, %get3A_26, %dot_general3A {dimension_numbers = #tpu.dot_dimension_numbers<[1], [0], [0], [1], [0, 0, 1, 1], [], []>, transpose_lhs_hint = false} : vector<1000x128xf32>, vector<128x128xf32>, vector<1000x128xf32> -> vector<1000x128xf32>
    %mul3A_28 = vector.broadcast %slice3A : vector<1000x1xf32> to vector<1000x128xf32>
    %mul3A_29 = arith.mulf %dot_general3A_27, %mul3A_28 : vector<1000x128xf32>
    %swap3A = arith.constant 0 : index
    %swap3A_30 = arith.constant 0 : index
    %swap3A_31 = vector.load %arg6[%swap3A, %swap3A_30] : memref<1000x128xf32, #tpu.memory_space<vmem>>, vector<1000x128xf32>
    tpu.vector_store %arg6[%swap3A, %swap3A_30], %mul3A_29 {strides = array<i32>} : memref<1000x128xf32, #tpu.memory_space<vmem>>, vector<1000x128xf32>,
    return
  }
  func.func @transform_0(%arg0: i32) -> (i32, i32, i32) {
    %c0_i32 = arith.constant 0 : i32
    %c0_i32_0 = arith.constant 0 : i32
    %c0_i32_1 = arith.constant 0 : i32
    return %c0_i32, %arg0, %c0_i32_0 : i32, i32, i32
  }
  func.func @transform_1(%arg0: i32) -> (i32, i32) {
    %c0_i32 = arith.constant 0 : i32
    %c0_i32_0 = arith.constant 0 : i32
    return %arg0, %c0_i32 : i32, i32
  }
  func.func @transform_2(%arg0: i32) -> (i32, i32) {
    %c0_i32 = arith.constant 0 : i32
    %c0_i32_0 = arith.constant 0 : i32
    return %arg0, %c0_i32 : i32, i32
  }
  func.func @transform_3(%arg0: i32) -> (i32, i32) {
    %c0_i32 = arith.constant 0 : i32
    %c0_i32_0 = arith.constant 0 : i32
    %c0_i32_1 = arith.constant 0 : i32
    return %c0_i32, %c0_i32_0 : i32, i32
  }
  func.func @transform_4(%arg0: i32) -> (i32, i32) {
    %c0_i32 = arith.constant 0 : i32
    %c0_i32_0 = arith.constant 0 : i32
    %c0_i32_1 = arith.constant 0 : i32
    return %c0_i32, %c0_i32_0 : i32, i32
  }
  func.func @transform_5(%arg0: i32) -> (i32, i32) {
    %c0_i32 = arith.constant 0 : i32
    %c0_i32_0 = arith.constant 0 : i32
    return %arg0, %c0_i32 : i32, i32
  }
}

module attributes {stable_mosaic.version = 14 : i64} {
  func.func @_tc3_body(%arg0: i32, %arg1: memref<2x1000x128xf32, #tpu.memory_space<vmem>>, %arg2: memref<1000x128xf32, #tpu.memory_space<vmem>>, %arg3: memref<1000x16xf32, #tpu.memory_space<vmem>>, %arg4: memref<1x128xf32, #tpu.memory_space<vmem>>, %arg5: memref<1000x128xf32, #tpu.memory_space<vmem>>) attributes {dimension_semantics = [#tpu.dimension_semantics<arbitrary>], iteration_bounds = array<i64: 10>, scalar_prefetch = 0 : i64, scratch_operands = 0 : i64, tpu.core_type = #tpu.core_type<tc>, window_params = [{transform_indices = @transform_0, window_bounds = array<i64: 2, 1000, 128>}, {transform_indices = @transform_1, window_bounds = array<i64: 1000, 128>}, {transform_indices = @transform_2, window_bounds = array<i64: 1000, 16>}, {pipeline_mode = #tpu.pipeline_mode<synchronous>, transform_indices = @transform_3, window_bounds = array<i64: 1, 128>}, {transform_indices = @transform_4, window_bounds = array<i64: 1000, 128>}]} {
    %get3A = arith.constant 0 : index
    %get3A_0 = arith.constant 0 : index
    %get3A_1 = arith.constant 0 : index
    %get3A_2 = vector.load %arg1[%get3A, %get3A_0, %get3A_1] : memref<2x1000x128xf32, #tpu.memory_space<vmem>>, vector<1x1000x128xf32>
    %get3A_3 = vector.shape_cast %get3A_2 : vector<1x1000x128xf32> to vector<1000x128xf32>
    %get3A_4 = arith.constant 1 : index
    %get3A_5 = arith.constant 0 : index
    %get3A_6 = arith.constant 0 : index
    %get3A_7 = vector.load %arg1[%get3A_4, %get3A_5, %get3A_6] : memref<2x1000x128xf32, #tpu.memory_space<vmem>>, vector<1x1000x128xf32>
    %get3A_8 = vector.shape_cast %get3A_7 : vector<1x1000x128xf32> to vector<1000x128xf32>
    %add3A = arith.addf %get3A_3, %get3A_8 : vector<1000x128xf32>
    %get3A_9 = arith.constant 0 : index
    %get3A_10 = arith.constant 0 : index
    %get3A_11 = vector.load %arg2[%get3A_9, %get3A_10] : memref<1000x128xf32, #tpu.memory_space<vmem>>, vector<1000x128xf32>
    %add3A_12 = arith.addf %add3A, %get3A_11 : vector<1000x128xf32>
    %get3A_13 = arith.constant 0 : index
    %get3A_14 = arith.constant 0 : index
    %get3A_15 = vector.load %arg3[%get3A_13, %get3A_14] : memref<1000x16xf32, #tpu.memory_space<vmem>>, vector<1000x16xf32>
    %slice3A = vector.extract_strided_slice %get3A_15 {offsets = [0, 0], sizes = [1000, 1], strides = [1, 1]} : vector<1000x16xf32> to vector<1000x1xf32>
    %mul3A = vector.broadcast %slice3A : vector<1000x1xf32> to vector<1000x128xf32>
    %mul3A_16 = arith.mulf %add3A_12, %mul3A : vector<1000x128xf32>
    %get3A_17 = arith.constant 0 : index
    %get3A_18 = arith.constant 0 : index
    %get3A_19 = vector.load %arg4[%get3A_17, %get3A_18] : memref<1x128xf32, #tpu.memory_space<vmem>>, vector<1x128xf32>
    %add3A_20 = vector.broadcast %get3A_19 : vector<1x128xf32> to vector<1000x128xf32>
    %add3A_21 = arith.addf %mul3A_16, %add3A_20 : vector<1000x128xf32>
    %max3A = arith.constant 0.000000e+00 : f32
    %max3A_22 = vector.broadcast %max3A : f32 to vector<1000x128xf32>
    %max3A_23 = arith.maximumf %add3A_21, %max3A_22 : vector<1000x128xf32>
    %swap3A = arith.constant 0 : index
    %swap3A_24 = arith.constant 0 : index
    %swap3A_25 = vector.load %arg5[%swap3A, %swap3A_24] : memref<1000x128xf32, #tpu.memory_space<vmem>>, vector<1000x128xf32>
    tpu.vector_store %arg5[%swap3A, %swap3A_24], %max3A_23 {strides = array<i32>} : memref<1000x128xf32, #tpu.memory_space<vmem>>, vector<1000x128xf32>,
    return
  }
  func.func @transform_0(%arg0: i32) -> (i32, i32, i32) {
    %c0_i32 = arith.constant 0 : i32
    %c0_i32_0 = arith.constant 0 : i32
    %c0_i32_1 = arith.constant 0 : i32
    return %c0_i32, %arg0, %c0_i32_0 : i32, i32, i32
  }
  func.func @transform_1(%arg0: i32) -> (i32, i32) {
    %c0_i32 = arith.constant 0 : i32
    %c0_i32_0 = arith.constant 0 : i32
    return %arg0, %c0_i32 : i32, i32
  }
  func.func @transform_2(%arg0: i32) -> (i32, i32) {
    %c0_i32 = arith.constant 0 : i32
    %c0_i32_0 = arith.constant 0 : i32
    return %arg0, %c0_i32 : i32, i32
  }
  func.func @transform_3(%arg0: i32) -> (i32, i32) {
    %c0_i32 = arith.constant 0 : i32
    %c0_i32_0 = arith.constant 0 : i32
    %c0_i32_1 = arith.constant 0 : i32
    return %c0_i32, %c0_i32_0 : i32, i32
  }
  func.func @transform_4(%arg0: i32) -> (i32, i32) {
    %c0_i32 = arith.constant 0 : i32
    %c0_i32_0 = arith.constant 0 : i32
    return %arg0, %c0_i32 : i32, i32
  }
}

</mosaic_0001>

<sc_bundles>
// kernel: kernel.11.cloned.1.call-start
scs
__scs_entry_jumppad:
0x0: {  	(pc) =	sbr.rel $0x88, $3  }
0x1: {  	(tag) =	ssettag $0x0;
	lr =	simm.s32 $0x1  }
0x2: {  	[smem:$0x3F9B] =	sst lr;
	_ =	strace $0xD0000000  }
0x3: {  	_ = 	snop  }
0x4: {  	_ = 	snop  }
0x5: {  	_ = 	snop  }
0x6: {  	_ = 	snop  }
0x7: {  	_ = 	snop  }
__scs_overlays_trampoline_lowered:
0x8: {  	[smem:$0x3FAA] =	sst s0  }
0x9: {  	[smem:$0x3FAB] =	sst s1  }
0xa: {  	[smem:$0x3FAC] =	sst s2  }
0xb: {  	[smem:$0x3FAD] =	sst s3  }
0xc: {  	[smem:$0x3FAE] =	sst s4  }
0xd: {  	[smem:$0x3FAF] =	sst s5  }
0xe: {  	[smem:$0x3FB0] =	sst s6  }
0xf: {  	[smem:$0x3FB1] =	sst s7  }
0x10: {  	[smem:$0x3FB2] =	sst s8  }
0x11: {  	[smem:$0x3FB3] =	sst s9;
	s0 =	simm.s32 @!p0 $0x0  }
0x12: {  	s1 =	sld [smem:$0x3F99];
	s0 =	simm.s32 @p0 $0x1  }
0x13: {  	[smem:$0x3FB4] =	sst s0;
	s0 =	simm.s32 @!p1 $0x0  }
0x14: {  	s2 =	sld [smem:$0x3F98];
	s0 =	simm.s32 @p1 $0x1  }
0x15: {  	[smem:$0x3FB5] =	sst s0;
	s0 =	simm.s32 @!p2 $0x0  }
0x16: {  	s3 =	sld [smem:$0x3FDB];
	s0 =	simm.s32 @p2 $0x1  }
0x17: {  	s4 =	simm.s32 $0x1BF5;
	[smem:$0x3FB7] =	sst s0  }
0x18: {  	s0 =	sld [smem:$0x3F9A];
	_ =	swait.ge [sflag:s4], $0x0  }
0x19: {  	s7 =	sld [smem:$0x3F9B]  }
0x1a: {  	s8 =	sadd.s32 $0xFFFFE003, lr  }
0x1b: {  	s9 =	sadd.s32 $0xFFFFFEF7, lr;
	s5 =	simm.s32 $0xFFFFFFFF;
	p2 =	slt.u32 s8, $0xFFFFF086  }
0x1c: {  	p1 =	slt.u32 s9, $0xF7A;
	s5 =	simm.s32 @!p2 $0x0  }
0x1d: {  	s5 =	simm.s32 @p1 $0x1;
	p0 =	seq.s32 s7, s2  }
0x1e: {  	s7 =	smul.u32 @!p0 $0xF7A, s2;
	p2 =	seq.s32 @!p0 s5, $0x0  }
0x1f: {  	s9 =	smul.u32 $0xF7A, s1;
	s8 =	simm.s32 @!p0 $0x1BF5;
	p2 =	por !p2, p0  }
0x20: {  	[sflag:s8] =	ssyncset.s32 @!p0 $0xFFFFF086;
	s6 =	sadd.s32 @!p0 s3, s7;
	s7 =	simm.s32 @!p0 $0x108  }
0x21: {  	s3 =	sadd.s32 s3, s9;
	s6 =	sadd.s32 @!p0 $0x88, s6;
	s7 =	simm.s32 @p2 $0x1082  }
0x22: {  	[simem:s7], [sflag:s8] =	dma.local @!p0 [hbm:s6], $0xF7A  }
0x23: {  	s9 =	sor.u32 $0xD0000000, s2;
	s6 =	simm.s32 $0x108;
	_ =	swait.ge @!p0 [sflag:s8], $0x0  }
0x24: {  	s3 =	sadd.s32 $0x88, s3;
	s6 =	simm.s32 @!p1 $0x1082;
	[sflag:s4] =	ssyncset.s32 $0xFFFFF086  }
0x25: {  	[simem:s6], [sflag:s4] =	dma.local [hbm:s3], $0xF7A  }
0x26: {  	[smem:$0x3F9B] =	sst s1;
	(tag) =	ssettag s2;
	_ =	strace s9  }
0x27: {  	s1 =	sld [smem:$0x3FAB]  }
0x28: {  	s2 =	sld [smem:$0x3FAC]  }
0x29: {  	s4 =	sld [smem:$0x3FAE]  }
0x2a: {  	p0 =	seq.s32 s5, $0x0;
	s5 =	sld [smem:$0x3FAF]  }
0x2b: {  	s6 =	sld [smem:$0x3FB0]  }
0x2c: {  	s7 =	sld [smem:$0x3FB1]  }
0x2d: {  	s3 =	simm.s32 $0x108;
	s8 =	sld [smem:$0x3FB2]  }
0x2e: {  	s3 =	simm.s32 @!p0 $0x1082;
	s9 =	sld [smem:$0x3FB3]  }
0x2f: {  	lr =	sadd.s32 s0, s3;
	s0 =	sld [smem:$0x3FAA]  }
0x30: {  	s3 =	sld [smem:$0x3FAD]  }
0x31: {  	[smem:$0x3FB6] =	sst s10  }
0x32: {  	s10 =	sld [smem:$0x3FB4];
	_ =	sdelay $0x3  }
0x33: {  	p0 =	seq.s32 s10, $0x1;
	s10 =	sld [smem:$0x3FB6];
	_ =	sdelay $0x3  }
0x34: {  	[smem:$0x3FB6] =	sst s10  }
0x35: {  	s10 =	sld [smem:$0x3FB5];
	_ =	sdelay $0x3  }
0x36: {  	p1 =	seq.s32 s10, $0x1;
	s10 =	sld [smem:$0x3FB6];
	_ =	sdelay $0x3  }
0x37: {  	[smem:$0x3FB6] =	sst s10  }
0x38: {  	s10 =	sld [smem:$0x3FB7]  }
0x39: {  	_ = 	snop;
	(pc) =	sbr.ind lr, $3  }
0x3a: {  	_ = 	snop  }
0x3b: {  	_ = 	snop  }
0x3c: {  	p2 =	seq.s32 s10, $0x1;
	s10 =	sld [smem:$0x3FB6]  }
0x3d: {  	_ =	shalt  }
0x3e: {  	_ =	shalt  }
0x3f: {  	_ =	shalt  }
0x40: {  	_ =	shalt  }
0x41: {  	_ =	shalt  }
0x42: {  	_ =	shalt  }
0x43: {  	_ =	shalt  }
0x44: {  	_ =	shalt  }
0x45: {  	_ =	shalt  }
0x46: {  	_ =	shalt  }
0x47: {  	_ =	shalt  }
0x48: {  	_ =	shalt  }
0x49: {  	_ =	shalt  }
0x4a: {  	_ =	shalt  }
0x4b: {  	_ =	shalt  }
0x4c: {  	_ =	shalt  }
0x4d: {  	_ =	shalt  }
0x4e: {  	_ =	shalt  }
0x4f: {  	_ =	shalt  }
0x50: {  	_ =	shalt  }
0x51: {  	_ =	shalt  }
0x52: {  	_ =	shalt  }
0x53: {  	_ =	shalt  }
0x54: {  	_ =	shalt  }
0x55: {  	_ =	shalt  }
0x56: {  	_ =	shalt  }
0x57: {  	_ =	shalt  }
0x58: {  	_ =	shalt  }
0x59: {  	_ =	shalt  }
0x5a: {  	_ =	shalt  }
0x5b: {  	_ =	shalt  }
0x5c: {  	_ =	shalt  }
0x5d: {  	_ =	shalt  }
0x5e: {  	_ =	shalt  }
0x5f: {  	_ =	shalt  }
0x60: {  	_ =	shalt  }
0x61: {  	_ =	shalt  }
0x62: {  	_ =	shalt  }
0x63: {  	_ =	shalt  }
0x64: {  	_ =	shalt  }
0x65: {  	_ =	shalt  }
0x66: {  	_ =	shalt  }
0x67: {  	_ =	shalt  }
0x68: {  	_ =	shalt  }
0x69: {  	_ =	shalt  }
0x6a: {  	_ =	shalt  }
0x6b: {  	_ =	shalt  }
0x6c: {  	_ =	shalt  }
0x6d: {  	_ =	shalt  }
0x6e: {  	_ =	shalt  }
0x6f: {  	_ =	shalt  }
0x70: {  	_ =	shalt  }
0x71: {  	_ =	shalt  }
0x72: {  	_ =	shalt  }
0x73: {  	_ =	shalt  }
0x74: {  	_ =	shalt  }
0x75: {  	_ =	shalt  }
0x76: {  	_ =	shalt  }
0x77: {  	_ =	shalt  }
0x78: {  	_ =	shalt  }
0x79: {  	_ =	shalt  }
0x7a: {  	_ =	shalt  }
0x7b: {  	_ =	shalt  }
0x7c: {  	_ =	shalt  }
0x7d: {  	_ =	shalt  }
0x7e: {  	_ =	shalt  }
0x7f: {  	_ =	shalt  }
0x80: {  	_ =	shalt  }
0x81: {  	_ =	shalt  }
0x82: {  	_ =	shalt  }
0x83: {  	_ =	shalt  }
0x84: {  	_ =	shalt  }
0x85: {  	_ =	shalt  }
0x86: {  	_ =	shalt  }
0x87: {  	_ =	shalt  }
.Lfunc_end0:
.L_simem_size_0:
called_computation.1_lowered:
.L_overlay_start_0:
0x88: {  	s2 =	sld [smem:$0x3FD9]  }
0x89: {  	s3 =	sld [smem:$0x3FFE];
	_ =	sdelay $0x1  }
0x8a: {  	s1 =	srdreg.scid  }
0x8b: {  	s0 =	sand.u32 $0x1, s1  }
0x8c: {  	s17 =	sshll.u32 s0, $0xA;
	s2 =	sadd.s32 s3, s2  }
0x8d: {  	s2 =	sadd.s32 s2, s17  }
0x8e: {  	[smem:$0x3FC2] =	sst s2  }
0x8f: {  	_ = 	snop  }
0x90: {  	s2 =	sld [smem:$0x3FD0];
	(tm) =	ssettm $0x1  }
0x91: {  	s18 =	sld [smem:$0x3FFB];
	_ =	sdelay $0x3  }
0x92: {  	_ =	strace s18  }
0x93: {  	s3 =	sld [smem:$0x3FFC];
	_ =	sdelay $0x3  }
0x94: {  	_ =	strace s3  }
0x95: {  	s3 =	sld [smem:$0x3FFD];
	_ =	sdelay $0x3  }
0x96: {  	_ =	strace s3  }
0x97: {  	_ =	strace $0x8FFFFFFF  }
0x98: {  	s19 =	sld [smem:$0x3FDB];
	_ =	sdelay $0x1  }
0x99: {  	s4 =	simm.s32 $_scs_section_size  }
0x9a: {  	s5 =	simm.s32 $_size__tile_overlayer_lowered;
	s6 =	simm.s32 $_tile_overlayer_lowered  }
0x9b: {  	s22 =	simm.s32 $0x1BFF;
	s21 =	sshll.u32 s6, $0x1;
	s3 =	sadd.s32 s4, s19  }
0x9c: {  	s7 =	simm.s32 $0x0;
	s20 =	sshll.u32 s5, $0x1;
	s5 =	sadd.s32 s21, s3  }
0x9d: {  	[timem:s7], [sflag:s22] =	dma.local [hbm:s5], s20  }
0x9e: {  	_ =	swait.ge [sflag:s22], s20  }
0x9f: {  	s4 =	ssub.s32 $0x0, s20;
	[sflag:s22] =	ssyncset.done $0x0  }
0xa0: {  	[sflag:s22] =	ssyncadd.s32 s4;
	_ =	sdelay $0x1  }
0xa1: {  	s23 =	simm.s32 $0x1B8B  }
0xa2: {  	_ =	swait.ge [sflag:s23], $0x1  }
0xa3: {  	[sflag:s23] =	ssyncset.done $0x0  }
0xa4: {  	s25 =	simm.s32 $0x1B8E;
	s24 =	sld [smem:$0x3FFE];
	[sflag:s23] =	ssyncadd.s32 $0xFFFFFFFF  }
0xa5: {  	s26 =	simm.s32 $execute0_lowered;
	[smem:$0x3FD2] =	sst s25  }
0xa6: {  	s5 =	sshll.u32 s26, $0x1;
	_ =	strace $0x80000049;
	[dreg:$0x1] =	wrdreg $0xFFFFFFFF  }
0xa7: {  	s28 =	simm.s32 $_size_execute0_lowered;
	s3 =	sadd.s32 s3, s5;
	[dreg:$0x0] =	wrdreg $0x0  }
0xa8: {  	s5 =	sshll.u32 s28, $0x1;
	[dreg:$0x2] =	wrdreg s3  }
0xa9: {  	[dreg:$0x3] =	wrdreg s5  }
0xaa: {  	[dreg:$0x4] =	wrdreg $0xC0  }
0xab: {  	_ =	task [dreg:s7], $0x5FFFF  }
0xac: {  	[dreg:$0x1] =	wrdreg $0xFFFFFFFF  }
0xad: {  	[dreg:$0x0] =	wrdreg $0x60  }
0xae: {  	[dreg:$0x2] =	wrdreg s2  }
0xaf: {  	[dreg:$0x3] =	wrdreg s24  }
0xb0: {  	[dreg:$0x4] =	wrdreg $0x41000  }
0xb1: {  	[dreg:$0x5] =	wrdreg $0x9  }
0xb2: {  	_ =	task.clear_ibuf [dreg:s7], $0x6FFFF;
	_ =	strace $0x90000049  }
0xb3: {  	s29 =	simm.s32 $0x9;
	_ =	strace $0x8000004B  }
0xb4: {  	_ =	swait.ge [sflag:s29], $0x1  }
0xb5: {  	[sflag:s29] =	ssyncadd.s32 $0xFFFFFFFF  }
0xb6: {  	_ =	strace $0x9000004B  }
0xb7: {  	_ =	sfence  }
0xb8: {  	s30 =	sld [smem:$0x0];
	_ =	sdelay $0x2  }
0xb9: {  	s31 =	sshll.u32 s1, $0xD;
	s1 =	sshrl.u32 s1, $0x2  }
0xba: {  	s3 =	sand.u32 $0x4000, s31;
	s1 =	sadd.s32 s1, s30  }
0xbb: {  	s0 =	sor.u32 s3, s0;
	s1 =	sshll.u32 s1, $0x11  }
0xbc: {  	s0 =	sor.u32 s1, s0  }
0xbd: {  	s0 =	sadd.s32 $0x8F2B, s0  }
0xbe: {  	[sflag:s0] =	ssyncadd.remote.s32 $0x1  }
0xbf: {  	_ =	sfence.sel $0xFFFF  }
0xc0: {  	[dreg:$0x0] =	wrdreg $0xFFFFFFFF;
	(pc) =	sbr.abs _section_cstart, $3  }
0xc1: {  	[dreg:$0x1] =	wrdreg $0xFFFFFFFF  }
0xc2: {  	_ =	task.clear_ibuf [dreg:s7], $0x2FFFF;
	_ =	strace $0x9FFFFFFF  }
0xc3: {  	(tm) =	ssettm $0x7FFFFFFF  }
tec
execute0_lowered:
.L_overlay_start_1:
0x0: {  	(tag) =	ssettag $0x1  }
0x1: {  	s1 =	rddreg [dreg:$0x0]  }
0x2: {  	s5 =	rddreg [dreg:$0x1]  }
0x3: {  	s3 =	rddreg [dreg:$0x2]  }
0x4: {  	s0 =	rddreg [dreg:$0x3]  }
0x5: {  	s4 =	simm.s32 $0x0;
	s2 =	stileid.u32;
	s7 =	srdreg.scid  }
0x6: {  	s20 =	simm.s32 $0x4080;
	s21 =	simm.s32 $0x80;
	s6 =	smul.u32 $0xA00, s2  }
0x7: {  	s22 =	simm.s32 $0x1;
	s23 =	simm.s32 $0x0;
	s8 =	smul.u32 $0x4F000, s2  }
0x8: {  	[smem:$0x7FF] =	sst s4;
	s12 =	sand.u32 $0x1, s7;
	s10 =	smul.u32 $0x13C00, s2  }
0x9: {  	s14 =	sadd.s32 $0xC600, s5;
	_ =	strace $0x8000004A;
	s18 =	smul.u32 $0x13C000, s12  }
0xa: {  	s24 =	ssub.s32 $0x2, s12;
	s28 =	smul.u32 $0x500, s12;
	s15 =	sadd.s32 s6, s5  }
0xb: {  	s25 =	sshrl.u32 s24, $0x1;
	s26 =	sshrl.u32 s8, $0x2;
	s11 =	sadd.s32 $0x4000, s10  }
0xc: {  	s13 =	sadd.s32 $0x8000, s10;
	s17 =	sadd.s32 $0xC000, s10;
	s19 =	sadd.s32 $0x10000, s10  }
0xd: {  	s16 =	ssub.s32 s24, s25;
	s5 =	sadd.s32 s26, s3;
	s6 =	sadd.s32 s11, s3  }
0xe: {  	s7 =	sadd.s32 s13, s3;
	s8 =	sadd.s32 s17, s3;
	s9 =	sadd.s32 s19, s3  }
0xf: {  	s10 =	sadd.s32 s10, s18;
	s11 =	sadd.s32 s18, s11;
	s13 =	sadd.s32 s18, s13  }
0x10: {  	s17 =	sadd.s32 s18, s17;
	s18 =	sadd.s32 s18, s19;
	s31 =	sadd.s32 s28, s15  }
0x11: {  	s19 =	simm.s32 $0x4000;
	s10 =	sshrl.u32 s10, $0x3;
	s11 =	sshrl.u32 s11, $0x3  }
0x12: {  	s13 =	sshrl.u32 s13, $0x3;
	s29 =	sshrl.u32 s17, $0x3;
	s30 =	sshrl.u32 s18, $0x3  }
0x13: {  	s15 =	smax.u32 s16, $0x1;
	s16 =	sadd.s32 $0x2600, s31;
	s17 =	sadd.s32 $0x5B600, s31  }
0x14: {  	s18 =	simm.s32 $0x2;
	s10 =	sadd.s32 s14, s10;
	s11 =	sadd.s32 s14, s11  }
0x15: {  	v0 =	vimm.f32 $0.0e+00;
	s12 =	sadd.s32 s14, s13;
	s13 =	sadd.s32 s14, s29;
	s14 =	sadd.s32 s14, s30  }
.LBB2_1:
0x16: {  	s24 =	simm.s32 $0x0;
	s25 =	simm.s32 $0x200  }
.LBB2_2:
0x17: {  	p0 =	sne.s32 s25, $0xFE00;
	[tilespmem:s24+$0x70] =	vst v0  }
0x18: {  	[tilespmem:s24+$0x0] =	vst v0  }
0x19: {  	[tilespmem:s24+$0x10] =	vst v0  }
.Ltmp0:
0x1a: {  	[tilespmem:s24+$0x20] =	vst v0;
	(pc) =	sbr.rel @p0 .LBB2_2-.Ltmp0, $4  }
0x1b: {  	[tilespmem:s24+$0x30] =	vst v0  }
0x1c: {  	[tilespmem:s24+$0x40] =	vst v0  }
0x1d: {  	[tilespmem:s24+$0x50] =	vst v0  }
0x1e: {  	[tilespmem:s24+$0x60] =	vst v0;
	s24 =	sshra.s32 s25, $0x2;
	s25 =	sadd.s32 $0x200, s25  }
0x1f: {  	[tilespmem:s24+$0x70] =	vst v0  }
0x20: {  	[tilespmem:s24+$0x0] =	vst v0  }
0x21: {  	[tilespmem:s24+$0x10] =	vst v0  }
0x22: {  	[tilespmem:s24+$0x20] =	vst v0  }
0x23: {  	[tilespmem:s24+$0x30] =	vst v0  }
0x24: {  	[tilespmem:s24+$0x40] =	vst v0  }
0x25: {  	[tilespmem:s24+$0x50] =	vst v0  }
0x26: {  	[tilespmem:s24+$0x60] =	vst v0;
	s29 =	simm.s32 $0x0  }
0x27: {  	[spmem:s5] =	stream.linear.scatter [tilespmem:s29], [sflag:$0x2], $0x4000, $0x38;
	[tilespmem:$0x17D00] =	vst v63  }
0x28: {  	_ =	swait.ge [sflag:s18], $0x4000  }
0x29: {  	[sflag:s18] =	ssyncset.done $0x0  }
0x2a: {  	[sflag:s18] =	ssyncadd.s32 $0xFFFFC000  }
0x2b: {  	[spmem:s6] =	stream.linear.scatter [tilespmem:s29], [sflag:$0x2], $0x4000, $0x38;
	[tilespmem:$0x17D00] =	vst v63  }
0x2c: {  	_ =	swait.ge [sflag:s18], $0x4000  }
0x2d: {  	[sflag:s18] =	ssyncset.done $0x0  }
0x2e: {  	[sflag:s18] =	ssyncadd.s32 $0xFFFFC000  }
0x2f: {  	[spmem:s7] =	stream.linear.scatter [tilespmem:s29], [sflag:$0x2], $0x4000, $0x38;
	[tilespmem:$0x17D00] =	vst v63  }
0x30: {  	_ =	swait.ge [sflag:s18], $0x4000  }
0x31: {  	[sflag:s18] =	ssyncset.done $0x0  }
0x32: {  	[sflag:s18] =	ssyncadd.s32 $0xFFFFC000  }
0x33: {  	[spmem:s8] =	stream.linear.scatter [tilespmem:s29], [sflag:$0x2], $0x4000, $0x38;
	[tilespmem:$0x17D00] =	vst v63  }
0x34: {  	_ =	swait.ge [sflag:s18], $0x4000  }
0x35: {  	[sflag:s18] =	ssyncset.done $0x0  }
0x36: {  	[sflag:s18] =	ssyncadd.s32 $0xFFFFC000  }
0x37: {  	[spmem:s9] =	stream.linear.scatter [tilespmem:s29], [sflag:$0x2], $0x3C00, $0x38;
	[tilespmem:$0x17D00] =	vst v63  }
0x38: {  	_ =	swait.ge [sflag:s18], $0x3C00  }
0x39: {  	[sflag:s18] =	ssyncset.done $0x0  }
0x3a: {  	[sflag:s18] =	ssyncadd.s32 $0xFFFFC400  }
0x3b: {  	s30 =	sadd.s32 $0x0, s17;
	[bflag:$0x0] =	sbarrier.arrive $0xFFFF  }
0x3c: {  	[tilespmem:s19], [sflag:$0x2] =	stream.linear.gather [hbm4b:s30+s4], $0x80, $0x38;
	[tilespmem:$0x17D00] =	vst v63  }
0x3d: {  	_ =	swait.ge [sflag:s18], $0x80  }
0x3e: {  	[sflag:s18] =	ssyncset.done $0x0  }
0x3f: {  	s31 =	sadd.s32 $0x0, s16;
	[sflag:s18] =	ssyncadd.s32 $0xFFFFFF80  }
0x40: {  	[tilespmem:s20], [sflag:$0x2] =	stream.linear.gather [hbm4b:s31+s4], $0x80, $0x38;
	[tilespmem:$0x17D00] =	vst v63  }
0x41: {  	_ =	swait.ge [sflag:s18], $0x80  }
0x42: {  	[sflag:s18] =	ssyncset.done $0x0  }
0x43: {  	[sflag:s18] =	ssyncadd.s32 $0xFFFFFF80  }
0x44: {  	[tilespmem:s4], [sflag:$0x1] =	stream.indirect.gather [hbm4b:s1+s21], $0x80, s19, s21, $0xb8;
	[tilespmem:$0x17D00] =	vst v63  }
0x45: {  	_ =	swait.ge [sflag:s22], $0x4000  }
0x46: {  	[sflag:s22] =	ssyncset.done $0x0  }
0x47: {  	[sflag:s22] =	ssyncadd.s32 $0xFFFFC000  }
0x48: {  	[spmem:s3] =	stream.indirect.scatter.add.f32 [tilespmem:s4], [sflag:$0x2], $0x80, s20, s21, $0xb8;
	[tilespmem:$0x17D00] =	vst v63  }
0x49: {  	_ =	swait.ge [sflag:s18], $0x4000  }
0x4a: {  	s24 =	simm.s32 $0x10;
	s25 =	simm.s32 $0x20;
	[sflag:s18] =	ssyncset.done $0x0  }
.LBB2_4:
0x4b: {  	s26 =	sadd.s32 s24, s17  }
0x4c: {  	[sflag:s18] =	ssyncadd.s32 $0xFFFFC000;
	s28 =	smov.u32 s25;
	s29 =	sadd.s32 $0x10, s25  }
0x4d: {  	[tilespmem:s19], [sflag:$0x2] =	stream.linear.gather [hbm4b:s26+s4], $0x80, $0x38;
	[tilespmem:$0x17D00] =	vst v63  }
0x4e: {  	p0 =	sne.s32 s25, $0x4F0;
	_ =	swait.ge [sflag:s18], $0x80  }
0x4f: {  	[sflag:s18] =	ssyncset.done $0x0  }
0x50: {  	s25 =	sadd.s32 s24, s16;
	s24 =	smov.u32 s28;
	[sflag:s18] =	ssyncadd.s32 $0xFFFFFF80  }
0x51: {  	[tilespmem:s20], [sflag:$0x2] =	stream.linear.gather [hbm4b:s25+s4], $0x80, $0x38;
	[tilespmem:$0x17D00] =	vst v63  }
0x52: {  	_ =	swait.ge [sflag:s18], $0x80  }
0x53: {  	[sflag:s18] =	ssyncset.done $0x0  }
0x54: {  	[sflag:s18] =	ssyncadd.s32 $0xFFFFFF80  }
0x55: {  	[tilespmem:s4], [sflag:$0x1] =	stream.indirect.gather [hbm4b:s1+s21], $0x80, s19, s21, $0xb8;
	[tilespmem:$0x17D00] =	vst v63  }
0x56: {  	_ =	swait.ge [sflag:s22], $0x4000  }
.Ltmp1:
0x57: {  	[sflag:s22] =	ssyncset.done $0x0;
	(pc) =	sbr.rel @p0 .LBB2_4-.Ltmp1, $4  }
0x58: {  	[sflag:s22] =	ssyncadd.s32 $0xFFFFC000  }
0x59: {  	[spmem:s3] =	stream.indirect.scatter.add.f32 [tilespmem:s4], [sflag:$0x2], $0x80, s20, s21, $0xb8;
	[tilespmem:$0x17D00] =	vst v63  }
0x5a: {  	_ =	swait.ge [sflag:s18], $0x4000  }
0x5b: {  	s25 =	smov.u32 s29;
	[sflag:s18] =	ssyncset.done $0x0  }
0x5c: {  	s25 =	sadd.s32 s24, s17;
	[sflag:s18] =	ssyncadd.s32 $0xFFFFC000  }
0x5d: {  	[tilespmem:s19], [sflag:$0x2] =	stream.linear.gather [hbm4b:s25+s4], $0x80, $0x38;
	[tilespmem:$0x17D00] =	vst v63  }
0x5e: {  	_ =	swait.ge [sflag:s18], $0x80  }
0x5f: {  	[sflag:s18] =	ssyncset.done $0x0  }
0x60: {  	s31 =	sadd.s32 s24, s16;
	[sflag:s18] =	ssyncadd.s32 $0xFFFFFF80  }
0x61: {  	[tilespmem:s20], [sflag:$0x2] =	stream.linear.gather [hbm4b:s31+s4], $0x80, $0x38;
	[tilespmem:$0x17D00] =	vst v63  }
0x62: {  	_ =	swait.ge [sflag:s18], $0x80  }
0x63: {  	[sflag:s18] =	ssyncset.done $0x0  }
0x64: {  	[sflag:s18] =	ssyncadd.s32 $0xFFFFFF80  }
0x65: {  	[tilespmem:s4], [sflag:$0x1] =	stream.indirect.gather [hbm4b:s1+s21], $0x80, s19, s21, $0xb8;
	[tilespmem:$0x17D00] =	vst v63  }
0x66: {  	_ =	swait.ge [sflag:s22], $0x4000  }
0x67: {  	[sflag:s22] =	ssyncset.done $0x0  }
0x68: {  	[sflag:s22] =	ssyncadd.s32 $0xFFFFC000  }
0x69: {  	[spmem:s3] =	stream.indirect.scatter.add.f32 [tilespmem:s4], [sflag:$0x2], $0x80, s20, s21, $0xb8;
	[tilespmem:$0x17D00] =	vst v63  }
0x6a: {  	_ =	swait.ge [sflag:s18], $0x4000  }
0x6b: {  	[sflag:s18] =	ssyncset.done $0x0  }
0x6c: {  	[sflag:s18] =	ssyncadd.s32 $0xFFFFC000  }
0x6d: {  	[bflag:$0x0] =	sbarrier.arrive $0xFFFF  }
0x6e: {  	[tilespmem:s4], [sflag:$0x2] =	stream.linear.gather [spmem:s5], $0x4000, $0x38;
	[tilespmem:$0x17D00] =	vst v63  }
0x6f: {  	_ =	swait.ge [sflag:s18], $0x4000  }
0x70: {  	[sflag:s18] =	ssyncset.done $0x0  }
0x71: {  	[sflag:s18] =	ssyncadd.s32 $0xFFFFC000  }
0x72: {  	[hbm4b:s10+s4] =	stream.linear.scatter [tilespmem:s4], [sflag:$0x2], $0x4000, $0x38;
	[tilespmem:$0x17D00] =	vst v63  }
0x73: {  	_ =	swait.ge [sflag:s18], $0x4000  }
0x74: {  	[sflag:s18] =	ssyncset.done $0x0  }
0x75: {  	[sflag:s18] =	ssyncadd.s32 $0xFFFFC000  }
0x76: {  	[tilespmem:s4], [sflag:$0x2] =	stream.linear.gather [spmem:s6], $0x4000, $0x38;
	[tilespmem:$0x17D00] =	vst v63  }
0x77: {  	_ =	swait.ge [sflag:s18], $0x4000  }
0x78: {  	[sflag:s18] =	ssyncset.done $0x0  }
0x79: {  	[sflag:s18] =	ssyncadd.s32 $0xFFFFC000  }
0x7a: {  	[hbm4b:s11+s4] =	stream.linear.scatter [tilespmem:s4], [sflag:$0x2], $0x4000, $0x38;
	[tilespmem:$0x17D00] =	vst v63  }
0x7b: {  	_ =	swait.ge [sflag:s18], $0x4000  }
0x7c: {  	[sflag:s18] =	ssyncset.done $0x0  }
0x7d: {  	[sflag:s18] =	ssyncadd.s32 $0xFFFFC000  }
0x7e: {  	[tilespmem:s4], [sflag:$0x2] =	stream.linear.gather [spmem:s7], $0x4000, $0x38;
	[tilespmem:$0x17D00] =	vst v63  }
0x7f: {  	_ =	swait.ge [sflag:s18], $0x4000  }
0x80: {  	[sflag:s18] =	ssyncset.done $0x0  }
0x81: {  	[sflag:s18] =	ssyncadd.s32 $0xFFFFC000  }
0x82: {  	[hbm4b:s12+s4] =	stream.linear.scatter [tilespmem:s4], [sflag:$0x2], $0x4000, $0x38;
	[tilespmem:$0x17D00] =	vst v63  }
0x83: {  	_ =	swait.ge [sflag:s18], $0x4000  }
0x84: {  	[sflag:s18] =	ssyncset.done $0x0  }
0x85: {  	[sflag:s18] =	ssyncadd.s32 $0xFFFFC000  }
0x86: {  	[tilespmem:s4], [sflag:$0x2] =	stream.linear.gather [spmem:s8], $0x4000, $0x38;
	[tilespmem:$0x17D00] =	vst v63  }
0x87: {  	_ =	swait.ge [sflag:s18], $0x4000  }
0x88: {  	[sflag:s18] =	ssyncset.done $0x0  }
0x89: {  	[sflag:s18] =	ssyncadd.s32 $0xFFFFC000  }
0x8a: {  	[hbm4b:s13+s4] =	stream.linear.scatter [tilespmem:s4], [sflag:$0x2], $0x4000, $0x38;
	[tilespmem:$0x17D00] =	vst v63  }
0x8b: {  	_ =	swait.ge [sflag:s18], $0x4000  }
0x8c: {  	[sflag:s18] =	ssyncset.done $0x0  }
0x8d: {  	[sflag:s18] =	ssyncadd.s32 $0xFFFFC000  }
0x8e: {  	[tilespmem:s4], [sflag:$0x2] =	stream.linear.gather [spmem:s9], $0x3C00, $0x38;
	[tilespmem:$0x17D00] =	vst v63  }
0x8f: {  	s23 =	sadd.s32 $0x1, s23;
	_ =	swait.ge [sflag:s18], $0x3C00  }
0x90: {  	p0 =	sne.s32 s23, s15;
	[sflag:s18] =	ssyncset.done $0x0  }
.Ltmp2:
0x91: {  	[sflag:s18] =	ssyncadd.s32 $0xFFFFC400;
	(pc) =	sbr.rel @p0 .LBB2_1-.Ltmp2, $4  }
0x92: {  	[hbm4b:s14+s4] =	stream.linear.scatter [tilespmem:s4], [sflag:$0x2], $0x3C00, $0x38;
	[tilespmem:$0x17D00] =	vst v63  }
0x93: {  	_ =	swait.ge [sflag:s18], $0x3C00  }
0x94: {  	[sflag:s18] =	ssyncset.done $0x0  }
0x95: {  	[sflag:s18] =	ssyncadd.s32 $0xFFFFC400  }
0x96: {  	_ =	sfence.sel $0x180000  }
0x97: {  	[bflag:$0x0] =	sbarrier.arrive $0xFFFF  }
0x98: {  	p0 =	sne.s32 s2, $0x0;
	_ =	strace $0x9000004A  }
0x99: {  	s0 =	sadd.s32 @!p0 $0x100000, s0;
	[bflag:$0x2] =	sbarrier.arrive $0xFFFF  }
0x9a: {  	[sflag:s0] =	ssyncadd.tile.s32 @!p0 $0x1;
	_ =	shalt  }
.Lfunc_end2:
_tile_overlayer_lowered:
.L_overlay_start_2:
0x9b: {  	(tag) =	ssettag $0x2  }
0x9c: {  	s0 =	rddreg [dreg:$0x0];
	s2 =	stileid.u32  }
0x9d: {  	s1 =	rddreg [dreg:$0x1];
	p0 =	sne.s32 s2, $0x0  }
0x9e: {  	s3 =	rddreg [dreg:$0x2];
	[bflag:$0x3] =	sbarrier.arrive $0xFFFF;
	s2 =	simm.s32 @!p0 $0x1C02  }
0x9f: {  	[timem:s3], [sflag:s2] =	dma.local @!p0 [hbm:s0], s1  }
0xa0: {  	s0 =	simm.s32 @!p0 $0x2  }
0xa1: {  	_ =	swait.ge @!p0 [sflag:s0], s1  }
0xa2: {  	s1 =	ssub.s32 @!p0 $0x0, s1;
	[sflag:s0] =	ssyncset.done @!p0 $0x0  }
0xa3: {  	[sflag:s0] =	ssyncadd.s32 @!p0 s1  }
0xa4: {  	[bflag:$0x3] =	sbarrier.arrive $0xFFFF  }
0xa5: {  	_ =	shalt  }

// kernel: kernel.14.cloned.1.call-start
scs
__scs_entry_jumppad:
0x0: {  	(pc) =	sbr.rel $0x88, $3  }
0x1: {  	(tag) =	ssettag $0x0;
	lr =	simm.s32 $0x1  }
0x2: {  	[smem:$0x3F9B] =	sst lr;
	_ =	strace $0xD0000000  }
0x3: {  	_ = 	snop  }
0x4: {  	_ = 	snop  }
0x5: {  	_ = 	snop  }
0x6: {  	_ = 	snop  }
0x7: {  	_ = 	snop  }
__scs_overlays_trampoline_lowered:
0x8: {  	[smem:$0x3FAA] =	sst s0  }
0x9: {  	[smem:$0x3FAB] =	sst s1  }
0xa: {  	[smem:$0x3FAC] =	sst s2  }
0xb: {  	[smem:$0x3FAD] =	sst s3  }
0xc: {  	[smem:$0x3FAE] =	sst s4  }
0xd: {  	[smem:$0x3FAF] =	sst s5  }
0xe: {  	[smem:$0x3FB0] =	sst s6  }
0xf: {  	[smem:$0x3FB1] =	sst s7  }
0x10: {  	[smem:$0x3FB2] =	sst s8  }
0x11: {  	[smem:$0x3FB3] =	sst s9;
	s0 =	simm.s32 @!p0 $0x0  }
0x12: {  	s1 =	sld [smem:$0x3F99];
	s0 =	simm.s32 @p0 $0x1  }
0x13: {  	[smem:$0x3FB4] =	sst s0;
	s0 =	simm.s32 @!p1 $0x0  }
0x14: {  	s2 =	sld [smem:$0x3F98];
	s0 =	simm.s32 @p1 $0x1  }
0x15: {  	[smem:$0x3FB5] =	sst s0;
	s0 =	simm.s32 @!p2 $0x0  }
0x16: {  	s3 =	sld [smem:$0x3FDB];
	s0 =	simm.s32 @p2 $0x1  }
0x17: {  	s4 =	simm.s32 $0x1BF5;
	[smem:$0x3FB7] =	sst s0  }
0x18: {  	s0 =	sld [smem:$0x3F9A];
	_ =	swait.ge [sflag:s4], $0x0  }
0x19: {  	s7 =	sld [smem:$0x3F9B]  }
0x1a: {  	s8 =	sadd.s32 $0xFFFFE003, lr  }
0x1b: {  	s9 =	sadd.s32 $0xFFFFFEF7, lr;
	s5 =	simm.s32 $0xFFFFFFFF;
	p2 =	slt.u32 s8, $0xFFFFF086  }
0x1c: {  	p1 =	slt.u32 s9, $0xF7A;
	s5 =	simm.s32 @!p2 $0x0  }
0x1d: {  	s5 =	simm.s32 @p1 $0x1;
	p0 =	seq.s32 s7, s2  }
0x1e: {  	s7 =	smul.u32 @!p0 $0xF7A, s2;
	p2 =	seq.s32 @!p0 s5, $0x0  }
0x1f: {  	s9 =	smul.u32 $0xF7A, s1;
	s8 =	simm.s32 @!p0 $0x1BF5;
	p2 =	por !p2, p0  }
0x20: {  	[sflag:s8] =	ssyncset.s32 @!p0 $0xFFFFF086;
	s6 =	sadd.s32 @!p0 s3, s7;
	s7 =	simm.s32 @!p0 $0x108  }
0x21: {  	s3 =	sadd.s32 s3, s9;
	s6 =	sadd.s32 @!p0 $0x88, s6;
	s7 =	simm.s32 @p2 $0x1082  }
0x22: {  	[simem:s7], [sflag:s8] =	dma.local @!p0 [hbm:s6], $0xF7A  }
0x23: {  	s9 =	sor.u32 $0xD0000000, s2;
	s6 =	simm.s32 $0x108;
	_ =	swait.ge @!p0 [sflag:s8], $0x0  }
0x24: {  	s3 =	sadd.s32 $0x88, s3;
	s6 =	simm.s32 @!p1 $0x1082;
	[sflag:s4] =	ssyncset.s32 $0xFFFFF086  }
0x25: {  	[simem:s6], [sflag:s4] =	dma.local [hbm:s3], $0xF7A  }
0x26: {  	[smem:$0x3F9B] =	sst s1;
	(tag) =	ssettag s2;
	_ =	strace s9  }
0x27: {  	s1 =	sld [smem:$0x3FAB]  }
0x28: {  	s2 =	sld [smem:$0x3FAC]  }
0x29: {  	s4 =	sld [smem:$0x3FAE]  }
0x2a: {  	p0 =	seq.s32 s5, $0x0;
	s5 =	sld [smem:$0x3FAF]  }
0x2b: {  	s6 =	sld [smem:$0x3FB0]  }
0x2c: {  	s7 =	sld [smem:$0x3FB1]  }
0x2d: {  	s3 =	simm.s32 $0x108;
	s8 =	sld [smem:$0x3FB2]  }
0x2e: {  	s3 =	simm.s32 @!p0 $0x1082;
	s9 =	sld [smem:$0x3FB3]  }
0x2f: {  	lr =	sadd.s32 s0, s3;
	s0 =	sld [smem:$0x3FAA]  }
0x30: {  	s3 =	sld [smem:$0x3FAD]  }
0x31: {  	[smem:$0x3FB6] =	sst s10  }
0x32: {  	s10 =	sld [smem:$0x3FB4];
	_ =	sdelay $0x3  }
0x33: {  	p0 =	seq.s32 s10, $0x1;
	s10 =	sld [smem:$0x3FB6];
	_ =	sdelay $0x3  }
0x34: {  	[smem:$0x3FB6] =	sst s10  }
0x35: {  	s10 =	sld [smem:$0x3FB5];
	_ =	sdelay $0x3  }
0x36: {  	p1 =	seq.s32 s10, $0x1;
	s10 =	sld [smem:$0x3FB6];
	_ =	sdelay $0x3  }
0x37: {  	[smem:$0x3FB6] =	sst s10  }
0x38: {  	s10 =	sld [smem:$0x3FB7]  }
0x39: {  	_ = 	snop;
	(pc) =	sbr.ind lr, $3  }
0x3a: {  	_ = 	snop  }
0x3b: {  	_ = 	snop  }
0x3c: {  	p2 =	seq.s32 s10, $0x1;
	s10 =	sld [smem:$0x3FB6]  }
0x3d: {  	_ =	shalt  }
0x3e: {  	_ =	shalt  }
0x3f: {  	_ =	shalt  }
0x40: {  	_ =	shalt  }
0x41: {  	_ =	shalt  }
0x42: {  	_ =	shalt  }
0x43: {  	_ =	shalt  }
0x44: {  	_ =	shalt  }
0x45: {  	_ =	shalt  }
0x46: {  	_ =	shalt  }
0x47: {  	_ =	shalt  }
0x48: {  	_ =	shalt  }
0x49: {  	_ =	shalt  }
0x4a: {  	_ =	shalt  }
0x4b: {  	_ =	shalt  }
0x4c: {  	_ =	shalt  }
0x4d: {  	_ =	shalt  }
0x4e: {  	_ =	shalt  }
0x4f: {  	_ =	shalt  }
0x50: {  	_ =	shalt  }
0x51: {  	_ =	shalt  }
0x52: {  	_ =	shalt  }
0x53: {  	_ =	shalt  }
0x54: {  	_ =	shalt  }
0x55: {  	_ =	shalt  }
0x56: {  	_ =	shalt  }
0x57: {  	_ =	shalt  }
0x58: {  	_ =	shalt  }
0x59: {  	_ =	shalt  }
0x5a: {  	_ =	shalt  }
0x5b: {  	_ =	shalt  }
0x5c: {  	_ =	shalt  }
0x5d: {  	_ =	shalt  }
0x5e: {  	_ =	shalt  }
0x5f: {  	_ =	shalt  }
0x60: {  	_ =	shalt  }
0x61: {  	_ =	shalt  }
0x62: {  	_ =	shalt  }
0x63: {  	_ =	shalt  }
0x64: {  	_ =	shalt  }
0x65: {  	_ =	shalt  }
0x66: {  	_ =	shalt  }
0x67: {  	_ =	shalt  }
0x68: {  	_ =	shalt  }
0x69: {  	_ =	shalt  }
0x6a: {  	_ =	shalt  }
0x6b: {  	_ =	shalt  }
0x6c: {  	_ =	shalt  }
0x6d: {  	_ =	shalt  }
0x6e: {  	_ =	shalt  }
0x6f: {  	_ =	shalt  }
0x70: {  	_ =	shalt  }
0x71: {  	_ =	shalt  }
0x72: {  	_ =	shalt  }
0x73: {  	_ =	shalt  }
0x74: {  	_ =	shalt  }
0x75: {  	_ =	shalt  }
0x76: {  	_ =	shalt  }
0x77: {  	_ =	shalt  }
0x78: {  	_ =	shalt  }
0x79: {  	_ =	shalt  }
0x7a: {  	_ =	shalt  }
0x7b: {  	_ =	shalt  }
0x7c: {  	_ =	shalt  }
0x7d: {  	_ =	shalt  }
0x7e: {  	_ =	shalt  }
0x7f: {  	_ =	shalt  }
0x80: {  	_ =	shalt  }
0x81: {  	_ =	shalt  }
0x82: {  	_ =	shalt  }
0x83: {  	_ =	shalt  }
0x84: {  	_ =	shalt  }
0x85: {  	_ =	shalt  }
0x86: {  	_ =	shalt  }
0x87: {  	_ =	shalt  }
.Lfunc_end0:
.L_simem_size_0:
called_computation.2_lowered:
.L_overlay_start_0:
0x88: {  	s2 =	sld [smem:$0x3FD9]  }
0x89: {  	s3 =	sld [smem:$0x3FFE];
	_ =	sdelay $0x1  }
0x8a: {  	s1 =	srdreg.scid  }
0x8b: {  	s0 =	sand.u32 $0x1, s1  }
0x8c: {  	s17 =	sshll.u32 s0, $0xA;
	s2 =	sadd.s32 s3, s2  }
0x8d: {  	s2 =	sadd.s32 s2, s17  }
0x8e: {  	[smem:$0x3FC2] =	sst s2  }
0x8f: {  	_ = 	snop  }
0x90: {  	s2 =	sld [smem:$0x3FD0];
	(tm) =	ssettm $0x1  }
0x91: {  	s18 =	sld [smem:$0x3FFB];
	_ =	sdelay $0x3  }
0x92: {  	_ =	strace s18  }
0x93: {  	s3 =	sld [smem:$0x3FFC];
	_ =	sdelay $0x3  }
0x94: {  	_ =	strace s3  }
0x95: {  	s3 =	sld [smem:$0x3FFD];
	_ =	sdelay $0x3  }
0x96: {  	_ =	strace s3  }
0x97: {  	_ =	strace $0x8FFFFFFF  }
0x98: {  	s19 =	sld [smem:$0x3FDB];
	_ =	sdelay $0x1  }
0x99: {  	s4 =	simm.s32 $_scs_section_size  }
0x9a: {  	s5 =	simm.s32 $_size__tile_overlayer_lowered;
	s6 =	simm.s32 $_tile_overlayer_lowered  }
0x9b: {  	s22 =	simm.s32 $0x1BFF;
	s21 =	sshll.u32 s6, $0x1;
	s3 =	sadd.s32 s4, s19  }
0x9c: {  	s7 =	simm.s32 $0x0;
	s20 =	sshll.u32 s5, $0x1;
	s5 =	sadd.s32 s21, s3  }
0x9d: {  	[timem:s7], [sflag:s22] =	dma.local [hbm:s5], s20  }
0x9e: {  	_ =	swait.ge [sflag:s22], s20  }
0x9f: {  	s4 =	ssub.s32 $0x0, s20;
	[sflag:s22] =	ssyncset.done $0x0  }
0xa0: {  	[sflag:s22] =	ssyncadd.s32 s4;
	_ =	sdelay $0x1  }
0xa1: {  	s23 =	simm.s32 $0x1B8B  }
0xa2: {  	_ =	swait.ge [sflag:s23], $0x1  }
0xa3: {  	[sflag:s23] =	ssyncset.done $0x0  }
0xa4: {  	s25 =	simm.s32 $0x1B8E;
	s24 =	sld [smem:$0x3FFE];
	[sflag:s23] =	ssyncadd.s32 $0xFFFFFFFF  }
0xa5: {  	s26 =	simm.s32 $execute0_lowered;
	[smem:$0x3FD2] =	sst s25  }
0xa6: {  	s5 =	sshll.u32 s26, $0x1;
	_ =	strace $0x8000004C;
	[dreg:$0x1] =	wrdreg $0xFFFFFFFF  }
0xa7: {  	s28 =	simm.s32 $_size_execute0_lowered;
	s3 =	sadd.s32 s3, s5;
	[dreg:$0x0] =	wrdreg $0x0  }
0xa8: {  	s5 =	sshll.u32 s28, $0x1;
	[dreg:$0x2] =	wrdreg s3  }
0xa9: {  	[dreg:$0x3] =	wrdreg s5  }
0xaa: {  	[dreg:$0x4] =	wrdreg $0xC0  }
0xab: {  	_ =	task [dreg:s7], $0x5FFFF  }
0xac: {  	[dreg:$0x1] =	wrdreg $0xFFFFFFFF  }
0xad: {  	[dreg:$0x0] =	wrdreg $0x60  }
0xae: {  	[dreg:$0x2] =	wrdreg s2  }
0xaf: {  	[dreg:$0x3] =	wrdreg s24  }
0xb0: {  	[dreg:$0x4] =	wrdreg $0x41000  }
0xb1: {  	[dreg:$0x5] =	wrdreg $0x9  }
0xb2: {  	_ =	task.clear_ibuf [dreg:s7], $0x6FFFF;
	_ =	strace $0x9000004C  }
0xb3: {  	s29 =	simm.s32 $0x9;
	_ =	strace $0x8000004E  }
0xb4: {  	_ =	swait.ge [sflag:s29], $0x1  }
0xb5: {  	[sflag:s29] =	ssyncadd.s32 $0xFFFFFFFF  }
0xb6: {  	_ =	strace $0x9000004E  }
0xb7: {  	_ =	sfence  }
0xb8: {  	s30 =	sld [smem:$0x0];
	_ =	sdelay $0x2  }
0xb9: {  	s31 =	sshll.u32 s1, $0xD;
	s1 =	sshrl.u32 s1, $0x2  }
0xba: {  	s3 =	sand.u32 $0x4000, s31;
	s1 =	sadd.s32 s1, s30  }
0xbb: {  	s0 =	sor.u32 s3, s0;
	s1 =	sshll.u32 s1, $0x11  }
0xbc: {  	s0 =	sor.u32 s1, s0  }
0xbd: {  	s0 =	sadd.s32 $0x8F2B, s0  }
0xbe: {  	[sflag:s0] =	ssyncadd.remote.s32 $0x1  }
0xbf: {  	_ =	sfence.sel $0xFFFF  }
0xc0: {  	[dreg:$0x0] =	wrdreg $0xFFFFFFFF;
	(pc) =	sbr.abs _section_cstart, $3  }
0xc1: {  	[dreg:$0x1] =	wrdreg $0xFFFFFFFF  }
0xc2: {  	_ =	task.clear_ibuf [dreg:s7], $0x2FFFF;
	_ =	strace $0x9FFFFFFF  }
0xc3: {  	(tm) =	ssettm $0x7FFFFFFF  }
tec
execute0_lowered:
.L_overlay_start_1:
0x0: {  	(tag) =	ssettag $0x1  }
0x1: {  	s1 =	rddreg [dreg:$0x0]  }
0x2: {  	s5 =	rddreg [dreg:$0x1]  }
0x3: {  	s3 =	rddreg [dreg:$0x2]  }
0x4: {  	s0 =	rddreg [dreg:$0x3]  }
0x5: {  	s4 =	simm.s32 $0x0;
	s2 =	stileid.u32;
	s7 =	srdreg.scid  }
0x6: {  	s20 =	simm.s32 $0x4080;
	s21 =	simm.s32 $0x80;
	s6 =	smul.u32 $0xA00, s2  }
0x7: {  	s22 =	simm.s32 $0x1;
	s23 =	simm.s32 $0x0;
	s8 =	smul.u32 $0x4F000, s2  }
0x8: {  	[smem:$0x7FF] =	sst s4;
	s12 =	sand.u32 $0x1, s7;
	s10 =	smul.u32 $0x13C00, s2  }
0x9: {  	s14 =	sadd.s32 $0xC600, s5;
	_ =	strace $0x8000004D;
	s18 =	smul.u32 $0x13C000, s12  }
0xa: {  	s24 =	ssub.s32 $0x2, s12;
	s28 =	smul.u32 $0x500, s12;
	s15 =	sadd.s32 s6, s5  }
0xb: {  	s25 =	sshrl.u32 s24, $0x1;
	s26 =	sshrl.u32 s8, $0x2;
	s11 =	sadd.s32 $0x4000, s10  }
0xc: {  	s13 =	sadd.s32 $0x8000, s10;
	s17 =	sadd.s32 $0xC000, s10;
	s19 =	sadd.s32 $0x10000, s10  }
0xd: {  	s16 =	ssub.s32 s24, s25;
	s5 =	sadd.s32 s26, s3;
	s6 =	sadd.s32 s11, s3  }
0xe: {  	s7 =	sadd.s32 s13, s3;
	s8 =	sadd.s32 s17, s3;
	s9 =	sadd.s32 s19, s3  }
0xf: {  	s10 =	sadd.s32 s10, s18;
	s11 =	sadd.s32 s18, s11;
	s13 =	sadd.s32 s18, s13  }
0x10: {  	s17 =	sadd.s32 s18, s17;
	s18 =	sadd.s32 s18, s19;
	s31 =	sadd.s32 s28, s15  }
0x11: {  	s19 =	simm.s32 $0x4000;
	s10 =	sshrl.u32 s10, $0x3;
	s11 =	sshrl.u32 s11, $0x3  }
0x12: {  	s13 =	sshrl.u32 s13, $0x3;
	s29 =	sshrl.u32 s17, $0x3;
	s30 =	sshrl.u32 s18, $0x3  }
0x13: {  	s15 =	smax.u32 s16, $0x1;
	s16 =	sadd.s32 $0x2600, s31;
	s17 =	sadd.s32 $0x5B600, s31  }
0x14: {  	s18 =	simm.s32 $0x2;
	s10 =	sadd.s32 s14, s10;
	s11 =	sadd.s32 s14, s11  }
0x15: {  	v0 =	vimm.f32 $0.0e+00;
	s12 =	sadd.s32 s14, s13;
	s13 =	sadd.s32 s14, s29;
	s14 =	sadd.s32 s14, s30  }
.LBB2_1:
0x16: {  	s24 =	simm.s32 $0x0;
	s25 =	simm.s32 $0x200  }
.LBB2_2:
0x17: {  	p0 =	sne.s32 s25, $0xFE00;
	[tilespmem:s24+$0x70] =	vst v0  }
0x18: {  	[tilespmem:s24+$0x0] =	vst v0  }
0x19: {  	[tilespmem:s24+$0x10] =	vst v0  }
.Ltmp0:
0x1a: {  	[tilespmem:s24+$0x20] =	vst v0;
	(pc) =	sbr.rel @p0 .LBB2_2-.Ltmp0, $4  }
0x1b: {  	[tilespmem:s24+$0x30] =	vst v0  }
0x1c: {  	[tilespmem:s24+$0x40] =	vst v0  }
0x1d: {  	[tilespmem:s24+$0x50] =	vst v0  }
0x1e: {  	[tilespmem:s24+$0x60] =	vst v0;
	s24 =	sshra.s32 s25, $0x2;
	s25 =	sadd.s32 $0x200, s25  }
0x1f: {  	[tilespmem:s24+$0x70] =	vst v0  }
0x20: {  	[tilespmem:s24+$0x0] =	vst v0  }
0x21: {  	[tilespmem:s24+$0x10] =	vst v0  }
0x22: {  	[tilespmem:s24+$0x20] =	vst v0  }
0x23: {  	[tilespmem:s24+$0x30] =	vst v0  }
0x24: {  	[tilespmem:s24+$0x40] =	vst v0  }
0x25: {  	[tilespmem:s24+$0x50] =	vst v0  }
0x26: {  	[tilespmem:s24+$0x60] =	vst v0;
	s29 =	simm.s32 $0x0  }
0x27: {  	[spmem:s5] =	stream.linear.scatter [tilespmem:s29], [sflag:$0x2], $0x4000, $0x38;
	[tilespmem:$0x17D00] =	vst v63  }
0x28: {  	_ =	swait.ge [sflag:s18], $0x4000  }
0x29: {  	[sflag:s18] =	ssyncset.done $0x0  }
0x2a: {  	[sflag:s18] =	ssyncadd.s32 $0xFFFFC000  }
0x2b: {  	[spmem:s6] =	stream.linear.scatter [tilespmem:s29], [sflag:$0x2], $0x4000, $0x38;
	[tilespmem:$0x17D00] =	vst v63  }
0x2c: {  	_ =	swait.ge [sflag:s18], $0x4000  }
0x2d: {  	[sflag:s18] =	ssyncset.done $0x0  }
0x2e: {  	[sflag:s18] =	ssyncadd.s32 $0xFFFFC000  }
0x2f: {  	[spmem:s7] =	stream.linear.scatter [tilespmem:s29], [sflag:$0x2], $0x4000, $0x38;
	[tilespmem:$0x17D00] =	vst v63  }
0x30: {  	_ =	swait.ge [sflag:s18], $0x4000  }
0x31: {  	[sflag:s18] =	ssyncset.done $0x0  }
0x32: {  	[sflag:s18] =	ssyncadd.s32 $0xFFFFC000  }
0x33: {  	[spmem:s8] =	stream.linear.scatter [tilespmem:s29], [sflag:$0x2], $0x4000, $0x38;
	[tilespmem:$0x17D00] =	vst v63  }
0x34: {  	_ =	swait.ge [sflag:s18], $0x4000  }
0x35: {  	[sflag:s18] =	ssyncset.done $0x0  }
0x36: {  	[sflag:s18] =	ssyncadd.s32 $0xFFFFC000  }
0x37: {  	[spmem:s9] =	stream.linear.scatter [tilespmem:s29], [sflag:$0x2], $0x3C00, $0x38;
	[tilespmem:$0x17D00] =	vst v63  }
0x38: {  	_ =	swait.ge [sflag:s18], $0x3C00  }
0x39: {  	[sflag:s18] =	ssyncset.done $0x0  }
0x3a: {  	[sflag:s18] =	ssyncadd.s32 $0xFFFFC400  }
0x3b: {  	s30 =	sadd.s32 $0x0, s17;
	[bflag:$0x0] =	sbarrier.arrive $0xFFFF  }
0x3c: {  	[tilespmem:s19], [sflag:$0x2] =	stream.linear.gather [hbm4b:s30+s4], $0x80, $0x38;
	[tilespmem:$0x17D00] =	vst v63  }
0x3d: {  	_ =	swait.ge [sflag:s18], $0x80  }
0x3e: {  	[sflag:s18] =	ssyncset.done $0x0  }
0x3f: {  	s31 =	sadd.s32 $0x0, s16;
	[sflag:s18] =	ssyncadd.s32 $0xFFFFFF80  }
0x40: {  	[tilespmem:s20], [sflag:$0x2] =	stream.linear.gather [hbm4b:s31+s4], $0x80, $0x38;
	[tilespmem:$0x17D00] =	vst v63  }
0x41: {  	_ =	swait.ge [sflag:s18], $0x80  }
0x42: {  	[sflag:s18] =	ssyncset.done $0x0  }
0x43: {  	[sflag:s18] =	ssyncadd.s32 $0xFFFFFF80  }
0x44: {  	[tilespmem:s4], [sflag:$0x1] =	stream.indirect.gather [hbm4b:s1+s21], $0x80, s19, s21, $0xb8;
	[tilespmem:$0x17D00] =	vst v63  }
0x45: {  	_ =	swait.ge [sflag:s22], $0x4000  }
0x46: {  	[sflag:s22] =	ssyncset.done $0x0  }
0x47: {  	[sflag:s22] =	ssyncadd.s32 $0xFFFFC000  }
0x48: {  	[spmem:s3] =	stream.indirect.scatter.add.f32 [tilespmem:s4], [sflag:$0x2], $0x80, s20, s21, $0xb8;
	[tilespmem:$0x17D00] =	vst v63  }
0x49: {  	_ =	swait.ge [sflag:s18], $0x4000  }
0x4a: {  	s24 =	simm.s32 $0x10;
	s25 =	simm.s32 $0x20;
	[sflag:s18] =	ssyncset.done $0x0  }
.LBB2_4:
0x4b: {  	s26 =	sadd.s32 s24, s17  }
0x4c: {  	[sflag:s18] =	ssyncadd.s32 $0xFFFFC000;
	s28 =	smov.u32 s25;
	s29 =	sadd.s32 $0x10, s25  }
0x4d: {  	[tilespmem:s19], [sflag:$0x2] =	stream.linear.gather [hbm4b:s26+s4], $0x80, $0x38;
	[tilespmem:$0x17D00] =	vst v63  }
0x4e: {  	p0 =	sne.s32 s25, $0x4F0;
	_ =	swait.ge [sflag:s18], $0x80  }
0x4f: {  	[sflag:s18] =	ssyncset.done $0x0  }
0x50: {  	s25 =	sadd.s32 s24, s16;
	s24 =	smov.u32 s28;
	[sflag:s18] =	ssyncadd.s32 $0xFFFFFF80  }
0x51: {  	[tilespmem:s20], [sflag:$0x2] =	stream.linear.gather [hbm4b:s25+s4], $0x80, $0x38;
	[tilespmem:$0x17D00] =	vst v63  }
0x52: {  	_ =	swait.ge [sflag:s18], $0x80  }
0x53: {  	[sflag:s18] =	ssyncset.done $0x0  }
0x54: {  	[sflag:s18] =	ssyncadd.s32 $0xFFFFFF80  }
0x55: {  	[tilespmem:s4], [sflag:$0x1] =	stream.indirect.gather [hbm4b:s1+s21], $0x80, s19, s21, $0xb8;
	[tilespmem:$0x17D00] =	vst v63  }
0x56: {  	_ =	swait.ge [sflag:s22], $0x4000  }
.Ltmp1:
0x57: {  	[sflag:s22] =	ssyncset.done $0x0;
	(pc) =	sbr.rel @p0 .LBB2_4-.Ltmp1, $4  }
0x58: {  	[sflag:s22] =	ssyncadd.s32 $0xFFFFC000  }
0x59: {  	[spmem:s3] =	stream.indirect.scatter.add.f32 [tilespmem:s4], [sflag:$0x2], $0x80, s20, s21, $0xb8;
	[tilespmem:$0x17D00] =	vst v63  }
0x5a: {  	_ =	swait.ge [sflag:s18], $0x4000  }
0x5b: {  	s25 =	smov.u32 s29;
	[sflag:s18] =	ssyncset.done $0x0  }
0x5c: {  	s25 =	sadd.s32 s24, s17;
	[sflag:s18] =	ssyncadd.s32 $0xFFFFC000  }
0x5d: {  	[tilespmem:s19], [sflag:$0x2] =	stream.linear.gather [hbm4b:s25+s4], $0x80, $0x38;
	[tilespmem:$0x17D00] =	vst v63  }
0x5e: {  	_ =	swait.ge [sflag:s18], $0x80  }
0x5f: {  	[sflag:s18] =	ssyncset.done $0x0  }
0x60: {  	s31 =	sadd.s32 s24, s16;
	[sflag:s18] =	ssyncadd.s32 $0xFFFFFF80  }
0x61: {  	[tilespmem:s20], [sflag:$0x2] =	stream.linear.gather [hbm4b:s31+s4], $0x80, $0x38;
	[tilespmem:$0x17D00] =	vst v63  }
0x62: {  	_ =	swait.ge [sflag:s18], $0x80  }
0x63: {  	[sflag:s18] =	ssyncset.done $0x0  }
0x64: {  	[sflag:s18] =	ssyncadd.s32 $0xFFFFFF80  }
0x65: {  	[tilespmem:s4], [sflag:$0x1] =	stream.indirect.gather [hbm4b:s1+s21], $0x80, s19, s21, $0xb8;
	[tilespmem:$0x17D00] =	vst v63  }
0x66: {  	_ =	swait.ge [sflag:s22], $0x4000  }
0x67: {  	[sflag:s22] =	ssyncset.done $0x0  }
0x68: {  	[sflag:s22] =	ssyncadd.s32 $0xFFFFC000  }
0x69: {  	[spmem:s3] =	stream.indirect.scatter.add.f32 [tilespmem:s4], [sflag:$0x2], $0x80, s20, s21, $0xb8;
	[tilespmem:$0x17D00] =	vst v63  }
0x6a: {  	_ =	swait.ge [sflag:s18], $0x4000  }
0x6b: {  	[sflag:s18] =	ssyncset.done $0x0  }
0x6c: {  	[sflag:s18] =	ssyncadd.s32 $0xFFFFC000  }
0x6d: {  	[bflag:$0x0] =	sbarrier.arrive $0xFFFF  }
0x6e: {  	[tilespmem:s4], [sflag:$0x2] =	stream.linear.gather [spmem:s5], $0x4000, $0x38;
	[tilespmem:$0x17D00] =	vst v63  }
0x6f: {  	_ =	swait.ge [sflag:s18], $0x4000  }
0x70: {  	[sflag:s18] =	ssyncset.done $0x0  }
0x71: {  	[sflag:s18] =	ssyncadd.s32 $0xFFFFC000  }
0x72: {  	[hbm4b:s10+s4] =	stream.linear.scatter [tilespmem:s4], [sflag:$0x2], $0x4000, $0x38;
	[tilespmem:$0x17D00] =	vst v63  }
0x73: {  	_ =	swait.ge [sflag:s18], $0x4000  }
0x74: {  	[sflag:s18] =	ssyncset.done $0x0  }
0x75: {  	[sflag:s18] =	ssyncadd.s32 $0xFFFFC000  }
0x76: {  	[tilespmem:s4], [sflag:$0x2] =	stream.linear.gather [spmem:s6], $0x4000, $0x38;
	[tilespmem:$0x17D00] =	vst v63  }
0x77: {  	_ =	swait.ge [sflag:s18], $0x4000  }
0x78: {  	[sflag:s18] =	ssyncset.done $0x0  }
0x79: {  	[sflag:s18] =	ssyncadd.s32 $0xFFFFC000  }
0x7a: {  	[hbm4b:s11+s4] =	stream.linear.scatter [tilespmem:s4], [sflag:$0x2], $0x4000, $0x38;
	[tilespmem:$0x17D00] =	vst v63  }
0x7b: {  	_ =	swait.ge [sflag:s18], $0x4000  }
0x7c: {  	[sflag:s18] =	ssyncset.done $0x0  }
0x7d: {  	[sflag:s18] =	ssyncadd.s32 $0xFFFFC000  }
0x7e: {  	[tilespmem:s4], [sflag:$0x2] =	stream.linear.gather [spmem:s7], $0x4000, $0x38;
	[tilespmem:$0x17D00] =	vst v63  }
0x7f: {  	_ =	swait.ge [sflag:s18], $0x4000  }
0x80: {  	[sflag:s18] =	ssyncset.done $0x0  }
0x81: {  	[sflag:s18] =	ssyncadd.s32 $0xFFFFC000  }
0x82: {  	[hbm4b:s12+s4] =	stream.linear.scatter [tilespmem:s4], [sflag:$0x2], $0x4000, $0x38;
	[tilespmem:$0x17D00] =	vst v63  }
0x83: {  	_ =	swait.ge [sflag:s18], $0x4000  }
0x84: {  	[sflag:s18] =	ssyncset.done $0x0  }
0x85: {  	[sflag:s18] =	ssyncadd.s32 $0xFFFFC000  }
0x86: {  	[tilespmem:s4], [sflag:$0x2] =	stream.linear.gather [spmem:s8], $0x4000, $0x38;
	[tilespmem:$0x17D00] =	vst v63  }
0x87: {  	_ =	swait.ge [sflag:s18], $0x4000  }
0x88: {  	[sflag:s18] =	ssyncset.done $0x0  }
0x89: {  	[sflag:s18] =	ssyncadd.s32 $0xFFFFC000  }
0x8a: {  	[hbm4b:s13+s4] =	stream.linear.scatter [tilespmem:s4], [sflag:$0x2], $0x4000, $0x38;
	[tilespmem:$0x17D00] =	vst v63  }
0x8b: {  	_ =	swait.ge [sflag:s18], $0x4000  }
0x8c: {  	[sflag:s18] =	ssyncset.done $0x0  }
0x8d: {  	[sflag:s18] =	ssyncadd.s32 $0xFFFFC000  }
0x8e: {  	[tilespmem:s4], [sflag:$0x2] =	stream.linear.gather [spmem:s9], $0x3C00, $0x38;
	[tilespmem:$0x17D00] =	vst v63  }
0x8f: {  	s23 =	sadd.s32 $0x1, s23;
	_ =	swait.ge [sflag:s18], $0x3C00  }
0x90: {  	p0 =	sne.s32 s23, s15;
	[sflag:s18] =	ssyncset.done $0x0  }
.Ltmp2:
0x91: {  	[sflag:s18] =	ssyncadd.s32 $0xFFFFC400;
	(pc) =	sbr.rel @p0 .LBB2_1-.Ltmp2, $4  }
0x92: {  	[hbm4b:s14+s4] =	stream.linear.scatter [tilespmem:s4], [sflag:$0x2], $0x3C00, $0x38;
	[tilespmem:$0x17D00] =	vst v63  }
0x93: {  	_ =	swait.ge [sflag:s18], $0x3C00  }
0x94: {  	[sflag:s18] =	ssyncset.done $0x0  }
0x95: {  	[sflag:s18] =	ssyncadd.s32 $0xFFFFC400  }
0x96: {  	_ =	sfence.sel $0x180000  }
0x97: {  	[bflag:$0x0] =	sbarrier.arrive $0xFFFF  }
0x98: {  	p0 =	sne.s32 s2, $0x0;
	_ =	strace $0x9000004D  }
0x99: {  	s0 =	sadd.s32 @!p0 $0x100000, s0;
	[bflag:$0x2] =	sbarrier.arrive $0xFFFF  }
0x9a: {  	[sflag:s0] =	ssyncadd.tile.s32 @!p0 $0x1;
	_ =	shalt  }
.Lfunc_end2:
_tile_overlayer_lowered:
.L_overlay_start_2:
0x9b: {  	(tag) =	ssettag $0x2  }
0x9c: {  	s0 =	rddreg [dreg:$0x0];
	s2 =	stileid.u32  }
0x9d: {  	s1 =	rddreg [dreg:$0x1];
	p0 =	sne.s32 s2, $0x0  }
0x9e: {  	s3 =	rddreg [dreg:$0x2];
	[bflag:$0x3] =	sbarrier.arrive $0xFFFF;
	s2 =	simm.s32 @!p0 $0x1C02  }
0x9f: {  	[timem:s3], [sflag:s2] =	dma.local @!p0 [hbm:s0], s1  }
0xa0: {  	s0 =	simm.s32 @!p0 $0x2  }
0xa1: {  	_ =	swait.ge @!p0 [sflag:s0], s1  }
0xa2: {  	s1 =	ssub.s32 @!p0 $0x0, s1;
	[sflag:s0] =	ssyncset.done @!p0 $0x0  }
0xa3: {  	[sflag:s0] =	ssyncadd.s32 @!p0 s1  }
0xa4: {  	[bflag:$0x3] =	sbarrier.arrive $0xFFFF  }
0xa5: {  	_ =	shalt  }

// kernel: kernel.8.cloned.1.call-start
scs
__scs_entry_jumppad:
0x0: {  	(pc) =	sbr.rel $0x88, $3  }
0x1: {  	(tag) =	ssettag $0x0;
	lr =	simm.s32 $0x1  }
0x2: {  	[smem:$0x3F9B] =	sst lr;
	_ =	strace $0xD0000000  }
0x3: {  	_ = 	snop  }
0x4: {  	_ = 	snop  }
0x5: {  	_ = 	snop  }
0x6: {  	_ = 	snop  }
0x7: {  	_ = 	snop  }
__scs_overlays_trampoline_lowered:
0x8: {  	[smem:$0x3FAA] =	sst s0  }
0x9: {  	[smem:$0x3FAB] =	sst s1  }
0xa: {  	[smem:$0x3FAC] =	sst s2  }
0xb: {  	[smem:$0x3FAD] =	sst s3  }
0xc: {  	[smem:$0x3FAE] =	sst s4  }
0xd: {  	[smem:$0x3FAF] =	sst s5  }
0xe: {  	[smem:$0x3FB0] =	sst s6  }
0xf: {  	[smem:$0x3FB1] =	sst s7  }
0x10: {  	[smem:$0x3FB2] =	sst s8  }
0x11: {  	[smem:$0x3FB3] =	sst s9;
	s0 =	simm.s32 @!p0 $0x0  }
0x12: {  	s1 =	sld [smem:$0x3F99];
	s0 =	simm.s32 @p0 $0x1  }
0x13: {  	[smem:$0x3FB4] =	sst s0;
	s0 =	simm.s32 @!p1 $0x0  }
0x14: {  	s2 =	sld [smem:$0x3F98];
	s0 =	simm.s32 @p1 $0x1  }
0x15: {  	[smem:$0x3FB5] =	sst s0;
	s0 =	simm.s32 @!p2 $0x0  }
0x16: {  	s3 =	sld [smem:$0x3FDB];
	s0 =	simm.s32 @p2 $0x1  }
0x17: {  	s4 =	simm.s32 $0x1BF5;
	[smem:$0x3FB7] =	sst s0  }
0x18: {  	s0 =	sld [smem:$0x3F9A];
	_ =	swait.ge [sflag:s4], $0x0  }
0x19: {  	s7 =	sld [smem:$0x3F9B]  }
0x1a: {  	s8 =	sadd.s32 $0xFFFFE003, lr  }
0x1b: {  	s9 =	sadd.s32 $0xFFFFFEF7, lr;
	s5 =	simm.s32 $0xFFFFFFFF;
	p2 =	slt.u32 s8, $0xFFFFF086  }
0x1c: {  	p1 =	slt.u32 s9, $0xF7A;
	s5 =	simm.s32 @!p2 $0x0  }
0x1d: {  	s5 =	simm.s32 @p1 $0x1;
	p0 =	seq.s32 s7, s2  }
0x1e: {  	s7 =	smul.u32 @!p0 $0xF7A, s2;
	p2 =	seq.s32 @!p0 s5, $0x0  }
0x1f: {  	s9 =	smul.u32 $0xF7A, s1;
	s8 =	simm.s32 @!p0 $0x1BF5;
	p2 =	por !p2, p0  }
0x20: {  	[sflag:s8] =	ssyncset.s32 @!p0 $0xFFFFF086;
	s6 =	sadd.s32 @!p0 s3, s7;
	s7 =	simm.s32 @!p0 $0x108  }
0x21: {  	s3 =	sadd.s32 s3, s9;
	s6 =	sadd.s32 @!p0 $0x88, s6;
	s7 =	simm.s32 @p2 $0x1082  }
0x22: {  	[simem:s7], [sflag:s8] =	dma.local @!p0 [hbm:s6], $0xF7A  }
0x23: {  	s9 =	sor.u32 $0xD0000000, s2;
	s6 =	simm.s32 $0x108;
	_ =	swait.ge @!p0 [sflag:s8], $0x0  }
0x24: {  	s3 =	sadd.s32 $0x88, s3;
	s6 =	simm.s32 @!p1 $0x1082;
	[sflag:s4] =	ssyncset.s32 $0xFFFFF086  }
0x25: {  	[simem:s6], [sflag:s4] =	dma.local [hbm:s3], $0xF7A  }
0x26: {  	[smem:$0x3F9B] =	sst s1;
	(tag) =	ssettag s2;
	_ =	strace s9  }
0x27: {  	s1 =	sld [smem:$0x3FAB]  }
0x28: {  	s2 =	sld [smem:$0x3FAC]  }
0x29: {  	s4 =	sld [smem:$0x3FAE]  }
0x2a: {  	p0 =	seq.s32 s5, $0x0;
	s5 =	sld [smem:$0x3FAF]  }
0x2b: {  	s6 =	sld [smem:$0x3FB0]  }
0x2c: {  	s7 =	sld [smem:$0x3FB1]  }
0x2d: {  	s3 =	simm.s32 $0x108;
	s8 =	sld [smem:$0x3FB2]  }
0x2e: {  	s3 =	simm.s32 @!p0 $0x1082;
	s9 =	sld [smem:$0x3FB3]  }
0x2f: {  	lr =	sadd.s32 s0, s3;
	s0 =	sld [smem:$0x3FAA]  }
0x30: {  	s3 =	sld [smem:$0x3FAD]  }
0x31: {  	[smem:$0x3FB6] =	sst s10  }
0x32: {  	s10 =	sld [smem:$0x3FB4];
	_ =	sdelay $0x3  }
0x33: {  	p0 =	seq.s32 s10, $0x1;
	s10 =	sld [smem:$0x3FB6];
	_ =	sdelay $0x3  }
0x34: {  	[smem:$0x3FB6] =	sst s10  }
0x35: {  	s10 =	sld [smem:$0x3FB5];
	_ =	sdelay $0x3  }
0x36: {  	p1 =	seq.s32 s10, $0x1;
	s10 =	sld [smem:$0x3FB6];
	_ =	sdelay $0x3  }
0x37: {  	[smem:$0x3FB6] =	sst s10  }
0x38: {  	s10 =	sld [smem:$0x3FB7]  }
0x39: {  	_ = 	snop;
	(pc) =	sbr.ind lr, $3  }
0x3a: {  	_ = 	snop  }
0x3b: {  	_ = 	snop  }
0x3c: {  	p2 =	seq.s32 s10, $0x1;
	s10 =	sld [smem:$0x3FB6]  }
0x3d: {  	_ =	shalt  }
0x3e: {  	_ =	shalt  }
0x3f: {  	_ =	shalt  }
0x40: {  	_ =	shalt  }
0x41: {  	_ =	shalt  }
0x42: {  	_ =	shalt  }
0x43: {  	_ =	shalt  }
0x44: {  	_ =	shalt  }
0x45: {  	_ =	shalt  }
0x46: {  	_ =	shalt  }
0x47: {  	_ =	shalt  }
0x48: {  	_ =	shalt  }
0x49: {  	_ =	shalt  }
0x4a: {  	_ =	shalt  }
0x4b: {  	_ =	shalt  }
0x4c: {  	_ =	shalt  }
0x4d: {  	_ =	shalt  }
0x4e: {  	_ =	shalt  }
0x4f: {  	_ =	shalt  }
0x50: {  	_ =	shalt  }
0x51: {  	_ =	shalt  }
0x52: {  	_ =	shalt  }
0x53: {  	_ =	shalt  }
0x54: {  	_ =	shalt  }
0x55: {  	_ =	shalt  }
0x56: {  	_ =	shalt  }
0x57: {  	_ =	shalt  }
0x58: {  	_ =	shalt  }
0x59: {  	_ =	shalt  }
0x5a: {  	_ =	shalt  }
0x5b: {  	_ =	shalt  }
0x5c: {  	_ =	shalt  }
0x5d: {  	_ =	shalt  }
0x5e: {  	_ =	shalt  }
0x5f: {  	_ =	shalt  }
0x60: {  	_ =	shalt  }
0x61: {  	_ =	shalt  }
0x62: {  	_ =	shalt  }
0x63: {  	_ =	shalt  }
0x64: {  	_ =	shalt  }
0x65: {  	_ =	shalt  }
0x66: {  	_ =	shalt  }
0x67: {  	_ =	shalt  }
0x68: {  	_ =	shalt  }
0x69: {  	_ =	shalt  }
0x6a: {  	_ =	shalt  }
0x6b: {  	_ =	shalt  }
0x6c: {  	_ =	shalt  }
0x6d: {  	_ =	shalt  }
0x6e: {  	_ =	shalt  }
0x6f: {  	_ =	shalt  }
0x70: {  	_ =	shalt  }
0x71: {  	_ =	shalt  }
0x72: {  	_ =	shalt  }
0x73: {  	_ =	shalt  }
0x74: {  	_ =	shalt  }
0x75: {  	_ =	shalt  }
0x76: {  	_ =	shalt  }
0x77: {  	_ =	shalt  }
0x78: {  	_ =	shalt  }
0x79: {  	_ =	shalt  }
0x7a: {  	_ =	shalt  }
0x7b: {  	_ =	shalt  }
0x7c: {  	_ =	shalt  }
0x7d: {  	_ =	shalt  }
0x7e: {  	_ =	shalt  }
0x7f: {  	_ =	shalt  }
0x80: {  	_ =	shalt  }
0x81: {  	_ =	shalt  }
0x82: {  	_ =	shalt  }
0x83: {  	_ =	shalt  }
0x84: {  	_ =	shalt  }
0x85: {  	_ =	shalt  }
0x86: {  	_ =	shalt  }
0x87: {  	_ =	shalt  }
.Lfunc_end0:
.L_simem_size_0:
called_computation_lowered:
.L_overlay_start_0:
0x88: {  	s2 =	sld [smem:$0x3FD9]  }
0x89: {  	s3 =	sld [smem:$0x3FFE];
	_ =	sdelay $0x1  }
0x8a: {  	s1 =	srdreg.scid  }
0x8b: {  	s0 =	sand.u32 $0x1, s1  }
0x8c: {  	s16 =	sshll.u32 s0, $0xA;
	s2 =	sadd.s32 s3, s2  }
0x8d: {  	s2 =	sadd.s32 s2, s16  }
0x8e: {  	[smem:$0x3FC2] =	sst s2  }
0x8f: {  	_ = 	snop  }
0x90: {  	(tm) =	ssettm $0x1  }
0x91: {  	s17 =	sld [smem:$0x3FFB];
	_ =	sdelay $0x3  }
0x92: {  	_ =	strace s17  }
0x93: {  	s2 =	sld [smem:$0x3FFC];
	_ =	sdelay $0x3  }
0x94: {  	_ =	strace s2  }
0x95: {  	s2 =	sld [smem:$0x3FFD];
	_ =	sdelay $0x3  }
0x96: {  	_ =	strace s2  }
0x97: {  	_ =	strace $0x8FFFFFFF  }
0x98: {  	s18 =	sld [smem:$0x3FDB];
	_ =	sdelay $0x1  }
0x99: {  	s19 =	simm.s32 $_scs_section_size  }
0x9a: {  	s4 =	simm.s32 $_size__tile_overlayer_lowered;
	s5 =	simm.s32 $_tile_overlayer_lowered  }
0x9b: {  	s22 =	simm.s32 $0x1BFF;
	s21 =	sshll.u32 s5, $0x1;
	s2 =	sadd.s32 s19, s18  }
0x9c: {  	s6 =	simm.s32 $0x0;
	s20 =	sshll.u32 s4, $0x1;
	s4 =	sadd.s32 s21, s2  }
0x9d: {  	[timem:s6], [sflag:s22] =	dma.local [hbm:s4], s20  }
0x9e: {  	_ =	swait.ge [sflag:s22], s20  }
0x9f: {  	s3 =	ssub.s32 $0x0, s20;
	[sflag:s22] =	ssyncset.done $0x0  }
0xa0: {  	[sflag:s22] =	ssyncadd.s32 s3;
	_ =	sdelay $0x1  }
0xa1: {  	s23 =	simm.s32 $0x1B8B  }
0xa2: {  	_ =	swait.ge [sflag:s23], $0x1  }
0xa3: {  	[sflag:s23] =	ssyncset.done $0x0  }
0xa4: {  	s25 =	simm.s32 $0x1B8E;
	s24 =	sld [smem:$0x3FFE];
	[sflag:s23] =	ssyncadd.s32 $0xFFFFFFFF  }
0xa5: {  	s26 =	simm.s32 $execute0_lowered;
	[smem:$0x3FD2] =	sst s25  }
0xa6: {  	s4 =	sshll.u32 s26, $0x1;
	_ =	strace $0x80000046;
	[dreg:$0x1] =	wrdreg $0xFFFFFFFF  }
0xa7: {  	s28 =	simm.s32 $_size_execute0_lowered;
	s2 =	sadd.s32 s2, s4;
	[dreg:$0x0] =	wrdreg $0x0  }
0xa8: {  	s4 =	sshll.u32 s28, $0x1;
	[dreg:$0x2] =	wrdreg s2  }
0xa9: {  	[dreg:$0x3] =	wrdreg s4  }
0xaa: {  	[dreg:$0x4] =	wrdreg $0xC0  }
0xab: {  	_ =	task [dreg:s6], $0x5FFFF  }
0xac: {  	[dreg:$0x1] =	wrdreg $0xFFFFFFFF  }
0xad: {  	[dreg:$0x0] =	wrdreg $0x60  }
0xae: {  	[dreg:$0x2] =	wrdreg s24  }
0xaf: {  	[dreg:$0x3] =	wrdreg $0x41000  }
0xb0: {  	[dreg:$0x4] =	wrdreg $0x9  }
0xb1: {  	_ =	task.clear_ibuf [dreg:s6], $0x5FFFF;
	_ =	strace $0x90000046  }
0xb2: {  	s29 =	simm.s32 $0x9;
	_ =	strace $0x80000048  }
0xb3: {  	_ =	swait.ge [sflag:s29], $0x1  }
0xb4: {  	[sflag:s29] =	ssyncadd.s32 $0xFFFFFFFF  }
0xb5: {  	_ =	strace $0x90000048  }
0xb6: {  	_ =	sfence  }
0xb7: {  	s30 =	sld [smem:$0x0];
	_ =	sdelay $0x2  }
0xb8: {  	s31 =	sshll.u32 s1, $0xD;
	s1 =	sshrl.u32 s1, $0x2  }
0xb9: {  	s3 =	sand.u32 $0x4000, s31;
	s1 =	sadd.s32 s1, s30  }
0xba: {  	s0 =	sor.u32 s3, s0;
	s1 =	sshll.u32 s1, $0x11  }
0xbb: {  	s0 =	sor.u32 s1, s0  }
0xbc: {  	s0 =	sadd.s32 $0x8F2B, s0  }
0xbd: {  	[sflag:s0] =	ssyncadd.remote.s32 $0x1  }
0xbe: {  	_ =	sfence.sel $0xFFFF  }
0xbf: {  	[dreg:$0x0] =	wrdreg $0xFFFFFFFF;
	(pc) =	sbr.abs _section_cstart, $3  }
0xc0: {  	[dreg:$0x1] =	wrdreg $0xFFFFFFFF  }
0xc1: {  	_ =	task.clear_ibuf [dreg:s6], $0x2FFFF;
	_ =	strace $0x9FFFFFFF  }
0xc2: {  	(tm) =	ssettm $0x7FFFFFFF  }
0xc3: {  	_ =	shalt  }
tec
execute0_lowered:
.L_overlay_start_1:
0x0: {  	(tag) =	ssettag $0x1  }
0x1: {  	s4 =	rddreg [dreg:$0x0]  }
0x2: {  	s1 =	rddreg [dreg:$0x1]  }
0x3: {  	s0 =	rddreg [dreg:$0x2]  }
0x4: {  	s3 =	simm.s32 $0x0;
	s5 =	srdreg.scid;
	s2 =	stileid.u32  }
0x5: {  	s23 =	simm.s32 $0x2;
	s24 =	simm.s32 $0x3;
	s25 =	simm.s32 $0x4  }
0x6: {  	[smem:$0x7FF] =	sst s3;
	s12 =	sand.u32 $0x1, s5;
	s6 =	smul.u32 $0x4F000, s2  }
0x7: {  	s18 =	sadd.s32 $0x2600, s4;
	s15 =	sadd.s32 $0xC600, s4;
	s8 =	smul.u32 $0x13C00, s2  }
0x8: {  	s7 =	sshll.u32 s2, $0x1;
	s21 =	smul.u32 $0x5000, s2;
	_ =	strace $0x80000047  }
0x9: {  	s5 =	ssub.s32 $0x2, s12;
	s7 =	sor.u32 s12, s7;
	s17 =	smul.u32 $0x13C000, s12  }
0xa: {  	s22 =	smul.u32 $0x2800, s12;
	s26 =	sshrl.u32 s5, $0x1;
	s6 =	sshrl.u32 s6, $0x2  }
0xb: {  	s9 =	smul.u32 $0x2800, s7;
	s13 =	sadd.s32 $0x4000, s8;
	s14 =	sadd.s32 $0x8000, s8  }
0xc: {  	s19 =	sadd.s32 $0xC000, s8;
	s20 =	sadd.s32 $0x10000, s8;
	s16 =	ssub.s32 s5, s26  }
0xd: {  	s4 =	sadd.s32 s6, s1;
	s5 =	sadd.s32 s13, s1;
	s6 =	sadd.s32 s14, s1  }
0xe: {  	s7 =	sadd.s32 s19, s1;
	s10 =	sadd.s32 s8, s17;
	s13 =	sadd.s32 s17, s13  }
0xf: {  	s14 =	sadd.s32 s17, s14;
	s28 =	sadd.s32 s17, s19;
	s17 =	sadd.s32 s17, s20  }
0x10: {  	s29 =	sadd.s32 s22, s21;
	s21 =	simm.s32 $0x80;
	s22 =	simm.s32 $0x1  }
0x11: {  	s26 =	simm.s32 $0x0;
	s9 =	sshrl.u32 s9, $0x3;
	s11 =	sshrl.u32 s10, $0x3  }
0x12: {  	s13 =	sshrl.u32 s13, $0x3;
	s14 =	sshrl.u32 s14, $0x3;
	s17 =	sshrl.u32 s17, $0x3  }
0x13: {  	s30 =	sor.u32 $0x180, s29;
	s19 =	sor.u32 $0x100, s29;
	s16 =	smax.u32 s16, $0x1  }
0x14: {  	s8 =	sadd.s32 s18, s9;
	s9 =	sadd.s32 s20, s1;
	s11 =	sadd.s32 s15, s11  }
0x15: {  	s12 =	sadd.s32 s15, s13;
	s13 =	sadd.s32 s15, s14;
	s14 =	sshrl.u32 s28, $0x3  }
0x16: {  	s31 =	sshrl.u32 s30, $0x3;
	s19 =	sshrl.u32 s19, $0x3;
	s20 =	simm.s32 $0x5  }
0x17: {  	s10 =	sadd.s32 $0x10, s8;
	s14 =	sadd.s32 s15, s14;
	s15 =	sadd.s32 s15, s17  }
0x18: {  	v0 =	vimm.f32 $0.0e+00;
	v1 =	vimm.f32 $1.000000000e+00;
	s17 =	sadd.s32 s31, s18;
	s18 =	sadd.s32 s19, s18;
	s19 =	simm.s32 $0x100  }
.LBB2_1:
0x19: {  	s28 =	simm.s32 $0x200;
	s29 =	simm.s32 $0x0  }
.LBB2_2:
0x1a: {  	p0 =	sne.s32 s28, $0xFE00;
	[tilespmem:s29+$0x100] =	vst v0;
	s29 =	smov.u32 s28;
	s28 =	sadd.s32 $0x200, s28  }
.Ltmp0:
0x1b: {  	(pc) =	sbr.rel @p0 .LBB2_2-.Ltmp0, $2  }
0x1c: {  	_ =	sdelay $0x2  }
0x1d: {  	s29 =	sshra.s32 s29, $0x2  }
0x1e: {  	[tilespmem:s29+$0x100] =	vst v0  }
0x1f: {  	[spmem:s4] =	stream.linear.scatter [tilespmem:s19], [sflag:$0x5], $0x4000, $0x38;
	[tilespmem:$0x6880] =	vst v63  }
0x20: {  	_ =	swait.ge [sflag:s20], $0x4000  }
0x21: {  	[sflag:s20] =	ssyncset.done $0x0  }
0x22: {  	[sflag:s20] =	ssyncadd.s32 $0xFFFFC000  }
0x23: {  	[spmem:s5] =	stream.linear.scatter [tilespmem:s19], [sflag:$0x5], $0x4000, $0x38;
	[tilespmem:$0x6880] =	vst v63  }
0x24: {  	_ =	swait.ge [sflag:s20], $0x4000  }
0x25: {  	[sflag:s20] =	ssyncset.done $0x0  }
0x26: {  	[sflag:s20] =	ssyncadd.s32 $0xFFFFC000  }
0x27: {  	[spmem:s6] =	stream.linear.scatter [tilespmem:s19], [sflag:$0x5], $0x4000, $0x38;
	[tilespmem:$0x6880] =	vst v63  }
0x28: {  	_ =	swait.ge [sflag:s20], $0x4000  }
0x29: {  	[sflag:s20] =	ssyncset.done $0x0  }
0x2a: {  	[sflag:s20] =	ssyncadd.s32 $0xFFFFC000  }
0x2b: {  	[spmem:s7] =	stream.linear.scatter [tilespmem:s19], [sflag:$0x5], $0x4000, $0x38;
	[tilespmem:$0x6880] =	vst v63  }
0x2c: {  	_ =	swait.ge [sflag:s20], $0x4000  }
0x2d: {  	[sflag:s20] =	ssyncset.done $0x0  }
0x2e: {  	[sflag:s20] =	ssyncadd.s32 $0xFFFFC000  }
0x2f: {  	[spmem:s9] =	stream.linear.scatter [tilespmem:s19], [sflag:$0x5], $0x3C00, $0x38;
	[tilespmem:$0x6880] =	vst v63  }
0x30: {  	_ =	swait.ge [sflag:s20], $0x3C00  }
0x31: {  	[sflag:s20] =	ssyncset.done $0x0  }
0x32: {  	s28 =	simm.s32 $0x200;
	s29 =	simm.s32 $0x0;
	[sflag:s20] =	ssyncadd.s32 $0xFFFFC400  }
.LBB2_4:
0x33: {  	p0 =	sne.s32 s28, $0xFE00;
	[tilespmem:s29+$0x100] =	vst v1;
	s29 =	smov.u32 s28;
	s28 =	sadd.s32 $0x200, s28  }
.Ltmp1:
0x34: {  	(pc) =	sbr.rel @p0 .LBB2_4-.Ltmp1, $2  }
0x35: {  	_ =	sdelay $0x2  }
0x36: {  	s29 =	sshra.s32 s29, $0x2  }
0x37: {  	[tilespmem:s29+$0x100] =	vst v1  }
0x38: {  	s28 =	simm.s32 $0x0;
	[bflag:$0x0] =	sbarrier.arrive $0xFFFF  }
0x39: {  	[tilespmem:s28], [sflag:$0x1] =	stream.linear.gather [hbm4b:s8+s28], $0x80, $0x38;
	[tilespmem:$0x6880] =	vst v63  }
0x3a: {  	_ = 	snop  }
0x3b: {  	[tilespmem:s21], [sflag:$0x2] =	stream.linear.gather [hbm4b:s10+s28], $0x80, $0x38;
	[tilespmem:$0x6880] =	vst v63  }
0x3c: {  	_ =	swait.ge [sflag:s22], $0x80  }
0x3d: {  	[sflag:s22] =	ssyncset.done $0x0  }
0x3e: {  	[sflag:s22] =	ssyncadd.s32 $0xFFFFFF80  }
0x3f: {  	[spmem:s1] =	stream.indirect.scatter.add.f32 [tilespmem:s19], [sflag:$0x3], $0x10, s3, s21, $0xb8;
	[tilespmem:$0x6880] =	vst v63  }
0x40: {  	_ =	swait.ge [sflag:s23], $0x80  }
0x41: {  	[sflag:s23] =	ssyncset.done $0x0  }
0x42: {  	[sflag:s23] =	ssyncadd.s32 $0xFFFFFF80  }
0x43: {  	[spmem:s1] =	stream.indirect.scatter.add.f32 [tilespmem:s19], [sflag:$0x4], $0x10, s21, s21, $0xb8;
	[tilespmem:$0x6880] =	vst v63  }
0x44: {  	_ =	swait.ge [sflag:s24], $0x800  }
0x45: {  	[sflag:s24] =	ssyncset.done $0x0  }
0x46: {  	[sflag:s24] =	ssyncadd.s32 $0xFFFFF800  }
0x47: {  	_ =	swait.ge [sflag:s25], $0x800  }
0x48: {  	[sflag:s25] =	ssyncset.done $0x0  }
0x49: {  	s28 =	sadd.s32 $0x0, s18;
	[sflag:s25] =	ssyncadd.s32 $0xFFFFF800  }
0x4a: {  	[tilespmem:s3], [sflag:$0x1] =	stream.linear.gather [hbm4b:s28+s3], $0x80, $0x38;
	[tilespmem:$0x6880] =	vst v63  }
0x4b: {  	s29 =	sadd.s32 $0x0, s17;
	s28 =	simm.s32 $0x20  }
.LBB2_6:
0x4c: {  	[tilespmem:s21], [sflag:$0x2] =	stream.linear.gather [hbm4b:s29+s3], $0x80, $0x38;
	[tilespmem:$0x6880] =	vst v63  }
0x4d: {  	s29 =	smov.u32 s28  }
0x4e: {  	p0 =	sne.s32 s28, $0x4C0;
	s28 =	sadd.s32 $0x20, s28;
	_ =	swait.ge [sflag:s22], $0x80  }
0x4f: {  	[sflag:s22] =	ssyncset.done $0x0  }
0x50: {  	[sflag:s22] =	ssyncadd.s32 $0xFFFFFF80  }
0x51: {  	[spmem:s1] =	stream.indirect.scatter.add.f32 [tilespmem:s19], [sflag:$0x3], $0x10, s3, s21, $0xb8;
	[tilespmem:$0x6880] =	vst v63  }
0x52: {  	_ =	swait.ge [sflag:s23], $0x80  }
0x53: {  	[sflag:s23] =	ssyncset.done $0x0  }
0x54: {  	[sflag:s23] =	ssyncadd.s32 $0xFFFFFF80  }
0x55: {  	[spmem:s1] =	stream.indirect.scatter.add.f32 [tilespmem:s19], [sflag:$0x4], $0x10, s21, s21, $0xb8;
	[tilespmem:$0x6880] =	vst v63  }
0x56: {  	_ =	swait.ge [sflag:s24], $0x800  }
0x57: {  	[sflag:s24] =	ssyncset.done $0x0  }
0x58: {  	[sflag:s24] =	ssyncadd.s32 $0xFFFFF800  }
.Ltmp2:
0x59: {  	_ =	swait.ge [sflag:s25], $0x800;
	(pc) =	sbr.rel @p0 .LBB2_6-.Ltmp2, $4  }
0x5a: {  	[sflag:s25] =	ssyncset.done $0x0  }
0x5b: {  	s30 =	sadd.s32 s29, s18;
	[sflag:s25] =	ssyncadd.s32 $0xFFFFF800  }
0x5c: {  	[tilespmem:s3], [sflag:$0x1] =	stream.linear.gather [hbm4b:s30+s3], $0x80, $0x38;
	[tilespmem:$0x6880] =	vst v63  }
0x5d: {  	s29 =	sadd.s32 s29, s17  }
0x5e: {  	[tilespmem:s21], [sflag:$0x2] =	stream.linear.gather [hbm4b:s29+s3], $0x80, $0x38;
	[tilespmem:$0x6880] =	vst v63  }
0x5f: {  	_ =	swait.ge [sflag:s22], $0x80  }
0x60: {  	[sflag:s22] =	ssyncset.done $0x0  }
0x61: {  	[sflag:s22] =	ssyncadd.s32 $0xFFFFFF80  }
0x62: {  	[spmem:s1] =	stream.indirect.scatter.add.f32 [tilespmem:s19], [sflag:$0x3], $0x10, s3, s21, $0xb8;
	[tilespmem:$0x6880] =	vst v63  }
0x63: {  	_ =	swait.ge [sflag:s23], $0x80  }
0x64: {  	[sflag:s23] =	ssyncset.done $0x0  }
0x65: {  	[sflag:s23] =	ssyncadd.s32 $0xFFFFFF80  }
0x66: {  	[spmem:s1] =	stream.indirect.scatter.add.f32 [tilespmem:s19], [sflag:$0x4], $0x10, s21, s21, $0xb8;
	[tilespmem:$0x6880] =	vst v63  }
0x67: {  	_ =	swait.ge [sflag:s24], $0x800  }
0x68: {  	[sflag:s24] =	ssyncset.done $0x0  }
0x69: {  	[sflag:s24] =	ssyncadd.s32 $0xFFFFF800  }
0x6a: {  	_ =	swait.ge [sflag:s25], $0x800  }
0x6b: {  	[sflag:s25] =	ssyncset.done $0x0  }
0x6c: {  	[sflag:s25] =	ssyncadd.s32 $0xFFFFF800  }
0x6d: {  	[bflag:$0x0] =	sbarrier.arrive $0xFFFF  }
0x6e: {  	[tilespmem:s19], [sflag:$0x5] =	stream.linear.gather [spmem:s4], $0x4000, $0x38;
	[tilespmem:$0x6880] =	vst v63  }
0x6f: {  	_ =	swait.ge [sflag:s20], $0x4000  }
0x70: {  	[sflag:s20] =	ssyncset.done $0x0  }
0x71: {  	[sflag:s20] =	ssyncadd.s32 $0xFFFFC000  }
0x72: {  	[hbm4b:s11+s3] =	stream.linear.scatter [tilespmem:s19], [sflag:$0x5], $0x4000, $0x38;
	[tilespmem:$0x6880] =	vst v63  }
0x73: {  	_ =	swait.ge [sflag:s20], $0x4000  }
0x74: {  	[sflag:s20] =	ssyncset.done $0x0  }
0x75: {  	[sflag:s20] =	ssyncadd.s32 $0xFFFFC000  }
0x76: {  	[tilespmem:s19], [sflag:$0x5] =	stream.linear.gather [spmem:s5], $0x4000, $0x38;
	[tilespmem:$0x6880] =	vst v63  }
0x77: {  	_ =	swait.ge [sflag:s20], $0x4000  }
0x78: {  	[sflag:s20] =	ssyncset.done $0x0  }
0x79: {  	[sflag:s20] =	ssyncadd.s32 $0xFFFFC000  }
0x7a: {  	[hbm4b:s12+s3] =	stream.linear.scatter [tilespmem:s19], [sflag:$0x5], $0x4000, $0x38;
	[tilespmem:$0x6880] =	vst v63  }
0x7b: {  	_ =	swait.ge [sflag:s20], $0x4000  }
0x7c: {  	[sflag:s20] =	ssyncset.done $0x0  }
0x7d: {  	[sflag:s20] =	ssyncadd.s32 $0xFFFFC000  }
0x7e: {  	[tilespmem:s19], [sflag:$0x5] =	stream.linear.gather [spmem:s6], $0x4000, $0x38;
	[tilespmem:$0x6880] =	vst v63  }
0x7f: {  	_ =	swait.ge [sflag:s20], $0x4000  }
0x80: {  	[sflag:s20] =	ssyncset.done $0x0  }
0x81: {  	[sflag:s20] =	ssyncadd.s32 $0xFFFFC000  }
0x82: {  	[hbm4b:s13+s3] =	stream.linear.scatter [tilespmem:s19], [sflag:$0x5], $0x4000, $0x38;
	[tilespmem:$0x6880] =	vst v63  }
0x83: {  	_ =	swait.ge [sflag:s20], $0x4000  }
0x84: {  	[sflag:s20] =	ssyncset.done $0x0  }
0x85: {  	[sflag:s20] =	ssyncadd.s32 $0xFFFFC000  }
0x86: {  	[tilespmem:s19], [sflag:$0x5] =	stream.linear.gather [spmem:s7], $0x4000, $0x38;
	[tilespmem:$0x6880] =	vst v63  }
0x87: {  	_ =	swait.ge [sflag:s20], $0x4000  }
0x88: {  	[sflag:s20] =	ssyncset.done $0x0  }
0x89: {  	[sflag:s20] =	ssyncadd.s32 $0xFFFFC000  }
0x8a: {  	[hbm4b:s14+s3] =	stream.linear.scatter [tilespmem:s19], [sflag:$0x5], $0x4000, $0x38;
	[tilespmem:$0x6880] =	vst v63  }
0x8b: {  	_ =	swait.ge [sflag:s20], $0x4000  }
0x8c: {  	[sflag:s20] =	ssyncset.done $0x0  }
0x8d: {  	[sflag:s20] =	ssyncadd.s32 $0xFFFFC000  }
0x8e: {  	[tilespmem:s19], [sflag:$0x5] =	stream.linear.gather [spmem:s9], $0x3C00, $0x38;
	[tilespmem:$0x6880] =	vst v63  }
0x8f: {  	s26 =	sadd.s32 $0x1, s26;
	_ =	swait.ge [sflag:s20], $0x3C00  }
0x90: {  	p0 =	sne.s32 s26, s16;
	[sflag:s20] =	ssyncset.done $0x0  }
.Ltmp3:
0x91: {  	[sflag:s20] =	ssyncadd.s32 $0xFFFFC400;
	(pc) =	sbr.rel @p0 .LBB2_1-.Ltmp3, $4  }
0x92: {  	[hbm4b:s15+s3] =	stream.linear.scatter [tilespmem:s19], [sflag:$0x5], $0x3C00, $0x38;
	[tilespmem:$0x6880] =	vst v63  }
0x93: {  	_ =	swait.ge [sflag:s20], $0x3C00  }
0x94: {  	[sflag:s20] =	ssyncset.done $0x0  }
0x95: {  	[sflag:s20] =	ssyncadd.s32 $0xFFFFC400  }
0x96: {  	_ =	sfence.sel $0x180000  }
0x97: {  	[bflag:$0x0] =	sbarrier.arrive $0xFFFF  }
0x98: {  	p0 =	sne.s32 s2, $0x0;
	_ =	strace $0x90000047  }
0x99: {  	s0 =	sadd.s32 @!p0 $0x100000, s0;
	[bflag:$0x2] =	sbarrier.arrive $0xFFFF  }
0x9a: {  	[sflag:s0] =	ssyncadd.tile.s32 @!p0 $0x1;
	_ =	shalt  }
.Lfunc_end2:
_tile_overlayer_lowered:
.L_overlay_start_2:
0x9b: {  	(tag) =	ssettag $0x2  }
0x9c: {  	s0 =	rddreg [dreg:$0x0];
	s2 =	stileid.u32  }
0x9d: {  	s1 =	rddreg [dreg:$0x1];
	p0 =	sne.s32 s2, $0x0  }
0x9e: {  	s3 =	rddreg [dreg:$0x2];
	[bflag:$0x3] =	sbarrier.arrive $0xFFFF;
	s2 =	simm.s32 @!p0 $0x1C05  }
0x9f: {  	[timem:s3], [sflag:s2] =	dma.local @!p0 [hbm:s0], s1  }
0xa0: {  	s0 =	simm.s32 @!p0 $0x5  }
0xa1: {  	_ =	swait.ge @!p0 [sflag:s0], s1  }
0xa2: {  	s1 =	ssub.s32 @!p0 $0x0, s1;
	[sflag:s0] =	ssyncset.done @!p0 $0x0  }
0xa3: {  	[sflag:s0] =	ssyncadd.s32 @!p0 s1  }
0xa4: {  	[bflag:$0x3] =	sbarrier.arrive $0xFFFF  }
0xa5: {  	_ =	shalt  }

</sc_bundles>
